<compile_context>
chip_gen: v7x
topology: tpu7x:2x2x1
jax: 0.10.2.dev20260603
libtpu: 0.0.44.dev20260713+nightly
codegen_flags: <defaults>
</compile_context>

<pallas_src>
import functools

import jax
import jax.numpy as jnp
from jax import lax
from jax.experimental import pallas as pl
from jax.experimental.pallas import tpu as pltpu
from jax.experimental.pallas import tpu_sc as plsc

N_NOTES = 1000
N_RATERS = 1000
NDIM = 64
BATCH = 16384

NC = 2
NS = 16
NW = NC * NS
BPW = BATCH // NW
JCH = 8
CH = BPW // JCH
GRP = 16
NGRP = BPW // GRP
SCALE = 1.0 / (NDIM ** 0.5)

_mesh = plsc.VectorSubcoreMesh(core_axis_name="c", subcore_axis_name="s")


@functools.partial(
    pl.kernel,
    out_type=jax.ShapeDtypeStruct((BATCH,), jnp.float32),
    mesh=_mesh,
    compiler_params=pltpu.CompilerParams(
        needs_layout_passes=False, use_tc_tiling_on_sc=False,
        disable_bounds_checks=True, disable_semaphore_checks=True,
        skip_device_barrier=True),
    scratch_types=[
        pltpu.VMEM((JCH, CH), jnp.int32),
        pltpu.VMEM((JCH, CH), jnp.int32),
        pltpu.VMEM((BPW, NDIM // 2), jnp.int32),
        pltpu.VMEM((BPW, NDIM // 2), jnp.int32),
        pltpu.VMEM((N_NOTES,), jnp.float32),
        pltpu.VMEM((N_RATERS,), jnp.float32),
        pltpu.VMEM((N_RATERS,), jnp.float32),
        pltpu.VMEM((BPW,), jnp.float32),
        pltpu.SemaphoreType.DMA,
        pltpu.SemaphoreType.DMA,
    ] + [pltpu.SemaphoreType.DMA] * JCH,
)
def _mf_kernel(notes_h, raters_h, nemb_h, remb_h, nb_h, rb_h, rr_h,
               out_h, idx_n, idx_r, nrows, rrows, nb_v, rb_v, rr_v,
               out_v, sem_i, sem_b, *csems):
    wid = lax.axis_index("s") * NC + lax.axis_index("c")
    base = wid * BPW
    h_i = []
    for j in range(JCH):
        h_i.append(pltpu.async_copy(notes_h.at[wid, j], idx_n.at[j], sem_i))
        h_i.append(pltpu.async_copy(raters_h.at[wid, j], idx_r.at[j], sem_i))
    h_b = [pltpu.async_copy(nb_h, nb_v, sem_b),
           pltpu.async_copy(rb_h, rb_v, sem_b),
           pltpu.async_copy(rr_h, rr_v, sem_b)]

    for j in range(JCH):
        h_i[2 * j].wait()
        h_i[2 * j + 1].wait()
        pltpu.async_copy(nemb_h.at[idx_n.at[j]],
                         nrows.at[pl.ds(j * CH, CH)], csems[j])
        pltpu.async_copy(remb_h.at[idx_r.at[j]],
                         rrows.at[pl.ds(j * CH, CH)], csems[j])
    for h in h_b:
        h.wait()

    lane = lax.iota(jnp.int32, 16)

    def group(g, _):
        for j in range(JCH):
            @pl.when(g == j * (NGRP // JCH))
            def _(j=j):
                pltpu.make_async_copy(
                    nemb_h.at[idx_n.at[j]],
                    nrows.at[pl.ds(j * CH, CH)], csems[j]).wait()
                pltpu.make_async_copy(
                    remb_h.at[idx_r.at[j]],
                    rrows.at[pl.ds(j * CH, CH)], csems[j]).wait()

        jj = g // (NGRP // JCH)
        qq = g % (NGRP // JCH)
        row0 = g * GRP
        nvec = idx_n[jj, pl.ds(qq * GRP, GRP)]
        rvec = idx_r[jj, pl.ds(qq * GRP, GRP)]
        vs = []
        for r in range(GRP):
            row = row0 + r
            ps = []
            for k in range(NDIM // 32):
                nw = plsc.bitcast(nrows[row, pl.ds(k * 16, 16)], jnp.bfloat16)
                rw = plsc.bitcast(rrows[row, pl.ds(k * 16, 16)], jnp.bfloat16)
                nlo, nhi = plsc.unpack(nw, format=plsc.PackFormat.INTERLEAVED)
                rlo, rhi = plsc.unpack(rw, format=plsc.PackFormat.INTERLEAVED)
                ps.append(nlo * rlo + nhi * rhi)
            vs.append(ps[0] + ps[1])
        for s in (1, 2, 4, 8):
            nxt = []
            for i in range(len(vs) // 2):
                a, b = vs[2 * i], vs[2 * i + 1]
                pidx = lane ^ s
                nxt.append(jnp.where((lane & s) == 0, a + a[pidx], b + b[pidx]))
            vs = nxt
        acc = vs[0]
        nb = plsc.load_gather(nb_v, [nvec])
        rb = plsc.load_gather(rb_v, [rvec])
        rr = plsc.load_gather(rr_v, [rvec])
        pred = acc + nb * rr + rb
        out_v[pl.ds(row0, GRP)] = pred
        return 0

    lax.fori_loop(0, NGRP, group, 0)

    pltpu.sync_copy(out_v, out_h.at[pl.ds(base, BPW)])


def _pack_bf16(tab, scale=1.0):
    b = (tab * scale).astype(jnp.bfloat16).reshape(tab.shape[0], NDIM // 2, 2)
    return lax.bitcast_convert_type(b, jnp.int32)


def kernel(notes, raters, noteEmb, raterEmb, noteBias, raterBias, raterRep,
           globalBias):
    notes_r = notes.astype(jnp.int32).reshape(NW, JCH, CH)
    raters_r = raters.astype(jnp.int32).reshape(NW, JCH, CH)
    nb = noteBias.reshape(N_NOTES)
    rb = raterBias.reshape(N_RATERS) + globalBias.astype(jnp.float32)
    rr = raterRep.reshape(N_RATERS)
    out = _mf_kernel(notes_r, raters_r, _pack_bf16(noteEmb, SCALE),
                     _pack_bf16(raterEmb), nb, rb, rr)
    return out.reshape(BATCH, 1)

# --- scband reference (transcript-rebuilt; emitter-appended) ---
"""Pipeline reference for scband-reputation-mfmodel-12799002542271 (READ-ONLY COPY).

The authoritative reference and input builder live on the scoring server;
editing this copy changes nothing except your own understanding.
"""

import jax, jax.numpy as jnp
import numpy as np

N_NOTES = 1000
N_RATERS = 1000
NDIM = 64
BATCH = 16384

def setup_inputs(seed: int = 0):
    key = jax.random.key(seed)
    ks = jax.random.split(key, 8)
    return {
        "notes": jax.random.randint(ks[0], (BATCH,), 0, N_NOTES),
        "raters": jax.random.randint(ks[1], (BATCH,), 0, N_RATERS),
        "noteEmb": jax.random.normal(ks[2], (N_NOTES, NDIM), dtype=jnp.float32) * 0.1,
        "raterEmb": jax.random.normal(ks[3], (N_RATERS, NDIM), dtype=jnp.float32) * 0.1,
        "noteBias": jax.random.normal(ks[4], (N_NOTES, 1), dtype=jnp.float32) * 0.1,
        "raterBias": jax.random.normal(ks[5], (N_RATERS, 1), dtype=jnp.float32) * 0.1,
        "raterRep": jnp.ones((N_RATERS, 1), dtype=jnp.float32),
        "globalBias": jnp.zeros((), dtype=jnp.float32),
    }

def reference(notes, raters, noteEmb, raterEmb, noteBias, raterBias, raterRep, globalBias):
    # pred = (noteEmbedding(notes) * raterEmbedding(raters)).sum(1, keepdim) / sqrt(nDim)
    pred = (jnp.take(noteEmb, notes, axis=0) * jnp.take(raterEmb, raters, axis=0)).sum(axis=1, keepdims=True) / np.sqrt(NDIM)
    # pred += noteBias(notes) * raterReputation(raters)
    pred = pred + jnp.take(noteBias, notes, axis=0) * jnp.take(raterRep, raters, axis=0)
    # pred += raterBias(raters) + globalBias; activation_fn = Identity
    pred = pred + jnp.take(raterBias, raters, axis=0) + globalBias
    return pred

if __name__ == "__main__":
    import jax
    _d = setup_inputs()
    print(jax.jit(kernel)(*tuple(_d.values())))

</pallas_src>

<mosaic_0001>
#map = affine_map<(d0, d1) -> (0, 0, 0)>
#map1 = affine_map<(d0, d1) -> (0, 0)>
#map2 = affine_map<(d0, d1) -> (0)>
module attributes {stable_mosaic.version = 14 : i64} {
  func.func @_mf_kernel(%arg0: i32, %arg1: i32, %arg2: memref<32x8x64xi32, #tpu.memory_space<hbm>>, %arg3: memref<32x8x64xi32, #tpu.memory_space<hbm>>, %arg4: memref<1000x32xi32, #tpu.memory_space<hbm>>, %arg5: memref<1000x32xi32, #tpu.memory_space<hbm>>, %arg6: memref<1000xf32, #tpu.memory_space<hbm>>, %arg7: memref<1000xf32, #tpu.memory_space<hbm>>, %arg8: memref<1000xf32, #tpu.memory_space<hbm>>, %arg9: memref<16384xf32, #tpu.memory_space<hbm>>, %arg10: memref<8x64xi32, #tpu.memory_space<vmem>>, %arg11: memref<8x64xi32, #tpu.memory_space<vmem>>, %arg12: memref<512x32xi32, #tpu.memory_space<vmem>>, %arg13: memref<512x32xi32, #tpu.memory_space<vmem>>, %arg14: memref<1000xf32, #tpu.memory_space<vmem>>, %arg15: memref<1000xf32, #tpu.memory_space<vmem>>, %arg16: memref<1000xf32, #tpu.memory_space<vmem>>, %arg17: memref<512xf32, #tpu.memory_space<vmem>>, %arg18: memref<!tpu.dma_semaphore, #tpu.memory_space<semaphore_mem>>, %arg19: memref<!tpu.dma_semaphore, #tpu.memory_space<semaphore_mem>>, %arg20: memref<!tpu.dma_semaphore, #tpu.memory_space<semaphore_mem>>, %arg21: memref<!tpu.dma_semaphore, #tpu.memory_space<semaphore_mem>>, %arg22: memref<!tpu.dma_semaphore, #tpu.memory_space<semaphore_mem>>, %arg23: memref<!tpu.dma_semaphore, #tpu.memory_space<semaphore_mem>>, %arg24: memref<!tpu.dma_semaphore, #tpu.memory_space<semaphore_mem>>, %arg25: memref<!tpu.dma_semaphore, #tpu.memory_space<semaphore_mem>>, %arg26: memref<!tpu.dma_semaphore, #tpu.memory_space<semaphore_mem>>, %arg27: memref<!tpu.dma_semaphore, #tpu.memory_space<semaphore_mem>>) attributes {dimension_semantics = [#tpu.dimension_semantics<core_parallel>, #tpu.dimension_semantics<subcore_parallel>], iteration_bounds = array<i64: 2, 16>, scalar_prefetch = 0 : i64, scratch_operands = 18 : i64, tpu.core_type = #tpu.core_type<sc_vector_subcore>, window_params = [{transform_indices = #map}, {transform_indices = #map}, {transform_indices = #map1}, {transform_indices = #map1}, {transform_indices = #map2}, {transform_indices = #map2}, {transform_indices = #map2}, {transform_indices = #map2}]} {
    %mul3A = arith.constant 2 : i32
    %mul3A_0 = arith.muli %arg1, %mul3A : i32
    %add3A = arith.addi %mul3A_0, %arg0 : i32
    %mul3A_1 = arith.constant 512 : i32
    %mul3A_2 = arith.muli %add3A, %mul3A_1 : i32
    %dma_start3A = arith.constant 0 : i32
    %dma_start3A_3 = arith.constant 0 : i32
    %dma_start3A_4 = arith.constant 0 : i32
    %dma_start3A_5 = tpu.memref_slice %arg10[%dma_start3A_3, %dma_start3A_4] : memref<8x64xi32, #tpu.memory_space<vmem>> -> memref<1x64xi32, #tpu.memory_space<vmem>>
    %dma_start3A_6 = tpu.memref_squeeze %dma_start3A_5 : memref<1x64xi32, #tpu.memory_space<vmem>> -> memref<64xi32, #tpu.memory_space<vmem>>
    %dma_start3A_7 = arith.constant 0 : i32
    %dma_start3A_8 = tpu.memref_slice %arg2[%add3A, %dma_start3A, %dma_start3A_7] : memref<32x8x64xi32, #tpu.memory_space<hbm>> -> memref<1x1x64xi32, #tpu.memory_space<hbm>>
    %dma_start3A_9 = tpu.memref_squeeze %dma_start3A_8 : memref<1x1x64xi32, #tpu.memory_space<hbm>> -> memref<64xi32, #tpu.memory_space<hbm>>
    %dma_start3A_10 = arith.constant 0 : i32
    %dma_start3A_11 = tpu.memref_slice %arg10[%dma_start3A_3, %dma_start3A_10] : memref<8x64xi32, #tpu.memory_space<vmem>> -> memref<1x64xi32, #tpu.memory_space<vmem>>
    %dma_start3A_12 = tpu.memref_squeeze %dma_start3A_11 : memref<1x64xi32, #tpu.memory_space<vmem>> -> memref<64xi32, #tpu.memory_space<vmem>>
    %dma_start3A_13 = arith.constant 0 : i32
    %dma_start3A_14 = tpu.memref_slice %arg2[%add3A, %dma_start3A, %dma_start3A_13] : memref<32x8x64xi32, #tpu.memory_space<hbm>> -> memref<1x1x64xi32, #tpu.memory_space<hbm>>
    %dma_start3A_15 = tpu.memref_squeeze %dma_start3A_14 : memref<1x1x64xi32, #tpu.memory_space<hbm>> -> memref<64xi32, #tpu.memory_space<hbm>>
    tpu.enqueue_dma source(%dma_start3A_15 : memref<64xi32, #tpu.memory_space<hbm>>) target(%dma_start3A_12 : memref<64xi32, #tpu.memory_space<vmem>>) target_semaphore(%arg18 : memref<!tpu.dma_semaphore, #tpu.memory_space<semaphore_mem>>)
    %dma_start3A_16 = arith.constant 0 : i32
    %dma_start3A_17 = arith.constant 0 : i32
    %dma_start3A_18 = arith.constant 0 : i32
    %dma_start3A_19 = tpu.memref_slice %arg11[%dma_start3A_17, %dma_start3A_18] : memref<8x64xi32, #tpu.memory_space<vmem>> -> memref<1x64xi32, #tpu.memory_space<vmem>>
    %dma_start3A_20 = tpu.memref_squeeze %dma_start3A_19 : memref<1x64xi32, #tpu.memory_space<vmem>> -> memref<64xi32, #tpu.memory_space<vmem>>
    %dma_start3A_21 = arith.constant 0 : i32
    %dma_start3A_22 = tpu.memref_slice %arg3[%add3A, %dma_start3A_16, %dma_start3A_21] : memref<32x8x64xi32, #tpu.memory_space<hbm>> -> memref<1x1x64xi32, #tpu.memory_space<hbm>>
    %dma_start3A_23 = tpu.memref_squeeze %dma_start3A_22 : memref<1x1x64xi32, #tpu.memory_space<hbm>> -> memref<64xi32, #tpu.memory_space<hbm>>
    %dma_start3A_24 = arith.constant 0 : i32
    %dma_start3A_25 = tpu.memref_slice %arg11[%dma_start3A_17, %dma_start3A_24] : memref<8x64xi32, #tpu.memory_space<vmem>> -> memref<1x64xi32, #tpu.memory_space<vmem>>
    %dma_start3A_26 = tpu.memref_squeeze %dma_start3A_25 : memref<1x64xi32, #tpu.memory_space<vmem>> -> memref<64xi32, #tpu.memory_space<vmem>>
    %dma_start3A_27 = arith.constant 0 : i32
    %dma_start3A_28 = tpu.memref_slice %arg3[%add3A, %dma_start3A_16, %dma_start3A_27] : memref<32x8x64xi32, #tpu.memory_space<hbm>> -> memref<1x1x64xi32, #tpu.memory_space<hbm>>
    %dma_start3A_29 = tpu.memref_squeeze %dma_start3A_28 : memref<1x1x64xi32, #tpu.memory_space<hbm>> -> memref<64xi32, #tpu.memory_space<hbm>>
    tpu.enqueue_dma source(%dma_start3A_29 : memref<64xi32, #tpu.memory_space<hbm>>) target(%dma_start3A_26 : memref<64xi32, #tpu.memory_space<vmem>>) target_semaphore(%arg18 : memref<!tpu.dma_semaphore, #tpu.memory_space<semaphore_mem>>)
    %dma_start3A_30 = arith.constant 1 : i32
    %dma_start3A_31 = arith.constant 1 : i32
    %dma_start3A_32 = arith.constant 0 : i32
    %dma_start3A_33 = tpu.memref_slice %arg10[%dma_start3A_31, %dma_start3A_32] : memref<8x64xi32, #tpu.memory_space<vmem>> -> memref<1x64xi32, #tpu.memory_space<vmem>>
    %dma_start3A_34 = tpu.memref_squeeze %dma_start3A_33 : memref<1x64xi32, #tpu.memory_space<vmem>> -> memref<64xi32, #tpu.memory_space<vmem>>
    %dma_start3A_35 = arith.constant 0 : i32
    %dma_start3A_36 = tpu.memref_slice %arg2[%add3A, %dma_start3A_30, %dma_start3A_35] : memref<32x8x64xi32, #tpu.memory_space<hbm>> -> memref<1x1x64xi32, #tpu.memory_space<hbm>>
    %dma_start3A_37 = tpu.memref_squeeze %dma_start3A_36 : memref<1x1x64xi32, #tpu.memory_space<hbm>> -> memref<64xi32, #tpu.memory_space<hbm>>
    %dma_start3A_38 = arith.constant 0 : i32
    %dma_start3A_39 = tpu.memref_slice %arg10[%dma_start3A_31, %dma_start3A_38] : memref<8x64xi32, #tpu.memory_space<vmem>> -> memref<1x64xi32, #tpu.memory_space<vmem>>
    %dma_start3A_40 = tpu.memref_squeeze %dma_start3A_39 : memref<1x64xi32, #tpu.memory_space<vmem>> -> memref<64xi32, #tpu.memory_space<vmem>>
    %dma_start3A_41 = arith.constant 0 : i32
    %dma_start3A_42 = tpu.memref_slice %arg2[%add3A, %dma_start3A_30, %dma_start3A_41] : memref<32x8x64xi32, #tpu.memory_space<hbm>> -> memref<1x1x64xi32, #tpu.memory_space<hbm>>
    %dma_start3A_43 = tpu.memref_squeeze %dma_start3A_42 : memref<1x1x64xi32, #tpu.memory_space<hbm>> -> memref<64xi32, #tpu.memory_space<hbm>>
    tpu.enqueue_dma source(%dma_start3A_43 : memref<64xi32, #tpu.memory_space<hbm>>) target(%dma_start3A_40 : memref<64xi32, #tpu.memory_space<vmem>>) target_semaphore(%arg18 : memref<!tpu.dma_semaphore, #tpu.memory_space<semaphore_mem>>)
    %dma_start3A_44 = arith.constant 1 : i32
    %dma_start3A_45 = arith.constant 1 : i32
    %dma_start3A_46 = arith.constant 0 : i32
    %dma_start3A_47 = tpu.memref_slice %arg11[%dma_start3A_45, %dma_start3A_46] : memref<8x64xi32, #tpu.memory_space<vmem>> -> memref<1x64xi32, #tpu.memory_space<vmem>>
    %dma_start3A_48 = tpu.memref_squeeze %dma_start3A_47 : memref<1x64xi32, #tpu.memory_space<vmem>> -> memref<64xi32, #tpu.memory_space<vmem>>
    %dma_start3A_49 = arith.constant 0 : i32
    %dma_start3A_50 = tpu.memref_slice %arg3[%add3A, %dma_start3A_44, %dma_start3A_49] : memref<32x8x64xi32, #tpu.memory_space<hbm>> -> memref<1x1x64xi32, #tpu.memory_space<hbm>>
    %dma_start3A_51 = tpu.memref_squeeze %dma_start3A_50 : memref<1x1x64xi32, #tpu.memory_space<hbm>> -> memref<64xi32, #tpu.memory_space<hbm>>
    %dma_start3A_52 = arith.constant 0 : i32
    %dma_start3A_53 = tpu.memref_slice %arg11[%dma_start3A_45, %dma_start3A_52] : memref<8x64xi32, #tpu.memory_space<vmem>> -> memref<1x64xi32, #tpu.memory_space<vmem>>
    %dma_start3A_54 = tpu.memref_squeeze %dma_start3A_53 : memref<1x64xi32, #tpu.memory_space<vmem>> -> memref<64xi32, #tpu.memory_space<vmem>>
    %dma_start3A_55 = arith.constant 0 : i32
    %dma_start3A_56 = tpu.memref_slice %arg3[%add3A, %dma_start3A_44, %dma_start3A_55] : memref<32x8x64xi32, #tpu.memory_space<hbm>> -> memref<1x1x64xi32, #tpu.memory_space<hbm>>
    %dma_start3A_57 = tpu.memref_squeeze %dma_start3A_56 : memref<1x1x64xi32, #tpu.memory_space<hbm>> -> memref<64xi32, #tpu.memory_space<hbm>>
    tpu.enqueue_dma source(%dma_start3A_57 : memref<64xi32, #tpu.memory_space<hbm>>) target(%dma_start3A_54 : memref<64xi32, #tpu.memory_space<vmem>>) target_semaphore(%arg18 : memref<!tpu.dma_semaphore, #tpu.memory_space<semaphore_mem>>)
    %dma_start3A_58 = arith.constant 2 : i32
    %dma_start3A_59 = arith.constant 2 : i32
    %dma_start3A_60 = arith.constant 0 : i32
    %dma_start3A_61 = tpu.memref_slice %arg10[%dma_start3A_59, %dma_start3A_60] : memref<8x64xi32, #tpu.memory_space<vmem>> -> memref<1x64xi32, #tpu.memory_space<vmem>>
    %dma_start3A_62 = tpu.memref_squeeze %dma_start3A_61 : memref<1x64xi32, #tpu.memory_space<vmem>> -> memref<64xi32, #tpu.memory_space<vmem>>
    %dma_start3A_63 = arith.constant 0 : i32
    %dma_start3A_64 = tpu.memref_slice %arg2[%add3A, %dma_start3A_58, %dma_start3A_63] : memref<32x8x64xi32, #tpu.memory_space<hbm>> -> memref<1x1x64xi32, #tpu.memory_space<hbm>>
    %dma_start3A_65 = tpu.memref_squeeze %dma_start3A_64 : memref<1x1x64xi32, #tpu.memory_space<hbm>> -> memref<64xi32, #tpu.memory_space<hbm>>
    %dma_start3A_66 = arith.constant 0 : i32
    %dma_start3A_67 = tpu.memref_slice %arg10[%dma_start3A_59, %dma_start3A_66] : memref<8x64xi32, #tpu.memory_space<vmem>> -> memref<1x64xi32, #tpu.memory_space<vmem>>
    %dma_start3A_68 = tpu.memref_squeeze %dma_start3A_67 : memref<1x64xi32, #tpu.memory_space<vmem>> -> memref<64xi32, #tpu.memory_space<vmem>>
    %dma_start3A_69 = arith.constant 0 : i32
    %dma_start3A_70 = tpu.memref_slice %arg2[%add3A, %dma_start3A_58, %dma_start3A_69] : memref<32x8x64xi32, #tpu.memory_space<hbm>> -> memref<1x1x64xi32, #tpu.memory_space<hbm>>
    %dma_start3A_71 = tpu.memref_squeeze %dma_start3A_70 : memref<1x1x64xi32, #tpu.memory_space<hbm>> -> memref<64xi32, #tpu.memory_space<hbm>>
    tpu.enqueue_dma source(%dma_start3A_71 : memref<64xi32, #tpu.memory_space<hbm>>) target(%dma_start3A_68 : memref<64xi32, #tpu.memory_space<vmem>>) target_semaphore(%arg18 : memref<!tpu.dma_semaphore, #tpu.memory_space<semaphore_mem>>)
    %dma_start3A_72 = arith.constant 2 : i32
    %dma_start3A_73 = arith.constant 2 : i32
    %dma_start3A_74 = arith.constant 0 : i32
    %dma_start3A_75 = tpu.memref_slice %arg11[%dma_start3A_73, %dma_start3A_74] : memref<8x64xi32, #tpu.memory_space<vmem>> -> memref<1x64xi32, #tpu.memory_space<vmem>>
    %dma_start3A_76 = tpu.memref_squeeze %dma_start3A_75 : memref<1x64xi32, #tpu.memory_space<vmem>> -> memref<64xi32, #tpu.memory_space<vmem>>
    %dma_start3A_77 = arith.constant 0 : i32
    %dma_start3A_78 = tpu.memref_slice %arg3[%add3A, %dma_start3A_72, %dma_start3A_77] : memref<32x8x64xi32, #tpu.memory_space<hbm>> -> memref<1x1x64xi32, #tpu.memory_space<hbm>>
    %dma_start3A_79 = tpu.memref_squeeze %dma_start3A_78 : memref<1x1x64xi32, #tpu.memory_space<hbm>> -> memref<64xi32, #tpu.memory_space<hbm>>
    %dma_start3A_80 = arith.constant 0 : i32
    %dma_start3A_81 = tpu.memref_slice %arg11[%dma_start3A_73, %dma_start3A_80] : memref<8x64xi32, #tpu.memory_space<vmem>> -> memref<1x64xi32, #tpu.memory_space<vmem>>
    %dma_start3A_82 = tpu.memref_squeeze %dma_start3A_81 : memref<1x64xi32, #tpu.memory_space<vmem>> -> memref<64xi32, #tpu.memory_space<vmem>>
    %dma_start3A_83 = arith.constant 0 : i32
    %dma_start3A_84 = tpu.memref_slice %arg3[%add3A, %dma_start3A_72, %dma_start3A_83] : memref<32x8x64xi32, #tpu.memory_space<hbm>> -> memref<1x1x64xi32, #tpu.memory_space<hbm>>
    %dma_start3A_85 = tpu.memref_squeeze %dma_start3A_84 : memref<1x1x64xi32, #tpu.memory_space<hbm>> -> memref<64xi32, #tpu.memory_space<hbm>>
    tpu.enqueue_dma source(%dma_start3A_85 : memref<64xi32, #tpu.memory_space<hbm>>) target(%dma_start3A_82 : memref<64xi32, #tpu.memory_space<vmem>>) target_semaphore(%arg18 : memref<!tpu.dma_semaphore, #tpu.memory_space<semaphore_mem>>)
    %dma_start3A_86 = arith.constant 3 : i32
    %dma_start3A_87 = arith.constant 3 : i32
    %dma_start3A_88 = arith.constant 0 : i32
    %dma_start3A_89 = tpu.memref_slice %arg10[%dma_start3A_87, %dma_start3A_88] : memref<8x64xi32, #tpu.memory_space<vmem>> -> memref<1x64xi32, #tpu.memory_space<vmem>>
    %dma_start3A_90 = tpu.memref_squeeze %dma_start3A_89 : memref<1x64xi32, #tpu.memory_space<vmem>> -> memref<64xi32, #tpu.memory_space<vmem>>
    %dma_start3A_91 = arith.constant 0 : i32
    %dma_start3A_92 = tpu.memref_slice %arg2[%add3A, %dma_start3A_86, %dma_start3A_91] : memref<32x8x64xi32, #tpu.memory_space<hbm>> -> memref<1x1x64xi32, #tpu.memory_space<hbm>>
    %dma_start3A_93 = tpu.memref_squeeze %dma_start3A_92 : memref<1x1x64xi32, #tpu.memory_space<hbm>> -> memref<64xi32, #tpu.memory_space<hbm>>
    %dma_start3A_94 = arith.constant 0 : i32
    %dma_start3A_95 = tpu.memref_slice %arg10[%dma_start3A_87, %dma_start3A_94] : memref<8x64xi32, #tpu.memory_space<vmem>> -> memref<1x64xi32, #tpu.memory_space<vmem>>
    %dma_start3A_96 = tpu.memref_squeeze %dma_start3A_95 : memref<1x64xi32, #tpu.memory_space<vmem>> -> memref<64xi32, #tpu.memory_space<vmem>>
    %dma_start3A_97 = arith.constant 0 : i32
    %dma_start3A_98 = tpu.memref_slice %arg2[%add3A, %dma_start3A_86, %dma_start3A_97] : memref<32x8x64xi32, #tpu.memory_space<hbm>> -> memref<1x1x64xi32, #tpu.memory_space<hbm>>
    %dma_start3A_99 = tpu.memref_squeeze %dma_start3A_98 : memref<1x1x64xi32, #tpu.memory_space<hbm>> -> memref<64xi32, #tpu.memory_space<hbm>>
    tpu.enqueue_dma source(%dma_start3A_99 : memref<64xi32, #tpu.memory_space<hbm>>) target(%dma_start3A_96 : memref<64xi32, #tpu.memory_space<vmem>>) target_semaphore(%arg18 : memref<!tpu.dma_semaphore, #tpu.memory_space<semaphore_mem>>)
    %dma_start3A_100 = arith.constant 3 : i32
    %dma_start3A_101 = arith.constant 3 : i32
    %dma_start3A_102 = arith.constant 0 : i32
    %dma_start3A_103 = tpu.memref_slice %arg11[%dma_start3A_101, %dma_start3A_102] : memref<8x64xi32, #tpu.memory_space<vmem>> -> memref<1x64xi32, #tpu.memory_space<vmem>>
    %dma_start3A_104 = tpu.memref_squeeze %dma_start3A_103 : memref<1x64xi32, #tpu.memory_space<vmem>> -> memref<64xi32, #tpu.memory_space<vmem>>
    %dma_start3A_105 = arith.constant 0 : i32
    %dma_start3A_106 = tpu.memref_slice %arg3[%add3A, %dma_start3A_100, %dma_start3A_105] : memref<32x8x64xi32, #tpu.memory_space<hbm>> -> memref<1x1x64xi32, #tpu.memory_space<hbm>>
    %dma_start3A_107 = tpu.memref_squeeze %dma_start3A_106 : memref<1x1x64xi32, #tpu.memory_space<hbm>> -> memref<64xi32, #tpu.memory_space<hbm>>
    %dma_start3A_108 = arith.constant 0 : i32
    %dma_start3A_109 = tpu.memref_slice %arg11[%dma_start3A_101, %dma_start3A_108] : memref<8x64xi32, #tpu.memory_space<vmem>> -> memref<1x64xi32, #tpu.memory_space<vmem>>
    %dma_start3A_110 = tpu.memref_squeeze %dma_start3A_109 : memref<1x64xi32, #tpu.memory_space<vmem>> -> memref<64xi32, #tpu.memory_space<vmem>>
    %dma_start3A_111 = arith.constant 0 : i32
    %dma_start3A_112 = tpu.memref_slice %arg3[%add3A, %dma_start3A_100, %dma_start3A_111] : memref<32x8x64xi32, #tpu.memory_space<hbm>> -> memref<1x1x64xi32, #tpu.memory_space<hbm>>
    %dma_start3A_113 = tpu.memref_squeeze %dma_start3A_112 : memref<1x1x64xi32, #tpu.memory_space<hbm>> -> memref<64xi32, #tpu.memory_space<hbm>>
    tpu.enqueue_dma source(%dma_start3A_113 : memref<64xi32, #tpu.memory_space<hbm>>) target(%dma_start3A_110 : memref<64xi32, #tpu.memory_space<vmem>>) target_semaphore(%arg18 : memref<!tpu.dma_semaphore, #tpu.memory_space<semaphore_mem>>)
    %dma_start3A_114 = arith.constant 4 : i32
    %dma_start3A_115 = arith.constant 4 : i32
    %dma_start3A_116 = arith.constant 0 : i32
    %dma_start3A_117 = tpu.memref_slice %arg10[%dma_start3A_115, %dma_start3A_116] : memref<8x64xi32, #tpu.memory_space<vmem>> -> memref<1x64xi32, #tpu.memory_space<vmem>>
    %dma_start3A_118 = tpu.memref_squeeze %dma_start3A_117 : memref<1x64xi32, #tpu.memory_space<vmem>> -> memref<64xi32, #tpu.memory_space<vmem>>
    %dma_start3A_119 = arith.constant 0 : i32
    %dma_start3A_120 = tpu.memref_slice %arg2[%add3A, %dma_start3A_114, %dma_start3A_119] : memref<32x8x64xi32, #tpu.memory_space<hbm>> -> memref<1x1x64xi32, #tpu.memory_space<hbm>>
    %dma_start3A_121 = tpu.memref_squeeze %dma_start3A_120 : memref<1x1x64xi32, #tpu.memory_space<hbm>> -> memref<64xi32, #tpu.memory_space<hbm>>
    %dma_start3A_122 = arith.constant 0 : i32
    %dma_start3A_123 = tpu.memref_slice %arg10[%dma_start3A_115, %dma_start3A_122] : memref<8x64xi32, #tpu.memory_space<vmem>> -> memref<1x64xi32, #tpu.memory_space<vmem>>
    %dma_start3A_124 = tpu.memref_squeeze %dma_start3A_123 : memref<1x64xi32, #tpu.memory_space<vmem>> -> memref<64xi32, #tpu.memory_space<vmem>>
    %dma_start3A_125 = arith.constant 0 : i32
    %dma_start3A_126 = tpu.memref_slice %arg2[%add3A, %dma_start3A_114, %dma_start3A_125] : memref<32x8x64xi32, #tpu.memory_space<hbm>> -> memref<1x1x64xi32, #tpu.memory_space<hbm>>
    %dma_start3A_127 = tpu.memref_squeeze %dma_start3A_126 : memref<1x1x64xi32, #tpu.memory_space<hbm>> -> memref<64xi32, #tpu.memory_space<hbm>>
    tpu.enqueue_dma source(%dma_start3A_127 : memref<64xi32, #tpu.memory_space<hbm>>) target(%dma_start3A_124 : memref<64xi32, #tpu.memory_space<vmem>>) target_semaphore(%arg18 : memref<!tpu.dma_semaphore, #tpu.memory_space<semaphore_mem>>)
    %dma_start3A_128 = arith.constant 4 : i32
    %dma_start3A_129 = arith.constant 4 : i32
    %dma_start3A_130 = arith.constant 0 : i32
    %dma_start3A_131 = tpu.memref_slice %arg11[%dma_start3A_129, %dma_start3A_130] : memref<8x64xi32, #tpu.memory_space<vmem>> -> memref<1x64xi32, #tpu.memory_space<vmem>>
    %dma_start3A_132 = tpu.memref_squeeze %dma_start3A_131 : memref<1x64xi32, #tpu.memory_space<vmem>> -> memref<64xi32, #tpu.memory_space<vmem>>
    %dma_start3A_133 = arith.constant 0 : i32
    %dma_start3A_134 = tpu.memref_slice %arg3[%add3A, %dma_start3A_128, %dma_start3A_133] : memref<32x8x64xi32, #tpu.memory_space<hbm>> -> memref<1x1x64xi32, #tpu.memory_space<hbm>>
    %dma_start3A_135 = tpu.memref_squeeze %dma_start3A_134 : memref<1x1x64xi32, #tpu.memory_space<hbm>> -> memref<64xi32, #tpu.memory_space<hbm>>
    %dma_start3A_136 = arith.constant 0 : i32
    %dma_start3A_137 = tpu.memref_slice %arg11[%dma_start3A_129, %dma_start3A_136] : memref<8x64xi32, #tpu.memory_space<vmem>> -> memref<1x64xi32, #tpu.memory_space<vmem>>
    %dma_start3A_138 = tpu.memref_squeeze %dma_start3A_137 : memref<1x64xi32, #tpu.memory_space<vmem>> -> memref<64xi32, #tpu.memory_space<vmem>>
    %dma_start3A_139 = arith.constant 0 : i32
    %dma_start3A_140 = tpu.memref_slice %arg3[%add3A, %dma_start3A_128, %dma_start3A_139] : memref<32x8x64xi32, #tpu.memory_space<hbm>> -> memref<1x1x64xi32, #tpu.memory_space<hbm>>
    %dma_start3A_141 = tpu.memref_squeeze %dma_start3A_140 : memref<1x1x64xi32, #tpu.memory_space<hbm>> -> memref<64xi32, #tpu.memory_space<hbm>>
    tpu.enqueue_dma source(%dma_start3A_141 : memref<64xi32, #tpu.memory_space<hbm>>) target(%dma_start3A_138 : memref<64xi32, #tpu.memory_space<vmem>>) target_semaphore(%arg18 : memref<!tpu.dma_semaphore, #tpu.memory_space<semaphore_mem>>)
    %dma_start3A_142 = arith.constant 5 : i32
    %dma_start3A_143 = arith.constant 5 : i32
    %dma_start3A_144 = arith.constant 0 : i32
    %dma_start3A_145 = tpu.memref_slice %arg10[%dma_start3A_143, %dma_start3A_144] : memref<8x64xi32, #tpu.memory_space<vmem>> -> memref<1x64xi32, #tpu.memory_space<vmem>>
    %dma_start3A_146 = tpu.memref_squeeze %dma_start3A_145 : memref<1x64xi32, #tpu.memory_space<vmem>> -> memref<64xi32, #tpu.memory_space<vmem>>
    %dma_start3A_147 = arith.constant 0 : i32
    %dma_start3A_148 = tpu.memref_slice %arg2[%add3A, %dma_start3A_142, %dma_start3A_147] : memref<32x8x64xi32, #tpu.memory_space<hbm>> -> memref<1x1x64xi32, #tpu.memory_space<hbm>>
    %dma_start3A_149 = tpu.memref_squeeze %dma_start3A_148 : memref<1x1x64xi32, #tpu.memory_space<hbm>> -> memref<64xi32, #tpu.memory_space<hbm>>
    %dma_start3A_150 = arith.constant 0 : i32
    %dma_start3A_151 = tpu.memref_slice %arg10[%dma_start3A_143, %dma_start3A_150] : memref<8x64xi32, #tpu.memory_space<vmem>> -> memref<1x64xi32, #tpu.memory_space<vmem>>
    %dma_start3A_152 = tpu.memref_squeeze %dma_start3A_151 : memref<1x64xi32, #tpu.memory_space<vmem>> -> memref<64xi32, #tpu.memory_space<vmem>>
    %dma_start3A_153 = arith.constant 0 : i32
    %dma_start3A_154 = tpu.memref_slice %arg2[%add3A, %dma_start3A_142, %dma_start3A_153] : memref<32x8x64xi32, #tpu.memory_space<hbm>> -> memref<1x1x64xi32, #tpu.memory_space<hbm>>
    %dma_start3A_155 = tpu.memref_squeeze %dma_start3A_154 : memref<1x1x64xi32, #tpu.memory_space<hbm>> -> memref<64xi32, #tpu.memory_space<hbm>>
    tpu.enqueue_dma source(%dma_start3A_155 : memref<64xi32, #tpu.memory_space<hbm>>) target(%dma_start3A_152 : memref<64xi32, #tpu.memory_space<vmem>>) target_semaphore(%arg18 : memref<!tpu.dma_semaphore, #tpu.memory_space<semaphore_mem>>)
    %dma_start3A_156 = arith.constant 5 : i32
    %dma_start3A_157 = arith.constant 5 : i32
    %dma_start3A_158 = arith.constant 0 : i32
    %dma_start3A_159 = tpu.memref_slice %arg11[%dma_start3A_157, %dma_start3A_158] : memref<8x64xi32, #tpu.memory_space<vmem>> -> memref<1x64xi32, #tpu.memory_space<vmem>>
    %dma_start3A_160 = tpu.memref_squeeze %dma_start3A_159 : memref<1x64xi32, #tpu.memory_space<vmem>> -> memref<64xi32, #tpu.memory_space<vmem>>
    %dma_start3A_161 = arith.constant 0 : i32
    %dma_start3A_162 = tpu.memref_slice %arg3[%add3A, %dma_start3A_156, %dma_start3A_161] : memref<32x8x64xi32, #tpu.memory_space<hbm>> -> memref<1x1x64xi32, #tpu.memory_space<hbm>>
    %dma_start3A_163 = tpu.memref_squeeze %dma_start3A_162 : memref<1x1x64xi32, #tpu.memory_space<hbm>> -> memref<64xi32, #tpu.memory_space<hbm>>
    %dma_start3A_164 = arith.constant 0 : i32
    %dma_start3A_165 = tpu.memref_slice %arg11[%dma_start3A_157, %dma_start3A_164] : memref<8x64xi32, #tpu.memory_space<vmem>> -> memref<1x64xi32, #tpu.memory_space<vmem>>
    %dma_start3A_166 = tpu.memref_squeeze %dma_start3A_165 : memref<1x64xi32, #tpu.memory_space<vmem>> -> memref<64xi32, #tpu.memory_space<vmem>>
    %dma_start3A_167 = arith.constant 0 : i32
    %dma_start3A_168 = tpu.memref_slice %arg3[%add3A, %dma_start3A_156, %dma_start3A_167] : memref<32x8x64xi32, #tpu.memory_space<hbm>> -> memref<1x1x64xi32, #tpu.memory_space<hbm>>
    %dma_start3A_169 = tpu.memref_squeeze %dma_start3A_168 : memref<1x1x64xi32, #tpu.memory_space<hbm>> -> memref<64xi32, #tpu.memory_space<hbm>>
    tpu.enqueue_dma source(%dma_start3A_169 : memref<64xi32, #tpu.memory_space<hbm>>) target(%dma_start3A_166 : memref<64xi32, #tpu.memory_space<vmem>>) target_semaphore(%arg18 : memref<!tpu.dma_semaphore, #tpu.memory_space<semaphore_mem>>)
    %dma_start3A_170 = arith.constant 6 : i32
    %dma_start3A_171 = arith.constant 6 : i32
    %dma_start3A_172 = arith.constant 0 : i32
    %dma_start3A_173 = tpu.memref_slice %arg10[%dma_start3A_171, %dma_start3A_172] : memref<8x64xi32, #tpu.memory_space<vmem>> -> memref<1x64xi32, #tpu.memory_space<vmem>>
    %dma_start3A_174 = tpu.memref_squeeze %dma_start3A_173 : memref<1x64xi32, #tpu.memory_space<vmem>> -> memref<64xi32, #tpu.memory_space<vmem>>
    %dma_start3A_175 = arith.constant 0 : i32
    %dma_start3A_176 = tpu.memref_slice %arg2[%add3A, %dma_start3A_170, %dma_start3A_175] : memref<32x8x64xi32, #tpu.memory_space<hbm>> -> memref<1x1x64xi32, #tpu.memory_space<hbm>>
    %dma_start3A_177 = tpu.memref_squeeze %dma_start3A_176 : memref<1x1x64xi32, #tpu.memory_space<hbm>> -> memref<64xi32, #tpu.memory_space<hbm>>
    %dma_start3A_178 = arith.constant 0 : i32
    %dma_start3A_179 = tpu.memref_slice %arg10[%dma_start3A_171, %dma_start3A_178] : memref<8x64xi32, #tpu.memory_space<vmem>> -> memref<1x64xi32, #tpu.memory_space<vmem>>
    %dma_start3A_180 = tpu.memref_squeeze %dma_start3A_179 : memref<1x64xi32, #tpu.memory_space<vmem>> -> memref<64xi32, #tpu.memory_space<vmem>>
    %dma_start3A_181 = arith.constant 0 : i32
    %dma_start3A_182 = tpu.memref_slice %arg2[%add3A, %dma_start3A_170, %dma_start3A_181] : memref<32x8x64xi32, #tpu.memory_space<hbm>> -> memref<1x1x64xi32, #tpu.memory_space<hbm>>
    %dma_start3A_183 = tpu.memref_squeeze %dma_start3A_182 : memref<1x1x64xi32, #tpu.memory_space<hbm>> -> memref<64xi32, #tpu.memory_space<hbm>>
    tpu.enqueue_dma source(%dma_start3A_183 : memref<64xi32, #tpu.memory_space<hbm>>) target(%dma_start3A_180 : memref<64xi32, #tpu.memory_space<vmem>>) target_semaphore(%arg18 : memref<!tpu.dma_semaphore, #tpu.memory_space<semaphore_mem>>)
    %dma_start3A_184 = arith.constant 6 : i32
    %dma_start3A_185 = arith.constant 6 : i32
    %dma_start3A_186 = arith.constant 0 : i32
    %dma_start3A_187 = tpu.memref_slice %arg11[%dma_start3A_185, %dma_start3A_186] : memref<8x64xi32, #tpu.memory_space<vmem>> -> memref<1x64xi32, #tpu.memory_space<vmem>>
    %dma_start3A_188 = tpu.memref_squeeze %dma_start3A_187 : memref<1x64xi32, #tpu.memory_space<vmem>> -> memref<64xi32, #tpu.memory_space<vmem>>
    %dma_start3A_189 = arith.constant 0 : i32
    %dma_start3A_190 = tpu.memref_slice %arg3[%add3A, %dma_start3A_184, %dma_start3A_189] : memref<32x8x64xi32, #tpu.memory_space<hbm>> -> memref<1x1x64xi32, #tpu.memory_space<hbm>>
    %dma_start3A_191 = tpu.memref_squeeze %dma_start3A_190 : memref<1x1x64xi32, #tpu.memory_space<hbm>> -> memref<64xi32, #tpu.memory_space<hbm>>
    %dma_start3A_192 = arith.constant 0 : i32
    %dma_start3A_193 = tpu.memref_slice %arg11[%dma_start3A_185, %dma_start3A_192] : memref<8x64xi32, #tpu.memory_space<vmem>> -> memref<1x64xi32, #tpu.memory_space<vmem>>
    %dma_start3A_194 = tpu.memref_squeeze %dma_start3A_193 : memref<1x64xi32, #tpu.memory_space<vmem>> -> memref<64xi32, #tpu.memory_space<vmem>>
    %dma_start3A_195 = arith.constant 0 : i32
    %dma_start3A_196 = tpu.memref_slice %arg3[%add3A, %dma_start3A_184, %dma_start3A_195] : memref<32x8x64xi32, #tpu.memory_space<hbm>> -> memref<1x1x64xi32, #tpu.memory_space<hbm>>
    %dma_start3A_197 = tpu.memref_squeeze %dma_start3A_196 : memref<1x1x64xi32, #tpu.memory_space<hbm>> -> memref<64xi32, #tpu.memory_space<hbm>>
    tpu.enqueue_dma source(%dma_start3A_197 : memref<64xi32, #tpu.memory_space<hbm>>) target(%dma_start3A_194 : memref<64xi32, #tpu.memory_space<vmem>>) target_semaphore(%arg18 : memref<!tpu.dma_semaphore, #tpu.memory_space<semaphore_mem>>)
    %dma_start3A_198 = arith.constant 7 : i32
    %dma_start3A_199 = arith.constant 7 : i32
    %dma_start3A_200 = arith.constant 0 : i32
    %dma_start3A_201 = tpu.memref_slice %arg10[%dma_start3A_199, %dma_start3A_200] : memref<8x64xi32, #tpu.memory_space<vmem>> -> memref<1x64xi32, #tpu.memory_space<vmem>>
    %dma_start3A_202 = tpu.memref_squeeze %dma_start3A_201 : memref<1x64xi32, #tpu.memory_space<vmem>> -> memref<64xi32, #tpu.memory_space<vmem>>
    %dma_start3A_203 = arith.constant 0 : i32
    %dma_start3A_204 = tpu.memref_slice %arg2[%add3A, %dma_start3A_198, %dma_start3A_203] : memref<32x8x64xi32, #tpu.memory_space<hbm>> -> memref<1x1x64xi32, #tpu.memory_space<hbm>>
    %dma_start3A_205 = tpu.memref_squeeze %dma_start3A_204 : memref<1x1x64xi32, #tpu.memory_space<hbm>> -> memref<64xi32, #tpu.memory_space<hbm>>
    %dma_start3A_206 = arith.constant 0 : i32
    %dma_start3A_207 = tpu.memref_slice %arg10[%dma_start3A_199, %dma_start3A_206] : memref<8x64xi32, #tpu.memory_space<vmem>> -> memref<1x64xi32, #tpu.memory_space<vmem>>
    %dma_start3A_208 = tpu.memref_squeeze %dma_start3A_207 : memref<1x64xi32, #tpu.memory_space<vmem>> -> memref<64xi32, #tpu.memory_space<vmem>>
    %dma_start3A_209 = arith.constant 0 : i32
    %dma_start3A_210 = tpu.memref_slice %arg2[%add3A, %dma_start3A_198, %dma_start3A_209] : memref<32x8x64xi32, #tpu.memory_space<hbm>> -> memref<1x1x64xi32, #tpu.memory_space<hbm>>
    %dma_start3A_211 = tpu.memref_squeeze %dma_start3A_210 : memref<1x1x64xi32, #tpu.memory_space<hbm>> -> memref<64xi32, #tpu.memory_space<hbm>>
    tpu.enqueue_dma source(%dma_start3A_211 : memref<64xi32, #tpu.memory_space<hbm>>) target(%dma_start3A_208 : memref<64xi32, #tpu.memory_space<vmem>>) target_semaphore(%arg18 : memref<!tpu.dma_semaphore, #tpu.memory_space<semaphore_mem>>)
    %dma_start3A_212 = arith.constant 7 : i32
    %dma_start3A_213 = arith.constant 7 : i32
    %dma_start3A_214 = arith.constant 0 : i32
    %dma_start3A_215 = tpu.memref_slice %arg11[%dma_start3A_213, %dma_start3A_214] : memref<8x64xi32, #tpu.memory_space<vmem>> -> memref<1x64xi32, #tpu.memory_space<vmem>>
    %dma_start3A_216 = tpu.memref_squeeze %dma_start3A_215 : memref<1x64xi32, #tpu.memory_space<vmem>> -> memref<64xi32, #tpu.memory_space<vmem>>
    %dma_start3A_217 = arith.constant 0 : i32
    %dma_start3A_218 = tpu.memref_slice %arg3[%add3A, %dma_start3A_212, %dma_start3A_217] : memref<32x8x64xi32, #tpu.memory_space<hbm>> -> memref<1x1x64xi32, #tpu.memory_space<hbm>>
    %dma_start3A_219 = tpu.memref_squeeze %dma_start3A_218 : memref<1x1x64xi32, #tpu.memory_space<hbm>> -> memref<64xi32, #tpu.memory_space<hbm>>
    %dma_start3A_220 = arith.constant 0 : i32
    %dma_start3A_221 = tpu.memref_slice %arg11[%dma_start3A_213, %dma_start3A_220] : memref<8x64xi32, #tpu.memory_space<vmem>> -> memref<1x64xi32, #tpu.memory_space<vmem>>
    %dma_start3A_222 = tpu.memref_squeeze %dma_start3A_221 : memref<1x64xi32, #tpu.memory_space<vmem>> -> memref<64xi32, #tpu.memory_space<vmem>>
    %dma_start3A_223 = arith.constant 0 : i32
    %dma_start3A_224 = tpu.memref_slice %arg3[%add3A, %dma_start3A_212, %dma_start3A_223] : memref<32x8x64xi32, #tpu.memory_space<hbm>> -> memref<1x1x64xi32, #tpu.memory_space<hbm>>
    %dma_start3A_225 = tpu.memref_squeeze %dma_start3A_224 : memref<1x1x64xi32, #tpu.memory_space<hbm>> -> memref<64xi32, #tpu.memory_space<hbm>>
    tpu.enqueue_dma source(%dma_start3A_225 : memref<64xi32, #tpu.memory_space<hbm>>) target(%dma_start3A_222 : memref<64xi32, #tpu.memory_space<vmem>>) target_semaphore(%arg18 : memref<!tpu.dma_semaphore, #tpu.memory_space<semaphore_mem>>)
    tpu.enqueue_dma source(%arg6 : memref<1000xf32, #tpu.memory_space<hbm>>) target(%arg14 : memref<1000xf32, #tpu.memory_space<vmem>>) target_semaphore(%arg19 : memref<!tpu.dma_semaphore, #tpu.memory_space<semaphore_mem>>)
    tpu.enqueue_dma source(%arg7 : memref<1000xf32, #tpu.memory_space<hbm>>) target(%arg15 : memref<1000xf32, #tpu.memory_space<vmem>>) target_semaphore(%arg19 : memref<!tpu.dma_semaphore, #tpu.memory_space<semaphore_mem>>)
    tpu.enqueue_dma source(%arg8 : memref<1000xf32, #tpu.memory_space<hbm>>) target(%arg16 : memref<1000xf32, #tpu.memory_space<vmem>>) target_semaphore(%arg19 : memref<!tpu.dma_semaphore, #tpu.memory_space<semaphore_mem>>)
    %dma_wait3A = arith.constant 0 : i32
    %dma_wait3A_226 = arith.constant 0 : i32
    %dma_wait3A_227 = arith.constant 0 : i32
    %dma_wait3A_228 = tpu.memref_slice %arg10[%dma_wait3A_226, %dma_wait3A_227] : memref<8x64xi32, #tpu.memory_space<vmem>> -> memref<1x64xi32, #tpu.memory_space<vmem>>
    %dma_wait3A_229 = tpu.memref_squeeze %dma_wait3A_228 : memref<1x64xi32, #tpu.memory_space<vmem>> -> memref<64xi32, #tpu.memory_space<vmem>>
    %dma_wait3A_230 = arith.constant 0 : i32
    %dma_wait3A_231 = tpu.memref_slice %arg2[%add3A, %dma_wait3A, %dma_wait3A_230] : memref<32x8x64xi32, #tpu.memory_space<hbm>> -> memref<1x1x64xi32, #tpu.memory_space<hbm>>
    %dma_wait3A_232 = tpu.memref_squeeze %dma_wait3A_231 : memref<1x1x64xi32, #tpu.memory_space<hbm>> -> memref<64xi32, #tpu.memory_space<hbm>>
    %dma_wait3A_233 = arith.constant 0 : i32
    %dma_wait3A_234 = tpu.memref_slice %arg10[%dma_wait3A_226, %dma_wait3A_233] : memref<8x64xi32, #tpu.memory_space<vmem>> -> memref<1x64xi32, #tpu.memory_space<vmem>>
    %dma_wait3A_235 = tpu.memref_squeeze %dma_wait3A_234 : memref<1x64xi32, #tpu.memory_space<vmem>> -> memref<64xi32, #tpu.memory_space<vmem>>
    %dma_wait3A_236 = arith.constant 0 : i32
    %dma_wait3A_237 = tpu.memref_slice %arg2[%add3A, %dma_wait3A, %dma_wait3A_236] : memref<32x8x64xi32, #tpu.memory_space<hbm>> -> memref<1x1x64xi32, #tpu.memory_space<hbm>>
    %dma_wait3A_238 = tpu.memref_squeeze %dma_wait3A_237 : memref<1x1x64xi32, #tpu.memory_space<hbm>> -> memref<64xi32, #tpu.memory_space<hbm>>
    tpu.wait_dma2 semaphore(%arg18 : memref<!tpu.dma_semaphore, #tpu.memory_space<semaphore_mem>>) src(%dma_wait3A_238 : memref<64xi32, #tpu.memory_space<hbm>>) dst(%dma_wait3A_235 : memref<64xi32, #tpu.memory_space<vmem>>)
    %dma_wait3A_239 = arith.constant 0 : i32
    %dma_wait3A_240 = arith.constant 0 : i32
    %dma_wait3A_241 = arith.constant 0 : i32
    %dma_wait3A_242 = tpu.memref_slice %arg11[%dma_wait3A_240, %dma_wait3A_241] : memref<8x64xi32, #tpu.memory_space<vmem>> -> memref<1x64xi32, #tpu.memory_space<vmem>>
    %dma_wait3A_243 = tpu.memref_squeeze %dma_wait3A_242 : memref<1x64xi32, #tpu.memory_space<vmem>> -> memref<64xi32, #tpu.memory_space<vmem>>
    %dma_wait3A_244 = arith.constant 0 : i32
    %dma_wait3A_245 = tpu.memref_slice %arg3[%add3A, %dma_wait3A_239, %dma_wait3A_244] : memref<32x8x64xi32, #tpu.memory_space<hbm>> -> memref<1x1x64xi32, #tpu.memory_space<hbm>>
    %dma_wait3A_246 = tpu.memref_squeeze %dma_wait3A_245 : memref<1x1x64xi32, #tpu.memory_space<hbm>> -> memref<64xi32, #tpu.memory_space<hbm>>
    %dma_wait3A_247 = arith.constant 0 : i32
    %dma_wait3A_248 = tpu.memref_slice %arg11[%dma_wait3A_240, %dma_wait3A_247] : memref<8x64xi32, #tpu.memory_space<vmem>> -> memref<1x64xi32, #tpu.memory_space<vmem>>
    %dma_wait3A_249 = tpu.memref_squeeze %dma_wait3A_248 : memref<1x64xi32, #tpu.memory_space<vmem>> -> memref<64xi32, #tpu.memory_space<vmem>>
    %dma_wait3A_250 = arith.constant 0 : i32
    %dma_wait3A_251 = tpu.memref_slice %arg3[%add3A, %dma_wait3A_239, %dma_wait3A_250] : memref<32x8x64xi32, #tpu.memory_space<hbm>> -> memref<1x1x64xi32, #tpu.memory_space<hbm>>
    %dma_wait3A_252 = tpu.memref_squeeze %dma_wait3A_251 : memref<1x1x64xi32, #tpu.memory_space<hbm>> -> memref<64xi32, #tpu.memory_space<hbm>>
    tpu.wait_dma2 semaphore(%arg18 : memref<!tpu.dma_semaphore, #tpu.memory_space<semaphore_mem>>) src(%dma_wait3A_252 : memref<64xi32, #tpu.memory_space<hbm>>) dst(%dma_wait3A_249 : memref<64xi32, #tpu.memory_space<vmem>>)
    %dma_start3A_253 = arith.constant 0 : i32
    %dma_start3A_254 = arith.constant 0 : i32
    %dma_start3A_255 = arith.constant 0 : i32
    %dma_start3A_256 = tpu.memref_slice %arg12[%dma_start3A_254, %dma_start3A_255] : memref<512x32xi32, #tpu.memory_space<vmem>> -> memref<64x32xi32, #tpu.memory_space<vmem>>
    %dma_start3A_257 = arith.constant 0 : i32
    %dma_start3A_258 = tpu.memref_slice %arg10[%dma_start3A_253, %dma_start3A_257] : memref<8x64xi32, #tpu.memory_space<vmem>> -> memref<1x64xi32, #tpu.memory_space<vmem>>
    %dma_start3A_259 = tpu.memref_squeeze %dma_start3A_258 : memref<1x64xi32, #tpu.memory_space<vmem>> -> memref<64xi32, #tpu.memory_space<vmem>>
    %dma_start3A_260 = arith.constant 0 : i32
    %dma_start3A_261 = arith.constant 0 : i32
    %dma_start3A_262 = tpu.memref_slice %arg4[%dma_start3A_260, %dma_start3A_261] : memref<1000x32xi32, #tpu.memory_space<hbm>> -> memref<1000x32xi32, #tpu.memory_space<hbm>>
    tpu.enqueue_indirect_dma source(%dma_start3A_262 : memref<1000x32xi32, #tpu.memory_space<hbm>>) target(%dma_start3A_256 : memref<64x32xi32, #tpu.memory_space<vmem>>) offsets(%dma_start3A_259 : memref<64xi32, #tpu.memory_space<vmem>>) semaphore(%arg20 : memref<!tpu.dma_semaphore, #tpu.memory_space<semaphore_mem>>)
    %dma_start3A_263 = arith.constant 0 : i32
    %dma_start3A_264 = arith.constant 0 : i32
    %dma_start3A_265 = arith.constant 0 : i32
    %dma_start3A_266 = tpu.memref_slice %arg13[%dma_start3A_264, %dma_start3A_265] : memref<512x32xi32, #tpu.memory_space<vmem>> -> memref<64x32xi32, #tpu.memory_space<vmem>>
    %dma_start3A_267 = arith.constant 0 : i32
    %dma_start3A_268 = tpu.memref_slice %arg11[%dma_start3A_263, %dma_start3A_267] : memref<8x64xi32, #tpu.memory_space<vmem>> -> memref<1x64xi32, #tpu.memory_space<vmem>>
    %dma_start3A_269 = tpu.memref_squeeze %dma_start3A_268 : memref<1x64xi32, #tpu.memory_space<vmem>> -> memref<64xi32, #tpu.memory_space<vmem>>
    %dma_start3A_270 = arith.constant 0 : i32
    %dma_start3A_271 = arith.constant 0 : i32
    %dma_start3A_272 = tpu.memref_slice %arg5[%dma_start3A_270, %dma_start3A_271] : memref<1000x32xi32, #tpu.memory_space<hbm>> -> memref<1000x32xi32, #tpu.memory_space<hbm>>
    tpu.enqueue_indirect_dma source(%dma_start3A_272 : memref<1000x32xi32, #tpu.memory_space<hbm>>) target(%dma_start3A_266 : memref<64x32xi32, #tpu.memory_space<vmem>>) offsets(%dma_start3A_269 : memref<64xi32, #tpu.memory_space<vmem>>) semaphore(%arg20 : memref<!tpu.dma_semaphore, #tpu.memory_space<semaphore_mem>>)
    %dma_wait3A_273 = arith.constant 1 : i32
    %dma_wait3A_274 = arith.constant 1 : i32
    %dma_wait3A_275 = arith.constant 0 : i32
    %dma_wait3A_276 = tpu.memref_slice %arg10[%dma_wait3A_274, %dma_wait3A_275] : memref<8x64xi32, #tpu.memory_space<vmem>> -> memref<1x64xi32, #tpu.memory_space<vmem>>
    %dma_wait3A_277 = tpu.memref_squeeze %dma_wait3A_276 : memref<1x64xi32, #tpu.memory_space<vmem>> -> memref<64xi32, #tpu.memory_space<vmem>>
    %dma_wait3A_278 = arith.constant 0 : i32
    %dma_wait3A_279 = tpu.memref_slice %arg2[%add3A, %dma_wait3A_273, %dma_wait3A_278] : memref<32x8x64xi32, #tpu.memory_space<hbm>> -> memref<1x1x64xi32, #tpu.memory_space<hbm>>
    %dma_wait3A_280 = tpu.memref_squeeze %dma_wait3A_279 : memref<1x1x64xi32, #tpu.memory_space<hbm>> -> memref<64xi32, #tpu.memory_space<hbm>>
    %dma_wait3A_281 = arith.constant 0 : i32
    %dma_wait3A_282 = tpu.memref_slice %arg10[%dma_wait3A_274, %dma_wait3A_281] : memref<8x64xi32, #tpu.memory_space<vmem>> -> memref<1x64xi32, #tpu.memory_space<vmem>>
    %dma_wait3A_283 = tpu.memref_squeeze %dma_wait3A_282 : memref<1x64xi32, #tpu.memory_space<vmem>> -> memref<64xi32, #tpu.memory_space<vmem>>
    %dma_wait3A_284 = arith.constant 0 : i32
    %dma_wait3A_285 = tpu.memref_slice %arg2[%add3A, %dma_wait3A_273, %dma_wait3A_284] : memref<32x8x64xi32, #tpu.memory_space<hbm>> -> memref<1x1x64xi32, #tpu.memory_space<hbm>>
    %dma_wait3A_286 = tpu.memref_squeeze %dma_wait3A_285 : memref<1x1x64xi32, #tpu.memory_space<hbm>> -> memref<64xi32, #tpu.memory_space<hbm>>
    tpu.wait_dma2 semaphore(%arg18 : memref<!tpu.dma_semaphore, #tpu.memory_space<semaphore_mem>>) src(%dma_wait3A_286 : memref<64xi32, #tpu.memory_space<hbm>>) dst(%dma_wait3A_283 : memref<64xi32, #tpu.memory_space<vmem>>)
    %dma_wait3A_287 = arith.constant 1 : i32
    %dma_wait3A_288 = arith.constant 1 : i32
    %dma_wait3A_289 = arith.constant 0 : i32
    %dma_wait3A_290 = tpu.memref_slice %arg11[%dma_wait3A_288, %dma_wait3A_289] : memref<8x64xi32, #tpu.memory_space<vmem>> -> memref<1x64xi32, #tpu.memory_space<vmem>>
    %dma_wait3A_291 = tpu.memref_squeeze %dma_wait3A_290 : memref<1x64xi32, #tpu.memory_space<vmem>> -> memref<64xi32, #tpu.memory_space<vmem>>
    %dma_wait3A_292 = arith.constant 0 : i32
    %dma_wait3A_293 = tpu.memref_slice %arg3[%add3A, %dma_wait3A_287, %dma_wait3A_292] : memref<32x8x64xi32, #tpu.memory_space<hbm>> -> memref<1x1x64xi32, #tpu.memory_space<hbm>>
    %dma_wait3A_294 = tpu.memref_squeeze %dma_wait3A_293 : memref<1x1x64xi32, #tpu.memory_space<hbm>> -> memref<64xi32, #tpu.memory_space<hbm>>
    %dma_wait3A_295 = arith.constant 0 : i32
    %dma_wait3A_296 = tpu.memref_slice %arg11[%dma_wait3A_288, %dma_wait3A_295] : memref<8x64xi32, #tpu.memory_space<vmem>> -> memref<1x64xi32, #tpu.memory_space<vmem>>
    %dma_wait3A_297 = tpu.memref_squeeze %dma_wait3A_296 : memref<1x64xi32, #tpu.memory_space<vmem>> -> memref<64xi32, #tpu.memory_space<vmem>>
    %dma_wait3A_298 = arith.constant 0 : i32
    %dma_wait3A_299 = tpu.memref_slice %arg3[%add3A, %dma_wait3A_287, %dma_wait3A_298] : memref<32x8x64xi32, #tpu.memory_space<hbm>> -> memref<1x1x64xi32, #tpu.memory_space<hbm>>
    %dma_wait3A_300 = tpu.memref_squeeze %dma_wait3A_299 : memref<1x1x64xi32, #tpu.memory_space<hbm>> -> memref<64xi32, #tpu.memory_space<hbm>>
    tpu.wait_dma2 semaphore(%arg18 : memref<!tpu.dma_semaphore, #tpu.memory_space<semaphore_mem>>) src(%dma_wait3A_300 : memref<64xi32, #tpu.memory_space<hbm>>) dst(%dma_wait3A_297 : memref<64xi32, #tpu.memory_space<vmem>>)
    %dma_start3A_301 = arith.constant 1 : i32
    %dma_start3A_302 = arith.constant 64 : i32
    %dma_start3A_303 = arith.constant 0 : i32
    %dma_start3A_304 = tpu.memref_slice %arg12[%dma_start3A_302, %dma_start3A_303] : memref<512x32xi32, #tpu.memory_space<vmem>> -> memref<64x32xi32, #tpu.memory_space<vmem>>
    %dma_start3A_305 = arith.constant 0 : i32
    %dma_start3A_306 = tpu.memref_slice %arg10[%dma_start3A_301, %dma_start3A_305] : memref<8x64xi32, #tpu.memory_space<vmem>> -> memref<1x64xi32, #tpu.memory_space<vmem>>
    %dma_start3A_307 = tpu.memref_squeeze %dma_start3A_306 : memref<1x64xi32, #tpu.memory_space<vmem>> -> memref<64xi32, #tpu.memory_space<vmem>>
    %dma_start3A_308 = arith.constant 0 : i32
    %dma_start3A_309 = arith.constant 0 : i32
    %dma_start3A_310 = tpu.memref_slice %arg4[%dma_start3A_308, %dma_start3A_309] : memref<1000x32xi32, #tpu.memory_space<hbm>> -> memref<1000x32xi32, #tpu.memory_space<hbm>>
    tpu.enqueue_indirect_dma source(%dma_start3A_310 : memref<1000x32xi32, #tpu.memory_space<hbm>>) target(%dma_start3A_304 : memref<64x32xi32, #tpu.memory_space<vmem>>) offsets(%dma_start3A_307 : memref<64xi32, #tpu.memory_space<vmem>>) semaphore(%arg21 : memref<!tpu.dma_semaphore, #tpu.memory_space<semaphore_mem>>)
    %dma_start3A_311 = arith.constant 1 : i32
    %dma_start3A_312 = arith.constant 64 : i32
    %dma_start3A_313 = arith.constant 0 : i32
    %dma_start3A_314 = tpu.memref_slice %arg13[%dma_start3A_312, %dma_start3A_313] : memref<512x32xi32, #tpu.memory_space<vmem>> -> memref<64x32xi32, #tpu.memory_space<vmem>>
    %dma_start3A_315 = arith.constant 0 : i32
    %dma_start3A_316 = tpu.memref_slice %arg11[%dma_start3A_311, %dma_start3A_315] : memref<8x64xi32, #tpu.memory_space<vmem>> -> memref<1x64xi32, #tpu.memory_space<vmem>>
    %dma_start3A_317 = tpu.memref_squeeze %dma_start3A_316 : memref<1x64xi32, #tpu.memory_space<vmem>> -> memref<64xi32, #tpu.memory_space<vmem>>
    %dma_start3A_318 = arith.constant 0 : i32
    %dma_start3A_319 = arith.constant 0 : i32
    %dma_start3A_320 = tpu.memref_slice %arg5[%dma_start3A_318, %dma_start3A_319] : memref<1000x32xi32, #tpu.memory_space<hbm>> -> memref<1000x32xi32, #tpu.memory_space<hbm>>
    tpu.enqueue_indirect_dma source(%dma_start3A_320 : memref<1000x32xi32, #tpu.memory_space<hbm>>) target(%dma_start3A_314 : memref<64x32xi32, #tpu.memory_space<vmem>>) offsets(%dma_start3A_317 : memref<64xi32, #tpu.memory_space<vmem>>) semaphore(%arg21 : memref<!tpu.dma_semaphore, #tpu.memory_space<semaphore_mem>>)
    %dma_wait3A_321 = arith.constant 2 : i32
    %dma_wait3A_322 = arith.constant 2 : i32
    %dma_wait3A_323 = arith.constant 0 : i32
    %dma_wait3A_324 = tpu.memref_slice %arg10[%dma_wait3A_322, %dma_wait3A_323] : memref<8x64xi32, #tpu.memory_space<vmem>> -> memref<1x64xi32, #tpu.memory_space<vmem>>
    %dma_wait3A_325 = tpu.memref_squeeze %dma_wait3A_324 : memref<1x64xi32, #tpu.memory_space<vmem>> -> memref<64xi32, #tpu.memory_space<vmem>>
    %dma_wait3A_326 = arith.constant 0 : i32
    %dma_wait3A_327 = tpu.memref_slice %arg2[%add3A, %dma_wait3A_321, %dma_wait3A_326] : memref<32x8x64xi32, #tpu.memory_space<hbm>> -> memref<1x1x64xi32, #tpu.memory_space<hbm>>
    %dma_wait3A_328 = tpu.memref_squeeze %dma_wait3A_327 : memref<1x1x64xi32, #tpu.memory_space<hbm>> -> memref<64xi32, #tpu.memory_space<hbm>>
    %dma_wait3A_329 = arith.constant 0 : i32
    %dma_wait3A_330 = tpu.memref_slice %arg10[%dma_wait3A_322, %dma_wait3A_329] : memref<8x64xi32, #tpu.memory_space<vmem>> -> memref<1x64xi32, #tpu.memory_space<vmem>>
    %dma_wait3A_331 = tpu.memref_squeeze %dma_wait3A_330 : memref<1x64xi32, #tpu.memory_space<vmem>> -> memref<64xi32, #tpu.memory_space<vmem>>
    %dma_wait3A_332 = arith.constant 0 : i32
    %dma_wait3A_333 = tpu.memref_slice %arg2[%add3A, %dma_wait3A_321, %dma_wait3A_332] : memref<32x8x64xi32, #tpu.memory_space<hbm>> -> memref<1x1x64xi32, #tpu.memory_space<hbm>>
    %dma_wait3A_334 = tpu.memref_squeeze %dma_wait3A_333 : memref<1x1x64xi32, #tpu.memory_space<hbm>> -> memref<64xi32, #tpu.memory_space<hbm>>
    tpu.wait_dma2 semaphore(%arg18 : memref<!tpu.dma_semaphore, #tpu.memory_space<semaphore_mem>>) src(%dma_wait3A_334 : memref<64xi32, #tpu.memory_space<hbm>>) dst(%dma_wait3A_331 : memref<64xi32, #tpu.memory_space<vmem>>)
    %dma_wait3A_335 = arith.constant 2 : i32
    %dma_wait3A_336 = arith.constant 2 : i32
    %dma_wait3A_337 = arith.constant 0 : i32
    %dma_wait3A_338 = tpu.memref_slice %arg11[%dma_wait3A_336, %dma_wait3A_337] : memref<8x64xi32, #tpu.memory_space<vmem>> -> memref<1x64xi32, #tpu.memory_space<vmem>>
    %dma_wait3A_339 = tpu.memref_squeeze %dma_wait3A_338 : memref<1x64xi32, #tpu.memory_space<vmem>> -> memref<64xi32, #tpu.memory_space<vmem>>
    %dma_wait3A_340 = arith.constant 0 : i32
    %dma_wait3A_341 = tpu.memref_slice %arg3[%add3A, %dma_wait3A_335, %dma_wait3A_340] : memref<32x8x64xi32, #tpu.memory_space<hbm>> -> memref<1x1x64xi32, #tpu.memory_space<hbm>>
    %dma_wait3A_342 = tpu.memref_squeeze %dma_wait3A_341 : memref<1x1x64xi32, #tpu.memory_space<hbm>> -> memref<64xi32, #tpu.memory_space<hbm>>
    %dma_wait3A_343 = arith.constant 0 : i32
    %dma_wait3A_344 = tpu.memref_slice %arg11[%dma_wait3A_336, %dma_wait3A_343] : memref<8x64xi32, #tpu.memory_space<vmem>> -> memref<1x64xi32, #tpu.memory_space<vmem>>
    %dma_wait3A_345 = tpu.memref_squeeze %dma_wait3A_344 : memref<1x64xi32, #tpu.memory_space<vmem>> -> memref<64xi32, #tpu.memory_space<vmem>>
    %dma_wait3A_346 = arith.constant 0 : i32
    %dma_wait3A_347 = tpu.memref_slice %arg3[%add3A, %dma_wait3A_335, %dma_wait3A_346] : memref<32x8x64xi32, #tpu.memory_space<hbm>> -> memref<1x1x64xi32, #tpu.memory_space<hbm>>
    %dma_wait3A_348 = tpu.memref_squeeze %dma_wait3A_347 : memref<1x1x64xi32, #tpu.memory_space<hbm>> -> memref<64xi32, #tpu.memory_space<hbm>>
    tpu.wait_dma2 semaphore(%arg18 : memref<!tpu.dma_semaphore, #tpu.memory_space<semaphore_mem>>) src(%dma_wait3A_348 : memref<64xi32, #tpu.memory_space<hbm>>) dst(%dma_wait3A_345 : memref<64xi32, #tpu.memory_space<vmem>>)
    %dma_start3A_349 = arith.constant 2 : i32
    %dma_start3A_350 = arith.constant 128 : i32
    %dma_start3A_351 = arith.constant 0 : i32
    %dma_start3A_352 = tpu.memref_slice %arg12[%dma_start3A_350, %dma_start3A_351] : memref<512x32xi32, #tpu.memory_space<vmem>> -> memref<64x32xi32, #tpu.memory_space<vmem>>
    %dma_start3A_353 = arith.constant 0 : i32
    %dma_start3A_354 = tpu.memref_slice %arg10[%dma_start3A_349, %dma_start3A_353] : memref<8x64xi32, #tpu.memory_space<vmem>> -> memref<1x64xi32, #tpu.memory_space<vmem>>
    %dma_start3A_355 = tpu.memref_squeeze %dma_start3A_354 : memref<1x64xi32, #tpu.memory_space<vmem>> -> memref<64xi32, #tpu.memory_space<vmem>>
    %dma_start3A_356 = arith.constant 0 : i32
    %dma_start3A_357 = arith.constant 0 : i32
    %dma_start3A_358 = tpu.memref_slice %arg4[%dma_start3A_356, %dma_start3A_357] : memref<1000x32xi32, #tpu.memory_space<hbm>> -> memref<1000x32xi32, #tpu.memory_space<hbm>>
    tpu.enqueue_indirect_dma source(%dma_start3A_358 : memref<1000x32xi32, #tpu.memory_space<hbm>>) target(%dma_start3A_352 : memref<64x32xi32, #tpu.memory_space<vmem>>) offsets(%dma_start3A_355 : memref<64xi32, #tpu.memory_space<vmem>>) semaphore(%arg22 : memref<!tpu.dma_semaphore, #tpu.memory_space<semaphore_mem>>)
    %dma_start3A_359 = arith.constant 2 : i32
    %dma_start3A_360 = arith.constant 128 : i32
    %dma_start3A_361 = arith.constant 0 : i32
    %dma_start3A_362 = tpu.memref_slice %arg13[%dma_start3A_360, %dma_start3A_361] : memref<512x32xi32, #tpu.memory_space<vmem>> -> memref<64x32xi32, #tpu.memory_space<vmem>>
    %dma_start3A_363 = arith.constant 0 : i32
    %dma_start3A_364 = tpu.memref_slice %arg11[%dma_start3A_359, %dma_start3A_363] : memref<8x64xi32, #tpu.memory_space<vmem>> -> memref<1x64xi32, #tpu.memory_space<vmem>>
    %dma_start3A_365 = tpu.memref_squeeze %dma_start3A_364 : memref<1x64xi32, #tpu.memory_space<vmem>> -> memref<64xi32, #tpu.memory_space<vmem>>
    %dma_start3A_366 = arith.constant 0 : i32
    %dma_start3A_367 = arith.constant 0 : i32
    %dma_start3A_368 = tpu.memref_slice %arg5[%dma_start3A_366, %dma_start3A_367] : memref<1000x32xi32, #tpu.memory_space<hbm>> -> memref<1000x32xi32, #tpu.memory_space<hbm>>
    tpu.enqueue_indirect_dma source(%dma_start3A_368 : memref<1000x32xi32, #tpu.memory_space<hbm>>) target(%dma_start3A_362 : memref<64x32xi32, #tpu.memory_space<vmem>>) offsets(%dma_start3A_365 : memref<64xi32, #tpu.memory_space<vmem>>) semaphore(%arg22 : memref<!tpu.dma_semaphore, #tpu.memory_space<semaphore_mem>>)
    %dma_wait3A_369 = arith.constant 3 : i32
    %dma_wait3A_370 = arith.constant 3 : i32
    %dma_wait3A_371 = arith.constant 0 : i32
    %dma_wait3A_372 = tpu.memref_slice %arg10[%dma_wait3A_370, %dma_wait3A_371] : memref<8x64xi32, #tpu.memory_space<vmem>> -> memref<1x64xi32, #tpu.memory_space<vmem>>
    %dma_wait3A_373 = tpu.memref_squeeze %dma_wait3A_372 : memref<1x64xi32, #tpu.memory_space<vmem>> -> memref<64xi32, #tpu.memory_space<vmem>>
    %dma_wait3A_374 = arith.constant 0 : i32
    %dma_wait3A_375 = tpu.memref_slice %arg2[%add3A, %dma_wait3A_369, %dma_wait3A_374] : memref<32x8x64xi32, #tpu.memory_space<hbm>> -> memref<1x1x64xi32, #tpu.memory_space<hbm>>
    %dma_wait3A_376 = tpu.memref_squeeze %dma_wait3A_375 : memref<1x1x64xi32, #tpu.memory_space<hbm>> -> memref<64xi32, #tpu.memory_space<hbm>>
    %dma_wait3A_377 = arith.constant 0 : i32
    %dma_wait3A_378 = tpu.memref_slice %arg10[%dma_wait3A_370, %dma_wait3A_377] : memref<8x64xi32, #tpu.memory_space<vmem>> -> memref<1x64xi32, #tpu.memory_space<vmem>>
    %dma_wait3A_379 = tpu.memref_squeeze %dma_wait3A_378 : memref<1x64xi32, #tpu.memory_space<vmem>> -> memref<64xi32, #tpu.memory_space<vmem>>
    %dma_wait3A_380 = arith.constant 0 : i32
    %dma_wait3A_381 = tpu.memref_slice %arg2[%add3A, %dma_wait3A_369, %dma_wait3A_380] : memref<32x8x64xi32, #tpu.memory_space<hbm>> -> memref<1x1x64xi32, #tpu.memory_space<hbm>>
    %dma_wait3A_382 = tpu.memref_squeeze %dma_wait3A_381 : memref<1x1x64xi32, #tpu.memory_space<hbm>> -> memref<64xi32, #tpu.memory_space<hbm>>
    tpu.wait_dma2 semaphore(%arg18 : memref<!tpu.dma_semaphore, #tpu.memory_space<semaphore_mem>>) src(%dma_wait3A_382 : memref<64xi32, #tpu.memory_space<hbm>>) dst(%dma_wait3A_379 : memref<64xi32, #tpu.memory_space<vmem>>)
    %dma_wait3A_383 = arith.constant 3 : i32
    %dma_wait3A_384 = arith.constant 3 : i32
    %dma_wait3A_385 = arith.constant 0 : i32
    %dma_wait3A_386 = tpu.memref_slice %arg11[%dma_wait3A_384, %dma_wait3A_385] : memref<8x64xi32, #tpu.memory_space<vmem>> -> memref<1x64xi32, #tpu.memory_space<vmem>>
    %dma_wait3A_387 = tpu.memref_squeeze %dma_wait3A_386 : memref<1x64xi32, #tpu.memory_space<vmem>> -> memref<64xi32, #tpu.memory_space<vmem>>
    %dma_wait3A_388 = arith.constant 0 : i32
    %dma_wait3A_389 = tpu.memref_slice %arg3[%add3A, %dma_wait3A_383, %dma_wait3A_388] : memref<32x8x64xi32, #tpu.memory_space<hbm>> -> memref<1x1x64xi32, #tpu.memory_space<hbm>>
    %dma_wait3A_390 = tpu.memref_squeeze %dma_wait3A_389 : memref<1x1x64xi32, #tpu.memory_space<hbm>> -> memref<64xi32, #tpu.memory_space<hbm>>
    %dma_wait3A_391 = arith.constant 0 : i32
    %dma_wait3A_392 = tpu.memref_slice %arg11[%dma_wait3A_384, %dma_wait3A_391] : memref<8x64xi32, #tpu.memory_space<vmem>> -> memref<1x64xi32, #tpu.memory_space<vmem>>
    %dma_wait3A_393 = tpu.memref_squeeze %dma_wait3A_392 : memref<1x64xi32, #tpu.memory_space<vmem>> -> memref<64xi32, #tpu.memory_space<vmem>>
    %dma_wait3A_394 = arith.constant 0 : i32
    %dma_wait3A_395 = tpu.memref_slice %arg3[%add3A, %dma_wait3A_383, %dma_wait3A_394] : memref<32x8x64xi32, #tpu.memory_space<hbm>> -> memref<1x1x64xi32, #tpu.memory_space<hbm>>
    %dma_wait3A_396 = tpu.memref_squeeze %dma_wait3A_395 : memref<1x1x64xi32, #tpu.memory_space<hbm>> -> memref<64xi32, #tpu.memory_space<hbm>>
    tpu.wait_dma2 semaphore(%arg18 : memref<!tpu.dma_semaphore, #tpu.memory_space<semaphore_mem>>) src(%dma_wait3A_396 : memref<64xi32, #tpu.memory_space<hbm>>) dst(%dma_wait3A_393 : memref<64xi32, #tpu.memory_space<vmem>>)
    %dma_start3A_397 = arith.constant 3 : i32
    %dma_start3A_398 = arith.constant 192 : i32
    %dma_start3A_399 = arith.constant 0 : i32
    %dma_start3A_400 = tpu.memref_slice %arg12[%dma_start3A_398, %dma_start3A_399] : memref<512x32xi32, #tpu.memory_space<vmem>> -> memref<64x32xi32, #tpu.memory_space<vmem>>
    %dma_start3A_401 = arith.constant 0 : i32
    %dma_start3A_402 = tpu.memref_slice %arg10[%dma_start3A_397, %dma_start3A_401] : memref<8x64xi32, #tpu.memory_space<vmem>> -> memref<1x64xi32, #tpu.memory_space<vmem>>
    %dma_start3A_403 = tpu.memref_squeeze %dma_start3A_402 : memref<1x64xi32, #tpu.memory_space<vmem>> -> memref<64xi32, #tpu.memory_space<vmem>>
    %dma_start3A_404 = arith.constant 0 : i32
    %dma_start3A_405 = arith.constant 0 : i32
    %dma_start3A_406 = tpu.memref_slice %arg4[%dma_start3A_404, %dma_start3A_405] : memref<1000x32xi32, #tpu.memory_space<hbm>> -> memref<1000x32xi32, #tpu.memory_space<hbm>>
    tpu.enqueue_indirect_dma source(%dma_start3A_406 : memref<1000x32xi32, #tpu.memory_space<hbm>>) target(%dma_start3A_400 : memref<64x32xi32, #tpu.memory_space<vmem>>) offsets(%dma_start3A_403 : memref<64xi32, #tpu.memory_space<vmem>>) semaphore(%arg23 : memref<!tpu.dma_semaphore, #tpu.memory_space<semaphore_mem>>)
    %dma_start3A_407 = arith.constant 3 : i32
    %dma_start3A_408 = arith.constant 192 : i32
    %dma_start3A_409 = arith.constant 0 : i32
    %dma_start3A_410 = tpu.memref_slice %arg13[%dma_start3A_408, %dma_start3A_409] : memref<512x32xi32, #tpu.memory_space<vmem>> -> memref<64x32xi32, #tpu.memory_space<vmem>>
    %dma_start3A_411 = arith.constant 0 : i32
    %dma_start3A_412 = tpu.memref_slice %arg11[%dma_start3A_407, %dma_start3A_411] : memref<8x64xi32, #tpu.memory_space<vmem>> -> memref<1x64xi32, #tpu.memory_space<vmem>>
    %dma_start3A_413 = tpu.memref_squeeze %dma_start3A_412 : memref<1x64xi32, #tpu.memory_space<vmem>> -> memref<64xi32, #tpu.memory_space<vmem>>
    %dma_start3A_414 = arith.constant 0 : i32
    %dma_start3A_415 = arith.constant 0 : i32
    %dma_start3A_416 = tpu.memref_slice %arg5[%dma_start3A_414, %dma_start3A_415] : memref<1000x32xi32, #tpu.memory_space<hbm>> -> memref<1000x32xi32, #tpu.memory_space<hbm>>
    tpu.enqueue_indirect_dma source(%dma_start3A_416 : memref<1000x32xi32, #tpu.memory_space<hbm>>) target(%dma_start3A_410 : memref<64x32xi32, #tpu.memory_space<vmem>>) offsets(%dma_start3A_413 : memref<64xi32, #tpu.memory_space<vmem>>) semaphore(%arg23 : memref<!tpu.dma_semaphore, #tpu.memory_space<semaphore_mem>>)
    %dma_wait3A_417 = arith.constant 4 : i32
    %dma_wait3A_418 = arith.constant 4 : i32
    %dma_wait3A_419 = arith.constant 0 : i32
    %dma_wait3A_420 = tpu.memref_slice %arg10[%dma_wait3A_418, %dma_wait3A_419] : memref<8x64xi32, #tpu.memory_space<vmem>> -> memref<1x64xi32, #tpu.memory_space<vmem>>
    %dma_wait3A_421 = tpu.memref_squeeze %dma_wait3A_420 : memref<1x64xi32, #tpu.memory_space<vmem>> -> memref<64xi32, #tpu.memory_space<vmem>>
    %dma_wait3A_422 = arith.constant 0 : i32
    %dma_wait3A_423 = tpu.memref_slice %arg2[%add3A, %dma_wait3A_417, %dma_wait3A_422] : memref<32x8x64xi32, #tpu.memory_space<hbm>> -> memref<1x1x64xi32, #tpu.memory_space<hbm>>
    %dma_wait3A_424 = tpu.memref_squeeze %dma_wait3A_423 : memref<1x1x64xi32, #tpu.memory_space<hbm>> -> memref<64xi32, #tpu.memory_space<hbm>>
    %dma_wait3A_425 = arith.constant 0 : i32
    %dma_wait3A_426 = tpu.memref_slice %arg10[%dma_wait3A_418, %dma_wait3A_425] : memref<8x64xi32, #tpu.memory_space<vmem>> -> memref<1x64xi32, #tpu.memory_space<vmem>>
    %dma_wait3A_427 = tpu.memref_squeeze %dma_wait3A_426 : memref<1x64xi32, #tpu.memory_space<vmem>> -> memref<64xi32, #tpu.memory_space<vmem>>
    %dma_wait3A_428 = arith.constant 0 : i32
    %dma_wait3A_429 = tpu.memref_slice %arg2[%add3A, %dma_wait3A_417, %dma_wait3A_428] : memref<32x8x64xi32, #tpu.memory_space<hbm>> -> memref<1x1x64xi32, #tpu.memory_space<hbm>>
    %dma_wait3A_430 = tpu.memref_squeeze %dma_wait3A_429 : memref<1x1x64xi32, #tpu.memory_space<hbm>> -> memref<64xi32, #tpu.memory_space<hbm>>
    tpu.wait_dma2 semaphore(%arg18 : memref<!tpu.dma_semaphore, #tpu.memory_space<semaphore_mem>>) src(%dma_wait3A_430 : memref<64xi32, #tpu.memory_space<hbm>>) dst(%dma_wait3A_427 : memref<64xi32, #tpu.memory_space<vmem>>)
    %dma_wait3A_431 = arith.constant 4 : i32
    %dma_wait3A_432 = arith.constant 4 : i32
    %dma_wait3A_433 = arith.constant 0 : i32
    %dma_wait3A_434 = tpu.memref_slice %arg11[%dma_wait3A_432, %dma_wait3A_433] : memref<8x64xi32, #tpu.memory_space<vmem>> -> memref<1x64xi32, #tpu.memory_space<vmem>>
    %dma_wait3A_435 = tpu.memref_squeeze %dma_wait3A_434 : memref<1x64xi32, #tpu.memory_space<vmem>> -> memref<64xi32, #tpu.memory_space<vmem>>
    %dma_wait3A_436 = arith.constant 0 : i32
    %dma_wait3A_437 = tpu.memref_slice %arg3[%add3A, %dma_wait3A_431, %dma_wait3A_436] : memref<32x8x64xi32, #tpu.memory_space<hbm>> -> memref<1x1x64xi32, #tpu.memory_space<hbm>>
    %dma_wait3A_438 = tpu.memref_squeeze %dma_wait3A_437 : memref<1x1x64xi32, #tpu.memory_space<hbm>> -> memref<64xi32, #tpu.memory_space<hbm>>
    %dma_wait3A_439 = arith.constant 0 : i32
    %dma_wait3A_440 = tpu.memref_slice %arg11[%dma_wait3A_432, %dma_wait3A_439] : memref<8x64xi32, #tpu.memory_space<vmem>> -> memref<1x64xi32, #tpu.memory_space<vmem>>
    %dma_wait3A_441 = tpu.memref_squeeze %dma_wait3A_440 : memref<1x64xi32, #tpu.memory_space<vmem>> -> memref<64xi32, #tpu.memory_space<vmem>>
    %dma_wait3A_442 = arith.constant 0 : i32
    %dma_wait3A_443 = tpu.memref_slice %arg3[%add3A, %dma_wait3A_431, %dma_wait3A_442] : memref<32x8x64xi32, #tpu.memory_space<hbm>> -> memref<1x1x64xi32, #tpu.memory_space<hbm>>
    %dma_wait3A_444 = tpu.memref_squeeze %dma_wait3A_443 : memref<1x1x64xi32, #tpu.memory_space<hbm>> -> memref<64xi32, #tpu.memory_space<hbm>>
    tpu.wait_dma2 semaphore(%arg18 : memref<!tpu.dma_semaphore, #tpu.memory_space<semaphore_mem>>) src(%dma_wait3A_444 : memref<64xi32, #tpu.memory_space<hbm>>) dst(%dma_wait3A_441 : memref<64xi32, #tpu.memory_space<vmem>>)
    %dma_start3A_445 = arith.constant 4 : i32
    %dma_start3A_446 = arith.constant 256 : i32
    %dma_start3A_447 = arith.constant 0 : i32
    %dma_start3A_448 = tpu.memref_slice %arg12[%dma_start3A_446, %dma_start3A_447] : memref<512x32xi32, #tpu.memory_space<vmem>> -> memref<64x32xi32, #tpu.memory_space<vmem>>
    %dma_start3A_449 = arith.constant 0 : i32
    %dma_start3A_450 = tpu.memref_slice %arg10[%dma_start3A_445, %dma_start3A_449] : memref<8x64xi32, #tpu.memory_space<vmem>> -> memref<1x64xi32, #tpu.memory_space<vmem>>
    %dma_start3A_451 = tpu.memref_squeeze %dma_start3A_450 : memref<1x64xi32, #tpu.memory_space<vmem>> -> memref<64xi32, #tpu.memory_space<vmem>>
    %dma_start3A_452 = arith.constant 0 : i32
    %dma_start3A_453 = arith.constant 0 : i32
    %dma_start3A_454 = tpu.memref_slice %arg4[%dma_start3A_452, %dma_start3A_453] : memref<1000x32xi32, #tpu.memory_space<hbm>> -> memref<1000x32xi32, #tpu.memory_space<hbm>>
    tpu.enqueue_indirect_dma source(%dma_start3A_454 : memref<1000x32xi32, #tpu.memory_space<hbm>>) target(%dma_start3A_448 : memref<64x32xi32, #tpu.memory_space<vmem>>) offsets(%dma_start3A_451 : memref<64xi32, #tpu.memory_space<vmem>>) semaphore(%arg24 : memref<!tpu.dma_semaphore, #tpu.memory_space<semaphore_mem>>)
    %dma_start3A_455 = arith.constant 4 : i32
    %dma_start3A_456 = arith.constant 256 : i32
    %dma_start3A_457 = arith.constant 0 : i32
    %dma_start3A_458 = tpu.memref_slice %arg13[%dma_start3A_456, %dma_start3A_457] : memref<512x32xi32, #tpu.memory_space<vmem>> -> memref<64x32xi32, #tpu.memory_space<vmem>>
    %dma_start3A_459 = arith.constant 0 : i32
    %dma_start3A_460 = tpu.memref_slice %arg11[%dma_start3A_455, %dma_start3A_459] : memref<8x64xi32, #tpu.memory_space<vmem>> -> memref<1x64xi32, #tpu.memory_space<vmem>>
    %dma_start3A_461 = tpu.memref_squeeze %dma_start3A_460 : memref<1x64xi32, #tpu.memory_space<vmem>> -> memref<64xi32, #tpu.memory_space<vmem>>
    %dma_start3A_462 = arith.constant 0 : i32
    %dma_start3A_463 = arith.constant 0 : i32
    %dma_start3A_464 = tpu.memref_slice %arg5[%dma_start3A_462, %dma_start3A_463] : memref<1000x32xi32, #tpu.memory_space<hbm>> -> memref<1000x32xi32, #tpu.memory_space<hbm>>
    tpu.enqueue_indirect_dma source(%dma_start3A_464 : memref<1000x32xi32, #tpu.memory_space<hbm>>) target(%dma_start3A_458 : memref<64x32xi32, #tpu.memory_space<vmem>>) offsets(%dma_start3A_461 : memref<64xi32, #tpu.memory_space<vmem>>) semaphore(%arg24 : memref<!tpu.dma_semaphore, #tpu.memory_space<semaphore_mem>>)
    %dma_wait3A_465 = arith.constant 5 : i32
    %dma_wait3A_466 = arith.constant 5 : i32
    %dma_wait3A_467 = arith.constant 0 : i32
    %dma_wait3A_468 = tpu.memref_slice %arg10[%dma_wait3A_466, %dma_wait3A_467] : memref<8x64xi32, #tpu.memory_space<vmem>> -> memref<1x64xi32, #tpu.memory_space<vmem>>
    %dma_wait3A_469 = tpu.memref_squeeze %dma_wait3A_468 : memref<1x64xi32, #tpu.memory_space<vmem>> -> memref<64xi32, #tpu.memory_space<vmem>>
    %dma_wait3A_470 = arith.constant 0 : i32
    %dma_wait3A_471 = tpu.memref_slice %arg2[%add3A, %dma_wait3A_465, %dma_wait3A_470] : memref<32x8x64xi32, #tpu.memory_space<hbm>> -> memref<1x1x64xi32, #tpu.memory_space<hbm>>
    %dma_wait3A_472 = tpu.memref_squeeze %dma_wait3A_471 : memref<1x1x64xi32, #tpu.memory_space<hbm>> -> memref<64xi32, #tpu.memory_space<hbm>>
    %dma_wait3A_473 = arith.constant 0 : i32
    %dma_wait3A_474 = tpu.memref_slice %arg10[%dma_wait3A_466, %dma_wait3A_473] : memref<8x64xi32, #tpu.memory_space<vmem>> -> memref<1x64xi32, #tpu.memory_space<vmem>>
    %dma_wait3A_475 = tpu.memref_squeeze %dma_wait3A_474 : memref<1x64xi32, #tpu.memory_space<vmem>> -> memref<64xi32, #tpu.memory_space<vmem>>
    %dma_wait3A_476 = arith.constant 0 : i32
    %dma_wait3A_477 = tpu.memref_slice %arg2[%add3A, %dma_wait3A_465, %dma_wait3A_476] : memref<32x8x64xi32, #tpu.memory_space<hbm>> -> memref<1x1x64xi32, #tpu.memory_space<hbm>>
    %dma_wait3A_478 = tpu.memref_squeeze %dma_wait3A_477 : memref<1x1x64xi32, #tpu.memory_space<hbm>> -> memref<64xi32, #tpu.memory_space<hbm>>
    tpu.wait_dma2 semaphore(%arg18 : memref<!tpu.dma_semaphore, #tpu.memory_space<semaphore_mem>>) src(%dma_wait3A_478 : memref<64xi32, #tpu.memory_space<hbm>>) dst(%dma_wait3A_475 : memref<64xi32, #tpu.memory_space<vmem>>)
    %dma_wait3A_479 = arith.constant 5 : i32
    %dma_wait3A_480 = arith.constant 5 : i32
    %dma_wait3A_481 = arith.constant 0 : i32
    %dma_wait3A_482 = tpu.memref_slice %arg11[%dma_wait3A_480, %dma_wait3A_481] : memref<8x64xi32, #tpu.memory_space<vmem>> -> memref<1x64xi32, #tpu.memory_space<vmem>>
    %dma_wait3A_483 = tpu.memref_squeeze %dma_wait3A_482 : memref<1x64xi32, #tpu.memory_space<vmem>> -> memref<64xi32, #tpu.memory_space<vmem>>
    %dma_wait3A_484 = arith.constant 0 : i32
    %dma_wait3A_485 = tpu.memref_slice %arg3[%add3A, %dma_wait3A_479, %dma_wait3A_484] : memref<32x8x64xi32, #tpu.memory_space<hbm>> -> memref<1x1x64xi32, #tpu.memory_space<hbm>>
    %dma_wait3A_486 = tpu.memref_squeeze %dma_wait3A_485 : memref<1x1x64xi32, #tpu.memory_space<hbm>> -> memref<64xi32, #tpu.memory_space<hbm>>
    %dma_wait3A_487 = arith.constant 0 : i32
    %dma_wait3A_488 = tpu.memref_slice %arg11[%dma_wait3A_480, %dma_wait3A_487] : memref<8x64xi32, #tpu.memory_space<vmem>> -> memref<1x64xi32, #tpu.memory_space<vmem>>
    %dma_wait3A_489 = tpu.memref_squeeze %dma_wait3A_488 : memref<1x64xi32, #tpu.memory_space<vmem>> -> memref<64xi32, #tpu.memory_space<vmem>>
    %dma_wait3A_490 = arith.constant 0 : i32
    %dma_wait3A_491 = tpu.memref_slice %arg3[%add3A, %dma_wait3A_479, %dma_wait3A_490] : memref<32x8x64xi32, #tpu.memory_space<hbm>> -> memref<1x1x64xi32, #tpu.memory_space<hbm>>
    %dma_wait3A_492 = tpu.memref_squeeze %dma_wait3A_491 : memref<1x1x64xi32, #tpu.memory_space<hbm>> -> memref<64xi32, #tpu.memory_space<hbm>>
    tpu.wait_dma2 semaphore(%arg18 : memref<!tpu.dma_semaphore, #tpu.memory_space<semaphore_mem>>) src(%dma_wait3A_492 : memref<64xi32, #tpu.memory_space<hbm>>) dst(%dma_wait3A_489 : memref<64xi32, #tpu.memory_space<vmem>>)
    %dma_start3A_493 = arith.constant 5 : i32
    %dma_start3A_494 = arith.constant 320 : i32
    %dma_start3A_495 = arith.constant 0 : i32
    %dma_start3A_496 = tpu.memref_slice %arg12[%dma_start3A_494, %dma_start3A_495] : memref<512x32xi32, #tpu.memory_space<vmem>> -> memref<64x32xi32, #tpu.memory_space<vmem>>
    %dma_start3A_497 = arith.constant 0 : i32
    %dma_start3A_498 = tpu.memref_slice %arg10[%dma_start3A_493, %dma_start3A_497] : memref<8x64xi32, #tpu.memory_space<vmem>> -> memref<1x64xi32, #tpu.memory_space<vmem>>
    %dma_start3A_499 = tpu.memref_squeeze %dma_start3A_498 : memref<1x64xi32, #tpu.memory_space<vmem>> -> memref<64xi32, #tpu.memory_space<vmem>>
    %dma_start3A_500 = arith.constant 0 : i32
    %dma_start3A_501 = arith.constant 0 : i32
    %dma_start3A_502 = tpu.memref_slice %arg4[%dma_start3A_500, %dma_start3A_501] : memref<1000x32xi32, #tpu.memory_space<hbm>> -> memref<1000x32xi32, #tpu.memory_space<hbm>>
    tpu.enqueue_indirect_dma source(%dma_start3A_502 : memref<1000x32xi32, #tpu.memory_space<hbm>>) target(%dma_start3A_496 : memref<64x32xi32, #tpu.memory_space<vmem>>) offsets(%dma_start3A_499 : memref<64xi32, #tpu.memory_space<vmem>>) semaphore(%arg25 : memref<!tpu.dma_semaphore, #tpu.memory_space<semaphore_mem>>)
    %dma_start3A_503 = arith.constant 5 : i32
    %dma_start3A_504 = arith.constant 320 : i32
    %dma_start3A_505 = arith.constant 0 : i32
    %dma_start3A_506 = tpu.memref_slice %arg13[%dma_start3A_504, %dma_start3A_505] : memref<512x32xi32, #tpu.memory_space<vmem>> -> memref<64x32xi32, #tpu.memory_space<vmem>>
    %dma_start3A_507 = arith.constant 0 : i32
    %dma_start3A_508 = tpu.memref_slice %arg11[%dma_start3A_503, %dma_start3A_507] : memref<8x64xi32, #tpu.memory_space<vmem>> -> memref<1x64xi32, #tpu.memory_space<vmem>>
    %dma_start3A_509 = tpu.memref_squeeze %dma_start3A_508 : memref<1x64xi32, #tpu.memory_space<vmem>> -> memref<64xi32, #tpu.memory_space<vmem>>
    %dma_start3A_510 = arith.constant 0 : i32
    %dma_start3A_511 = arith.constant 0 : i32
    %dma_start3A_512 = tpu.memref_slice %arg5[%dma_start3A_510, %dma_start3A_511] : memref<1000x32xi32, #tpu.memory_space<hbm>> -> memref<1000x32xi32, #tpu.memory_space<hbm>>
    tpu.enqueue_indirect_dma source(%dma_start3A_512 : memref<1000x32xi32, #tpu.memory_space<hbm>>) target(%dma_start3A_506 : memref<64x32xi32, #tpu.memory_space<vmem>>) offsets(%dma_start3A_509 : memref<64xi32, #tpu.memory_space<vmem>>) semaphore(%arg25 : memref<!tpu.dma_semaphore, #tpu.memory_space<semaphore_mem>>)
    %dma_wait3A_513 = arith.constant 6 : i32
    %dma_wait3A_514 = arith.constant 6 : i32
    %dma_wait3A_515 = arith.constant 0 : i32
    %dma_wait3A_516 = tpu.memref_slice %arg10[%dma_wait3A_514, %dma_wait3A_515] : memref<8x64xi32, #tpu.memory_space<vmem>> -> memref<1x64xi32, #tpu.memory_space<vmem>>
    %dma_wait3A_517 = tpu.memref_squeeze %dma_wait3A_516 : memref<1x64xi32, #tpu.memory_space<vmem>> -> memref<64xi32, #tpu.memory_space<vmem>>
    %dma_wait3A_518 = arith.constant 0 : i32
    %dma_wait3A_519 = tpu.memref_slice %arg2[%add3A, %dma_wait3A_513, %dma_wait3A_518] : memref<32x8x64xi32, #tpu.memory_space<hbm>> -> memref<1x1x64xi32, #tpu.memory_space<hbm>>
    %dma_wait3A_520 = tpu.memref_squeeze %dma_wait3A_519 : memref<1x1x64xi32, #tpu.memory_space<hbm>> -> memref<64xi32, #tpu.memory_space<hbm>>
    %dma_wait3A_521 = arith.constant 0 : i32
    %dma_wait3A_522 = tpu.memref_slice %arg10[%dma_wait3A_514, %dma_wait3A_521] : memref<8x64xi32, #tpu.memory_space<vmem>> -> memref<1x64xi32, #tpu.memory_space<vmem>>
    %dma_wait3A_523 = tpu.memref_squeeze %dma_wait3A_522 : memref<1x64xi32, #tpu.memory_space<vmem>> -> memref<64xi32, #tpu.memory_space<vmem>>
    %dma_wait3A_524 = arith.constant 0 : i32
    %dma_wait3A_525 = tpu.memref_slice %arg2[%add3A, %dma_wait3A_513, %dma_wait3A_524] : memref<32x8x64xi32, #tpu.memory_space<hbm>> -> memref<1x1x64xi32, #tpu.memory_space<hbm>>
    %dma_wait3A_526 = tpu.memref_squeeze %dma_wait3A_525 : memref<1x1x64xi32, #tpu.memory_space<hbm>> -> memref<64xi32, #tpu.memory_space<hbm>>
    tpu.wait_dma2 semaphore(%arg18 : memref<!tpu.dma_semaphore, #tpu.memory_space<semaphore_mem>>) src(%dma_wait3A_526 : memref<64xi32, #tpu.memory_space<hbm>>) dst(%dma_wait3A_523 : memref<64xi32, #tpu.memory_space<vmem>>)
    %dma_wait3A_527 = arith.constant 6 : i32
    %dma_wait3A_528 = arith.constant 6 : i32
    %dma_wait3A_529 = arith.constant 0 : i32
    %dma_wait3A_530 = tpu.memref_slice %arg11[%dma_wait3A_528, %dma_wait3A_529] : memref<8x64xi32, #tpu.memory_space<vmem>> -> memref<1x64xi32, #tpu.memory_space<vmem>>
    %dma_wait3A_531 = tpu.memref_squeeze %dma_wait3A_530 : memref<1x64xi32, #tpu.memory_space<vmem>> -> memref<64xi32, #tpu.memory_space<vmem>>
    %dma_wait3A_532 = arith.constant 0 : i32
    %dma_wait3A_533 = tpu.memref_slice %arg3[%add3A, %dma_wait3A_527, %dma_wait3A_532] : memref<32x8x64xi32, #tpu.memory_space<hbm>> -> memref<1x1x64xi32, #tpu.memory_space<hbm>>
    %dma_wait3A_534 = tpu.memref_squeeze %dma_wait3A_533 : memref<1x1x64xi32, #tpu.memory_space<hbm>> -> memref<64xi32, #tpu.memory_space<hbm>>
    %dma_wait3A_535 = arith.constant 0 : i32
    %dma_wait3A_536 = tpu.memref_slice %arg11[%dma_wait3A_528, %dma_wait3A_535] : memref<8x64xi32, #tpu.memory_space<vmem>> -> memref<1x64xi32, #tpu.memory_space<vmem>>
    %dma_wait3A_537 = tpu.memref_squeeze %dma_wait3A_536 : memref<1x64xi32, #tpu.memory_space<vmem>> -> memref<64xi32, #tpu.memory_space<vmem>>
    %dma_wait3A_538 = arith.constant 0 : i32
    %dma_wait3A_539 = tpu.memref_slice %arg3[%add3A, %dma_wait3A_527, %dma_wait3A_538] : memref<32x8x64xi32, #tpu.memory_space<hbm>> -> memref<1x1x64xi32, #tpu.memory_space<hbm>>
    %dma_wait3A_540 = tpu.memref_squeeze %dma_wait3A_539 : memref<1x1x64xi32, #tpu.memory_space<hbm>> -> memref<64xi32, #tpu.memory_space<hbm>>
    tpu.wait_dma2 semaphore(%arg18 : memref<!tpu.dma_semaphore, #tpu.memory_space<semaphore_mem>>) src(%dma_wait3A_540 : memref<64xi32, #tpu.memory_space<hbm>>) dst(%dma_wait3A_537 : memref<64xi32, #tpu.memory_space<vmem>>)
    %dma_start3A_541 = arith.constant 6 : i32
    %dma_start3A_542 = arith.constant 384 : i32
    %dma_start3A_543 = arith.constant 0 : i32
    %dma_start3A_544 = tpu.memref_slice %arg12[%dma_start3A_542, %dma_start3A_543] : memref<512x32xi32, #tpu.memory_space<vmem>> -> memref<64x32xi32, #tpu.memory_space<vmem>>
    %dma_start3A_545 = arith.constant 0 : i32
    %dma_start3A_546 = tpu.memref_slice %arg10[%dma_start3A_541, %dma_start3A_545] : memref<8x64xi32, #tpu.memory_space<vmem>> -> memref<1x64xi32, #tpu.memory_space<vmem>>
    %dma_start3A_547 = tpu.memref_squeeze %dma_start3A_546 : memref<1x64xi32, #tpu.memory_space<vmem>> -> memref<64xi32, #tpu.memory_space<vmem>>
    %dma_start3A_548 = arith.constant 0 : i32
    %dma_start3A_549 = arith.constant 0 : i32
    %dma_start3A_550 = tpu.memref_slice %arg4[%dma_start3A_548, %dma_start3A_549] : memref<1000x32xi32, #tpu.memory_space<hbm>> -> memref<1000x32xi32, #tpu.memory_space<hbm>>
    tpu.enqueue_indirect_dma source(%dma_start3A_550 : memref<1000x32xi32, #tpu.memory_space<hbm>>) target(%dma_start3A_544 : memref<64x32xi32, #tpu.memory_space<vmem>>) offsets(%dma_start3A_547 : memref<64xi32, #tpu.memory_space<vmem>>) semaphore(%arg26 : memref<!tpu.dma_semaphore, #tpu.memory_space<semaphore_mem>>)
    %dma_start3A_551 = arith.constant 6 : i32
    %dma_start3A_552 = arith.constant 384 : i32
    %dma_start3A_553 = arith.constant 0 : i32
    %dma_start3A_554 = tpu.memref_slice %arg13[%dma_start3A_552, %dma_start3A_553] : memref<512x32xi32, #tpu.memory_space<vmem>> -> memref<64x32xi32, #tpu.memory_space<vmem>>
    %dma_start3A_555 = arith.constant 0 : i32
    %dma_start3A_556 = tpu.memref_slice %arg11[%dma_start3A_551, %dma_start3A_555] : memref<8x64xi32, #tpu.memory_space<vmem>> -> memref<1x64xi32, #tpu.memory_space<vmem>>
    %dma_start3A_557 = tpu.memref_squeeze %dma_start3A_556 : memref<1x64xi32, #tpu.memory_space<vmem>> -> memref<64xi32, #tpu.memory_space<vmem>>
    %dma_start3A_558 = arith.constant 0 : i32
    %dma_start3A_559 = arith.constant 0 : i32
    %dma_start3A_560 = tpu.memref_slice %arg5[%dma_start3A_558, %dma_start3A_559] : memref<1000x32xi32, #tpu.memory_space<hbm>> -> memref<1000x32xi32, #tpu.memory_space<hbm>>
    tpu.enqueue_indirect_dma source(%dma_start3A_560 : memref<1000x32xi32, #tpu.memory_space<hbm>>) target(%dma_start3A_554 : memref<64x32xi32, #tpu.memory_space<vmem>>) offsets(%dma_start3A_557 : memref<64xi32, #tpu.memory_space<vmem>>) semaphore(%arg26 : memref<!tpu.dma_semaphore, #tpu.memory_space<semaphore_mem>>)
    %dma_wait3A_561 = arith.constant 7 : i32
    %dma_wait3A_562 = arith.constant 7 : i32
    %dma_wait3A_563 = arith.constant 0 : i32
    %dma_wait3A_564 = tpu.memref_slice %arg10[%dma_wait3A_562, %dma_wait3A_563] : memref<8x64xi32, #tpu.memory_space<vmem>> -> memref<1x64xi32, #tpu.memory_space<vmem>>
    %dma_wait3A_565 = tpu.memref_squeeze %dma_wait3A_564 : memref<1x64xi32, #tpu.memory_space<vmem>> -> memref<64xi32, #tpu.memory_space<vmem>>
    %dma_wait3A_566 = arith.constant 0 : i32
    %dma_wait3A_567 = tpu.memref_slice %arg2[%add3A, %dma_wait3A_561, %dma_wait3A_566] : memref<32x8x64xi32, #tpu.memory_space<hbm>> -> memref<1x1x64xi32, #tpu.memory_space<hbm>>
    %dma_wait3A_568 = tpu.memref_squeeze %dma_wait3A_567 : memref<1x1x64xi32, #tpu.memory_space<hbm>> -> memref<64xi32, #tpu.memory_space<hbm>>
    %dma_wait3A_569 = arith.constant 0 : i32
    %dma_wait3A_570 = tpu.memref_slice %arg10[%dma_wait3A_562, %dma_wait3A_569] : memref<8x64xi32, #tpu.memory_space<vmem>> -> memref<1x64xi32, #tpu.memory_space<vmem>>
    %dma_wait3A_571 = tpu.memref_squeeze %dma_wait3A_570 : memref<1x64xi32, #tpu.memory_space<vmem>> -> memref<64xi32, #tpu.memory_space<vmem>>
    %dma_wait3A_572 = arith.constant 0 : i32
    %dma_wait3A_573 = tpu.memref_slice %arg2[%add3A, %dma_wait3A_561, %dma_wait3A_572] : memref<32x8x64xi32, #tpu.memory_space<hbm>> -> memref<1x1x64xi32, #tpu.memory_space<hbm>>
    %dma_wait3A_574 = tpu.memref_squeeze %dma_wait3A_573 : memref<1x1x64xi32, #tpu.memory_space<hbm>> -> memref<64xi32, #tpu.memory_space<hbm>>
    tpu.wait_dma2 semaphore(%arg18 : memref<!tpu.dma_semaphore, #tpu.memory_space<semaphore_mem>>) src(%dma_wait3A_574 : memref<64xi32, #tpu.memory_space<hbm>>) dst(%dma_wait3A_571 : memref<64xi32, #tpu.memory_space<vmem>>)
    %dma_wait3A_575 = arith.constant 7 : i32
    %dma_wait3A_576 = arith.constant 7 : i32
    %dma_wait3A_577 = arith.constant 0 : i32
    %dma_wait3A_578 = tpu.memref_slice %arg11[%dma_wait3A_576, %dma_wait3A_577] : memref<8x64xi32, #tpu.memory_space<vmem>> -> memref<1x64xi32, #tpu.memory_space<vmem>>
    %dma_wait3A_579 = tpu.memref_squeeze %dma_wait3A_578 : memref<1x64xi32, #tpu.memory_space<vmem>> -> memref<64xi32, #tpu.memory_space<vmem>>
    %dma_wait3A_580 = arith.constant 0 : i32
    %dma_wait3A_581 = tpu.memref_slice %arg3[%add3A, %dma_wait3A_575, %dma_wait3A_580] : memref<32x8x64xi32, #tpu.memory_space<hbm>> -> memref<1x1x64xi32, #tpu.memory_space<hbm>>
    %dma_wait3A_582 = tpu.memref_squeeze %dma_wait3A_581 : memref<1x1x64xi32, #tpu.memory_space<hbm>> -> memref<64xi32, #tpu.memory_space<hbm>>
    %dma_wait3A_583 = arith.constant 0 : i32
    %dma_wait3A_584 = tpu.memref_slice %arg11[%dma_wait3A_576, %dma_wait3A_583] : memref<8x64xi32, #tpu.memory_space<vmem>> -> memref<1x64xi32, #tpu.memory_space<vmem>>
    %dma_wait3A_585 = tpu.memref_squeeze %dma_wait3A_584 : memref<1x64xi32, #tpu.memory_space<vmem>> -> memref<64xi32, #tpu.memory_space<vmem>>
    %dma_wait3A_586 = arith.constant 0 : i32
    %dma_wait3A_587 = tpu.memref_slice %arg3[%add3A, %dma_wait3A_575, %dma_wait3A_586] : memref<32x8x64xi32, #tpu.memory_space<hbm>> -> memref<1x1x64xi32, #tpu.memory_space<hbm>>
    %dma_wait3A_588 = tpu.memref_squeeze %dma_wait3A_587 : memref<1x1x64xi32, #tpu.memory_space<hbm>> -> memref<64xi32, #tpu.memory_space<hbm>>
    tpu.wait_dma2 semaphore(%arg18 : memref<!tpu.dma_semaphore, #tpu.memory_space<semaphore_mem>>) src(%dma_wait3A_588 : memref<64xi32, #tpu.memory_space<hbm>>) dst(%dma_wait3A_585 : memref<64xi32, #tpu.memory_space<vmem>>)
    %dma_start3A_589 = arith.constant 7 : i32
    %dma_start3A_590 = arith.constant 448 : i32
    %dma_start3A_591 = arith.constant 0 : i32
    %dma_start3A_592 = tpu.memref_slice %arg12[%dma_start3A_590, %dma_start3A_591] : memref<512x32xi32, #tpu.memory_space<vmem>> -> memref<64x32xi32, #tpu.memory_space<vmem>>
    %dma_start3A_593 = arith.constant 0 : i32
    %dma_start3A_594 = tpu.memref_slice %arg10[%dma_start3A_589, %dma_start3A_593] : memref<8x64xi32, #tpu.memory_space<vmem>> -> memref<1x64xi32, #tpu.memory_space<vmem>>
    %dma_start3A_595 = tpu.memref_squeeze %dma_start3A_594 : memref<1x64xi32, #tpu.memory_space<vmem>> -> memref<64xi32, #tpu.memory_space<vmem>>
    %dma_start3A_596 = arith.constant 0 : i32
    %dma_start3A_597 = arith.constant 0 : i32
    %dma_start3A_598 = tpu.memref_slice %arg4[%dma_start3A_596, %dma_start3A_597] : memref<1000x32xi32, #tpu.memory_space<hbm>> -> memref<1000x32xi32, #tpu.memory_space<hbm>>
    tpu.enqueue_indirect_dma source(%dma_start3A_598 : memref<1000x32xi32, #tpu.memory_space<hbm>>) target(%dma_start3A_592 : memref<64x32xi32, #tpu.memory_space<vmem>>) offsets(%dma_start3A_595 : memref<64xi32, #tpu.memory_space<vmem>>) semaphore(%arg27 : memref<!tpu.dma_semaphore, #tpu.memory_space<semaphore_mem>>)
    %dma_start3A_599 = arith.constant 7 : i32
    %dma_start3A_600 = arith.constant 448 : i32
    %dma_start3A_601 = arith.constant 0 : i32
    %dma_start3A_602 = tpu.memref_slice %arg13[%dma_start3A_600, %dma_start3A_601] : memref<512x32xi32, #tpu.memory_space<vmem>> -> memref<64x32xi32, #tpu.memory_space<vmem>>
    %dma_start3A_603 = arith.constant 0 : i32
    %dma_start3A_604 = tpu.memref_slice %arg11[%dma_start3A_599, %dma_start3A_603] : memref<8x64xi32, #tpu.memory_space<vmem>> -> memref<1x64xi32, #tpu.memory_space<vmem>>
    %dma_start3A_605 = tpu.memref_squeeze %dma_start3A_604 : memref<1x64xi32, #tpu.memory_space<vmem>> -> memref<64xi32, #tpu.memory_space<vmem>>
    %dma_start3A_606 = arith.constant 0 : i32
    %dma_start3A_607 = arith.constant 0 : i32
    %dma_start3A_608 = tpu.memref_slice %arg5[%dma_start3A_606, %dma_start3A_607] : memref<1000x32xi32, #tpu.memory_space<hbm>> -> memref<1000x32xi32, #tpu.memory_space<hbm>>
    tpu.enqueue_indirect_dma source(%dma_start3A_608 : memref<1000x32xi32, #tpu.memory_space<hbm>>) target(%dma_start3A_602 : memref<64x32xi32, #tpu.memory_space<vmem>>) offsets(%dma_start3A_605 : memref<64xi32, #tpu.memory_space<vmem>>) semaphore(%arg27 : memref<!tpu.dma_semaphore, #tpu.memory_space<semaphore_mem>>)
    tpu.wait_dma2 semaphore(%arg19 : memref<!tpu.dma_semaphore, #tpu.memory_space<semaphore_mem>>) src(%arg6 : memref<1000xf32, #tpu.memory_space<hbm>>) dst(%arg14 : memref<1000xf32, #tpu.memory_space<vmem>>)
    tpu.wait_dma2 semaphore(%arg19 : memref<!tpu.dma_semaphore, #tpu.memory_space<semaphore_mem>>) src(%arg7 : memref<1000xf32, #tpu.memory_space<hbm>>) dst(%arg15 : memref<1000xf32, #tpu.memory_space<vmem>>)
    tpu.wait_dma2 semaphore(%arg19 : memref<!tpu.dma_semaphore, #tpu.memory_space<semaphore_mem>>) src(%arg8 : memref<1000xf32, #tpu.memory_space<hbm>>) dst(%arg16 : memref<1000xf32, #tpu.memory_space<vmem>>)
    %iota3A = tpu.iota {dimensions = array<i32: 0>} : vector<16xi32>
    %scan3A = arith.constant 0 : i32
    %scan3A_609 = arith.constant 0 : i32
    %scan3A_610 = arith.constant 32 : i32
    %scan3A_611 = arith.addi %scan3A_609, %scan3A_610 : i32
    %scan3A_612 = arith.constant 1 : i32
    %scan3A_613 = scf.for %scan3A_615 = %scan3A_609 to %scan3A_611 step %scan3A_612 iter_args(%scan3A_616 = %scan3A) -> (i32)  : i32 {
      %eq3A = arith.constant 0 : i32
      %eq3A_617 = arith.cmpi eq, %scan3A_615, %eq3A : i32
      %convert_element_type3A = arith.extui %eq3A_617 : i1 to i32
      %cond3A = arith.constant 0 : i32
      %cond3A_618 = arith.cmpi ne, %convert_element_type3A, %cond3A : i32
      scf.if %cond3A_618 {
        %dma_wait3A_1707 = arith.constant 0 : i32
        %dma_wait3A_1708 = arith.constant 0 : i32
        %dma_wait3A_1709 = arith.constant 0 : i32
        %dma_wait3A_1710 = tpu.memref_slice %arg12[%dma_wait3A_1708, %dma_wait3A_1709] : memref<512x32xi32, #tpu.memory_space<vmem>> -> memref<64x32xi32, #tpu.memory_space<vmem>>
        %dma_wait3A_1711 = arith.constant 0 : i32
        %dma_wait3A_1712 = tpu.memref_slice %arg10[%dma_wait3A_1707, %dma_wait3A_1711] : memref<8x64xi32, #tpu.memory_space<vmem>> -> memref<1x64xi32, #tpu.memory_space<vmem>>
        %dma_wait3A_1713 = tpu.memref_squeeze %dma_wait3A_1712 : memref<1x64xi32, #tpu.memory_space<vmem>> -> memref<64xi32, #tpu.memory_space<vmem>>
        %dma_wait3A_1714 = arith.constant 0 : i32
        %dma_wait3A_1715 = arith.constant 0 : i32
        %dma_wait3A_1716 = tpu.memref_slice %arg4[%dma_wait3A_1714, %dma_wait3A_1715] : memref<1000x32xi32, #tpu.memory_space<hbm>> -> memref<1000x32xi32, #tpu.memory_space<hbm>>
        tpu.wait_indirect_dma semaphore(%arg20 : memref<!tpu.dma_semaphore, #tpu.memory_space<semaphore_mem>>) src(%dma_wait3A_1716 : memref<1000x32xi32, #tpu.memory_space<hbm>>) dst(%dma_wait3A_1710 : memref<64x32xi32, #tpu.memory_space<vmem>>)
        %dma_wait3A_1717 = arith.constant 0 : i32
        %dma_wait3A_1718 = arith.constant 0 : i32
        %dma_wait3A_1719 = arith.constant 0 : i32
        %dma_wait3A_1720 = tpu.memref_slice %arg13[%dma_wait3A_1718, %dma_wait3A_1719] : memref<512x32xi32, #tpu.memory_space<vmem>> -> memref<64x32xi32, #tpu.memory_space<vmem>>
        %dma_wait3A_1721 = arith.constant 0 : i32
        %dma_wait3A_1722 = tpu.memref_slice %arg11[%dma_wait3A_1717, %dma_wait3A_1721] : memref<8x64xi32, #tpu.memory_space<vmem>> -> memref<1x64xi32, #tpu.memory_space<vmem>>
        %dma_wait3A_1723 = tpu.memref_squeeze %dma_wait3A_1722 : memref<1x64xi32, #tpu.memory_space<vmem>> -> memref<64xi32, #tpu.memory_space<vmem>>
        %dma_wait3A_1724 = arith.constant 0 : i32
        %dma_wait3A_1725 = arith.constant 0 : i32
        %dma_wait3A_1726 = tpu.memref_slice %arg5[%dma_wait3A_1724, %dma_wait3A_1725] : memref<1000x32xi32, #tpu.memory_space<hbm>> -> memref<1000x32xi32, #tpu.memory_space<hbm>>
        tpu.wait_indirect_dma semaphore(%arg20 : memref<!tpu.dma_semaphore, #tpu.memory_space<semaphore_mem>>) src(%dma_wait3A_1726 : memref<1000x32xi32, #tpu.memory_space<hbm>>) dst(%dma_wait3A_1720 : memref<64x32xi32, #tpu.memory_space<vmem>>)
      } else {
      }
      %eq3A_619 = arith.constant 4 : i32
      %eq3A_620 = arith.cmpi eq, %scan3A_615, %eq3A_619 : i32
      %convert_element_type3A_621 = arith.extui %eq3A_620 : i1 to i32
      %cond3A_622 = arith.constant 0 : i32
      %cond3A_623 = arith.cmpi ne, %convert_element_type3A_621, %cond3A_622 : i32
      scf.if %cond3A_623 {
        %dma_wait3A_1707 = arith.constant 1 : i32
        %dma_wait3A_1708 = arith.constant 64 : i32
        %dma_wait3A_1709 = arith.constant 0 : i32
        %dma_wait3A_1710 = tpu.memref_slice %arg12[%dma_wait3A_1708, %dma_wait3A_1709] : memref<512x32xi32, #tpu.memory_space<vmem>> -> memref<64x32xi32, #tpu.memory_space<vmem>>
        %dma_wait3A_1711 = arith.constant 0 : i32
        %dma_wait3A_1712 = tpu.memref_slice %arg10[%dma_wait3A_1707, %dma_wait3A_1711] : memref<8x64xi32, #tpu.memory_space<vmem>> -> memref<1x64xi32, #tpu.memory_space<vmem>>
        %dma_wait3A_1713 = tpu.memref_squeeze %dma_wait3A_1712 : memref<1x64xi32, #tpu.memory_space<vmem>> -> memref<64xi32, #tpu.memory_space<vmem>>
        %dma_wait3A_1714 = arith.constant 0 : i32
        %dma_wait3A_1715 = arith.constant 0 : i32
        %dma_wait3A_1716 = tpu.memref_slice %arg4[%dma_wait3A_1714, %dma_wait3A_1715] : memref<1000x32xi32, #tpu.memory_space<hbm>> -> memref<1000x32xi32, #tpu.memory_space<hbm>>
        tpu.wait_indirect_dma semaphore(%arg21 : memref<!tpu.dma_semaphore, #tpu.memory_space<semaphore_mem>>) src(%dma_wait3A_1716 : memref<1000x32xi32, #tpu.memory_space<hbm>>) dst(%dma_wait3A_1710 : memref<64x32xi32, #tpu.memory_space<vmem>>)
        %dma_wait3A_1717 = arith.constant 1 : i32
        %dma_wait3A_1718 = arith.constant 64 : i32
        %dma_wait3A_1719 = arith.constant 0 : i32
        %dma_wait3A_1720 = tpu.memref_slice %arg13[%dma_wait3A_1718, %dma_wait3A_1719] : memref<512x32xi32, #tpu.memory_space<vmem>> -> memref<64x32xi32, #tpu.memory_space<vmem>>
        %dma_wait3A_1721 = arith.constant 0 : i32
        %dma_wait3A_1722 = tpu.memref_slice %arg11[%dma_wait3A_1717, %dma_wait3A_1721] : memref<8x64xi32, #tpu.memory_space<vmem>> -> memref<1x64xi32, #tpu.memory_space<vmem>>
        %dma_wait3A_1723 = tpu.memref_squeeze %dma_wait3A_1722 : memref<1x64xi32, #tpu.memory_space<vmem>> -> memref<64xi32, #tpu.memory_space<vmem>>
        %dma_wait3A_1724 = arith.constant 0 : i32
        %dma_wait3A_1725 = arith.constant 0 : i32
        %dma_wait3A_1726 = tpu.memref_slice %arg5[%dma_wait3A_1724, %dma_wait3A_1725] : memref<1000x32xi32, #tpu.memory_space<hbm>> -> memref<1000x32xi32, #tpu.memory_space<hbm>>
        tpu.wait_indirect_dma semaphore(%arg21 : memref<!tpu.dma_semaphore, #tpu.memory_space<semaphore_mem>>) src(%dma_wait3A_1726 : memref<1000x32xi32, #tpu.memory_space<hbm>>) dst(%dma_wait3A_1720 : memref<64x32xi32, #tpu.memory_space<vmem>>)
      } else {
      }
      %eq3A_624 = arith.constant 8 : i32
      %eq3A_625 = arith.cmpi eq, %scan3A_615, %eq3A_624 : i32
      %convert_element_type3A_626 = arith.extui %eq3A_625 : i1 to i32
      %cond3A_627 = arith.constant 0 : i32
      %cond3A_628 = arith.cmpi ne, %convert_element_type3A_626, %cond3A_627 : i32
      scf.if %cond3A_628 {
        %dma_wait3A_1707 = arith.constant 2 : i32
        %dma_wait3A_1708 = arith.constant 128 : i32
        %dma_wait3A_1709 = arith.constant 0 : i32
        %dma_wait3A_1710 = tpu.memref_slice %arg12[%dma_wait3A_1708, %dma_wait3A_1709] : memref<512x32xi32, #tpu.memory_space<vmem>> -> memref<64x32xi32, #tpu.memory_space<vmem>>
        %dma_wait3A_1711 = arith.constant 0 : i32
        %dma_wait3A_1712 = tpu.memref_slice %arg10[%dma_wait3A_1707, %dma_wait3A_1711] : memref<8x64xi32, #tpu.memory_space<vmem>> -> memref<1x64xi32, #tpu.memory_space<vmem>>
        %dma_wait3A_1713 = tpu.memref_squeeze %dma_wait3A_1712 : memref<1x64xi32, #tpu.memory_space<vmem>> -> memref<64xi32, #tpu.memory_space<vmem>>
        %dma_wait3A_1714 = arith.constant 0 : i32
        %dma_wait3A_1715 = arith.constant 0 : i32
        %dma_wait3A_1716 = tpu.memref_slice %arg4[%dma_wait3A_1714, %dma_wait3A_1715] : memref<1000x32xi32, #tpu.memory_space<hbm>> -> memref<1000x32xi32, #tpu.memory_space<hbm>>
        tpu.wait_indirect_dma semaphore(%arg22 : memref<!tpu.dma_semaphore, #tpu.memory_space<semaphore_mem>>) src(%dma_wait3A_1716 : memref<1000x32xi32, #tpu.memory_space<hbm>>) dst(%dma_wait3A_1710 : memref<64x32xi32, #tpu.memory_space<vmem>>)
        %dma_wait3A_1717 = arith.constant 2 : i32
        %dma_wait3A_1718 = arith.constant 128 : i32
        %dma_wait3A_1719 = arith.constant 0 : i32
        %dma_wait3A_1720 = tpu.memref_slice %arg13[%dma_wait3A_1718, %dma_wait3A_1719] : memref<512x32xi32, #tpu.memory_space<vmem>> -> memref<64x32xi32, #tpu.memory_space<vmem>>
        %dma_wait3A_1721 = arith.constant 0 : i32
        %dma_wait3A_1722 = tpu.memref_slice %arg11[%dma_wait3A_1717, %dma_wait3A_1721] : memref<8x64xi32, #tpu.memory_space<vmem>> -> memref<1x64xi32, #tpu.memory_space<vmem>>
        %dma_wait3A_1723 = tpu.memref_squeeze %dma_wait3A_1722 : memref<1x64xi32, #tpu.memory_space<vmem>> -> memref<64xi32, #tpu.memory_space<vmem>>
        %dma_wait3A_1724 = arith.constant 0 : i32
        %dma_wait3A_1725 = arith.constant 0 : i32
        %dma_wait3A_1726 = tpu.memref_slice %arg5[%dma_wait3A_1724, %dma_wait3A_1725] : memref<1000x32xi32, #tpu.memory_space<hbm>> -> memref<1000x32xi32, #tpu.memory_space<hbm>>
        tpu.wait_indirect_dma semaphore(%arg22 : memref<!tpu.dma_semaphore, #tpu.memory_space<semaphore_mem>>) src(%dma_wait3A_1726 : memref<1000x32xi32, #tpu.memory_space<hbm>>) dst(%dma_wait3A_1720 : memref<64x32xi32, #tpu.memory_space<vmem>>)
      } else {
      }
      %eq3A_629 = arith.constant 12 : i32
      %eq3A_630 = arith.cmpi eq, %scan3A_615, %eq3A_629 : i32
      %convert_element_type3A_631 = arith.extui %eq3A_630 : i1 to i32
      %cond3A_632 = arith.constant 0 : i32
      %cond3A_633 = arith.cmpi ne, %convert_element_type3A_631, %cond3A_632 : i32
      scf.if %cond3A_633 {
        %dma_wait3A_1707 = arith.constant 3 : i32
        %dma_wait3A_1708 = arith.constant 192 : i32
        %dma_wait3A_1709 = arith.constant 0 : i32
        %dma_wait3A_1710 = tpu.memref_slice %arg12[%dma_wait3A_1708, %dma_wait3A_1709] : memref<512x32xi32, #tpu.memory_space<vmem>> -> memref<64x32xi32, #tpu.memory_space<vmem>>
        %dma_wait3A_1711 = arith.constant 0 : i32
        %dma_wait3A_1712 = tpu.memref_slice %arg10[%dma_wait3A_1707, %dma_wait3A_1711] : memref<8x64xi32, #tpu.memory_space<vmem>> -> memref<1x64xi32, #tpu.memory_space<vmem>>
        %dma_wait3A_1713 = tpu.memref_squeeze %dma_wait3A_1712 : memref<1x64xi32, #tpu.memory_space<vmem>> -> memref<64xi32, #tpu.memory_space<vmem>>
        %dma_wait3A_1714 = arith.constant 0 : i32
        %dma_wait3A_1715 = arith.constant 0 : i32
        %dma_wait3A_1716 = tpu.memref_slice %arg4[%dma_wait3A_1714, %dma_wait3A_1715] : memref<1000x32xi32, #tpu.memory_space<hbm>> -> memref<1000x32xi32, #tpu.memory_space<hbm>>
        tpu.wait_indirect_dma semaphore(%arg23 : memref<!tpu.dma_semaphore, #tpu.memory_space<semaphore_mem>>) src(%dma_wait3A_1716 : memref<1000x32xi32, #tpu.memory_space<hbm>>) dst(%dma_wait3A_1710 : memref<64x32xi32, #tpu.memory_space<vmem>>)
        %dma_wait3A_1717 = arith.constant 3 : i32
        %dma_wait3A_1718 = arith.constant 192 : i32
        %dma_wait3A_1719 = arith.constant 0 : i32
        %dma_wait3A_1720 = tpu.memref_slice %arg13[%dma_wait3A_1718, %dma_wait3A_1719] : memref<512x32xi32, #tpu.memory_space<vmem>> -> memref<64x32xi32, #tpu.memory_space<vmem>>
        %dma_wait3A_1721 = arith.constant 0 : i32
        %dma_wait3A_1722 = tpu.memref_slice %arg11[%dma_wait3A_1717, %dma_wait3A_1721] : memref<8x64xi32, #tpu.memory_space<vmem>> -> memref<1x64xi32, #tpu.memory_space<vmem>>
        %dma_wait3A_1723 = tpu.memref_squeeze %dma_wait3A_1722 : memref<1x64xi32, #tpu.memory_space<vmem>> -> memref<64xi32, #tpu.memory_space<vmem>>
        %dma_wait3A_1724 = arith.constant 0 : i32
        %dma_wait3A_1725 = arith.constant 0 : i32
        %dma_wait3A_1726 = tpu.memref_slice %arg5[%dma_wait3A_1724, %dma_wait3A_1725] : memref<1000x32xi32, #tpu.memory_space<hbm>> -> memref<1000x32xi32, #tpu.memory_space<hbm>>
        tpu.wait_indirect_dma semaphore(%arg23 : memref<!tpu.dma_semaphore, #tpu.memory_space<semaphore_mem>>) src(%dma_wait3A_1726 : memref<1000x32xi32, #tpu.memory_space<hbm>>) dst(%dma_wait3A_1720 : memref<64x32xi32, #tpu.memory_space<vmem>>)
      } else {
      }
      %eq3A_634 = arith.constant 16 : i32
      %eq3A_635 = arith.cmpi eq, %scan3A_615, %eq3A_634 : i32
      %convert_element_type3A_636 = arith.extui %eq3A_635 : i1 to i32
      %cond3A_637 = arith.constant 0 : i32
      %cond3A_638 = arith.cmpi ne, %convert_element_type3A_636, %cond3A_637 : i32
      scf.if %cond3A_638 {
        %dma_wait3A_1707 = arith.constant 4 : i32
        %dma_wait3A_1708 = arith.constant 256 : i32
        %dma_wait3A_1709 = arith.constant 0 : i32
        %dma_wait3A_1710 = tpu.memref_slice %arg12[%dma_wait3A_1708, %dma_wait3A_1709] : memref<512x32xi32, #tpu.memory_space<vmem>> -> memref<64x32xi32, #tpu.memory_space<vmem>>
        %dma_wait3A_1711 = arith.constant 0 : i32
        %dma_wait3A_1712 = tpu.memref_slice %arg10[%dma_wait3A_1707, %dma_wait3A_1711] : memref<8x64xi32, #tpu.memory_space<vmem>> -> memref<1x64xi32, #tpu.memory_space<vmem>>
        %dma_wait3A_1713 = tpu.memref_squeeze %dma_wait3A_1712 : memref<1x64xi32, #tpu.memory_space<vmem>> -> memref<64xi32, #tpu.memory_space<vmem>>
        %dma_wait3A_1714 = arith.constant 0 : i32
        %dma_wait3A_1715 = arith.constant 0 : i32
        %dma_wait3A_1716 = tpu.memref_slice %arg4[%dma_wait3A_1714, %dma_wait3A_1715] : memref<1000x32xi32, #tpu.memory_space<hbm>> -> memref<1000x32xi32, #tpu.memory_space<hbm>>
        tpu.wait_indirect_dma semaphore(%arg24 : memref<!tpu.dma_semaphore, #tpu.memory_space<semaphore_mem>>) src(%dma_wait3A_1716 : memref<1000x32xi32, #tpu.memory_space<hbm>>) dst(%dma_wait3A_1710 : memref<64x32xi32, #tpu.memory_space<vmem>>)
        %dma_wait3A_1717 = arith.constant 4 : i32
        %dma_wait3A_1718 = arith.constant 256 : i32
        %dma_wait3A_1719 = arith.constant 0 : i32
        %dma_wait3A_1720 = tpu.memref_slice %arg13[%dma_wait3A_1718, %dma_wait3A_1719] : memref<512x32xi32, #tpu.memory_space<vmem>> -> memref<64x32xi32, #tpu.memory_space<vmem>>
        %dma_wait3A_1721 = arith.constant 0 : i32
        %dma_wait3A_1722 = tpu.memref_slice %arg11[%dma_wait3A_1717, %dma_wait3A_1721] : memref<8x64xi32, #tpu.memory_space<vmem>> -> memref<1x64xi32, #tpu.memory_space<vmem>>
        %dma_wait3A_1723 = tpu.memref_squeeze %dma_wait3A_1722 : memref<1x64xi32, #tpu.memory_space<vmem>> -> memref<64xi32, #tpu.memory_space<vmem>>
        %dma_wait3A_1724 = arith.constant 0 : i32
        %dma_wait3A_1725 = arith.constant 0 : i32
        %dma_wait3A_1726 = tpu.memref_slice %arg5[%dma_wait3A_1724, %dma_wait3A_1725] : memref<1000x32xi32, #tpu.memory_space<hbm>> -> memref<1000x32xi32, #tpu.memory_space<hbm>>
        tpu.wait_indirect_dma semaphore(%arg24 : memref<!tpu.dma_semaphore, #tpu.memory_space<semaphore_mem>>) src(%dma_wait3A_1726 : memref<1000x32xi32, #tpu.memory_space<hbm>>) dst(%dma_wait3A_1720 : memref<64x32xi32, #tpu.memory_space<vmem>>)
      } else {
      }
      %eq3A_639 = arith.constant 20 : i32
      %eq3A_640 = arith.cmpi eq, %scan3A_615, %eq3A_639 : i32
      %convert_element_type3A_641 = arith.extui %eq3A_640 : i1 to i32
      %cond3A_642 = arith.constant 0 : i32
      %cond3A_643 = arith.cmpi ne, %convert_element_type3A_641, %cond3A_642 : i32
      scf.if %cond3A_643 {
        %dma_wait3A_1707 = arith.constant 5 : i32
        %dma_wait3A_1708 = arith.constant 320 : i32
        %dma_wait3A_1709 = arith.constant 0 : i32
        %dma_wait3A_1710 = tpu.memref_slice %arg12[%dma_wait3A_1708, %dma_wait3A_1709] : memref<512x32xi32, #tpu.memory_space<vmem>> -> memref<64x32xi32, #tpu.memory_space<vmem>>
        %dma_wait3A_1711 = arith.constant 0 : i32
        %dma_wait3A_1712 = tpu.memref_slice %arg10[%dma_wait3A_1707, %dma_wait3A_1711] : memref<8x64xi32, #tpu.memory_space<vmem>> -> memref<1x64xi32, #tpu.memory_space<vmem>>
        %dma_wait3A_1713 = tpu.memref_squeeze %dma_wait3A_1712 : memref<1x64xi32, #tpu.memory_space<vmem>> -> memref<64xi32, #tpu.memory_space<vmem>>
        %dma_wait3A_1714 = arith.constant 0 : i32
        %dma_wait3A_1715 = arith.constant 0 : i32
        %dma_wait3A_1716 = tpu.memref_slice %arg4[%dma_wait3A_1714, %dma_wait3A_1715] : memref<1000x32xi32, #tpu.memory_space<hbm>> -> memref<1000x32xi32, #tpu.memory_space<hbm>>
        tpu.wait_indirect_dma semaphore(%arg25 : memref<!tpu.dma_semaphore, #tpu.memory_space<semaphore_mem>>) src(%dma_wait3A_1716 : memref<1000x32xi32, #tpu.memory_space<hbm>>) dst(%dma_wait3A_1710 : memref<64x32xi32, #tpu.memory_space<vmem>>)
        %dma_wait3A_1717 = arith.constant 5 : i32
        %dma_wait3A_1718 = arith.constant 320 : i32
        %dma_wait3A_1719 = arith.constant 0 : i32
        %dma_wait3A_1720 = tpu.memref_slice %arg13[%dma_wait3A_1718, %dma_wait3A_1719] : memref<512x32xi32, #tpu.memory_space<vmem>> -> memref<64x32xi32, #tpu.memory_space<vmem>>
        %dma_wait3A_1721 = arith.constant 0 : i32
        %dma_wait3A_1722 = tpu.memref_slice %arg11[%dma_wait3A_1717, %dma_wait3A_1721] : memref<8x64xi32, #tpu.memory_space<vmem>> -> memref<1x64xi32, #tpu.memory_space<vmem>>
        %dma_wait3A_1723 = tpu.memref_squeeze %dma_wait3A_1722 : memref<1x64xi32, #tpu.memory_space<vmem>> -> memref<64xi32, #tpu.memory_space<vmem>>
        %dma_wait3A_1724 = arith.constant 0 : i32
        %dma_wait3A_1725 = arith.constant 0 : i32
        %dma_wait3A_1726 = tpu.memref_slice %arg5[%dma_wait3A_1724, %dma_wait3A_1725] : memref<1000x32xi32, #tpu.memory_space<hbm>> -> memref<1000x32xi32, #tpu.memory_space<hbm>>
        tpu.wait_indirect_dma semaphore(%arg25 : memref<!tpu.dma_semaphore, #tpu.memory_space<semaphore_mem>>) src(%dma_wait3A_1726 : memref<1000x32xi32, #tpu.memory_space<hbm>>) dst(%dma_wait3A_1720 : memref<64x32xi32, #tpu.memory_space<vmem>>)
      } else {
      }
      %eq3A_644 = arith.constant 24 : i32
      %eq3A_645 = arith.cmpi eq, %scan3A_615, %eq3A_644 : i32
      %convert_element_type3A_646 = arith.extui %eq3A_645 : i1 to i32
      %cond3A_647 = arith.constant 0 : i32
      %cond3A_648 = arith.cmpi ne, %convert_element_type3A_646, %cond3A_647 : i32
      scf.if %cond3A_648 {
        %dma_wait3A_1707 = arith.constant 6 : i32
        %dma_wait3A_1708 = arith.constant 384 : i32
        %dma_wait3A_1709 = arith.constant 0 : i32
        %dma_wait3A_1710 = tpu.memref_slice %arg12[%dma_wait3A_1708, %dma_wait3A_1709] : memref<512x32xi32, #tpu.memory_space<vmem>> -> memref<64x32xi32, #tpu.memory_space<vmem>>
        %dma_wait3A_1711 = arith.constant 0 : i32
        %dma_wait3A_1712 = tpu.memref_slice %arg10[%dma_wait3A_1707, %dma_wait3A_1711] : memref<8x64xi32, #tpu.memory_space<vmem>> -> memref<1x64xi32, #tpu.memory_space<vmem>>
        %dma_wait3A_1713 = tpu.memref_squeeze %dma_wait3A_1712 : memref<1x64xi32, #tpu.memory_space<vmem>> -> memref<64xi32, #tpu.memory_space<vmem>>
        %dma_wait3A_1714 = arith.constant 0 : i32
        %dma_wait3A_1715 = arith.constant 0 : i32
        %dma_wait3A_1716 = tpu.memref_slice %arg4[%dma_wait3A_1714, %dma_wait3A_1715] : memref<1000x32xi32, #tpu.memory_space<hbm>> -> memref<1000x32xi32, #tpu.memory_space<hbm>>
        tpu.wait_indirect_dma semaphore(%arg26 : memref<!tpu.dma_semaphore, #tpu.memory_space<semaphore_mem>>) src(%dma_wait3A_1716 : memref<1000x32xi32, #tpu.memory_space<hbm>>) dst(%dma_wait3A_1710 : memref<64x32xi32, #tpu.memory_space<vmem>>)
        %dma_wait3A_1717 = arith.constant 6 : i32
        %dma_wait3A_1718 = arith.constant 384 : i32
        %dma_wait3A_1719 = arith.constant 0 : i32
        %dma_wait3A_1720 = tpu.memref_slice %arg13[%dma_wait3A_1718, %dma_wait3A_1719] : memref<512x32xi32, #tpu.memory_space<vmem>> -> memref<64x32xi32, #tpu.memory_space<vmem>>
        %dma_wait3A_1721 = arith.constant 0 : i32
        %dma_wait3A_1722 = tpu.memref_slice %arg11[%dma_wait3A_1717, %dma_wait3A_1721] : memref<8x64xi32, #tpu.memory_space<vmem>> -> memref<1x64xi32, #tpu.memory_space<vmem>>
        %dma_wait3A_1723 = tpu.memref_squeeze %dma_wait3A_1722 : memref<1x64xi32, #tpu.memory_space<vmem>> -> memref<64xi32, #tpu.memory_space<vmem>>
        %dma_wait3A_1724 = arith.constant 0 : i32
        %dma_wait3A_1725 = arith.constant 0 : i32
        %dma_wait3A_1726 = tpu.memref_slice %arg5[%dma_wait3A_1724, %dma_wait3A_1725] : memref<1000x32xi32, #tpu.memory_space<hbm>> -> memref<1000x32xi32, #tpu.memory_space<hbm>>
        tpu.wait_indirect_dma semaphore(%arg26 : memref<!tpu.dma_semaphore, #tpu.memory_space<semaphore_mem>>) src(%dma_wait3A_1726 : memref<1000x32xi32, #tpu.memory_space<hbm>>) dst(%dma_wait3A_1720 : memref<64x32xi32, #tpu.memory_space<vmem>>)
      } else {
      }
      %eq3A_649 = arith.constant 28 : i32
      %eq3A_650 = arith.cmpi eq, %scan3A_615, %eq3A_649 : i32
      %convert_element_type3A_651 = arith.extui %eq3A_650 : i1 to i32
      %cond3A_652 = arith.constant 0 : i32
      %cond3A_653 = arith.cmpi ne, %convert_element_type3A_651, %cond3A_652 : i32
      scf.if %cond3A_653 {
        %dma_wait3A_1707 = arith.constant 7 : i32
        %dma_wait3A_1708 = arith.constant 448 : i32
        %dma_wait3A_1709 = arith.constant 0 : i32
        %dma_wait3A_1710 = tpu.memref_slice %arg12[%dma_wait3A_1708, %dma_wait3A_1709] : memref<512x32xi32, #tpu.memory_space<vmem>> -> memref<64x32xi32, #tpu.memory_space<vmem>>
        %dma_wait3A_1711 = arith.constant 0 : i32
        %dma_wait3A_1712 = tpu.memref_slice %arg10[%dma_wait3A_1707, %dma_wait3A_1711] : memref<8x64xi32, #tpu.memory_space<vmem>> -> memref<1x64xi32, #tpu.memory_space<vmem>>
        %dma_wait3A_1713 = tpu.memref_squeeze %dma_wait3A_1712 : memref<1x64xi32, #tpu.memory_space<vmem>> -> memref<64xi32, #tpu.memory_space<vmem>>
        %dma_wait3A_1714 = arith.constant 0 : i32
        %dma_wait3A_1715 = arith.constant 0 : i32
        %dma_wait3A_1716 = tpu.memref_slice %arg4[%dma_wait3A_1714, %dma_wait3A_1715] : memref<1000x32xi32, #tpu.memory_space<hbm>> -> memref<1000x32xi32, #tpu.memory_space<hbm>>
        tpu.wait_indirect_dma semaphore(%arg27 : memref<!tpu.dma_semaphore, #tpu.memory_space<semaphore_mem>>) src(%dma_wait3A_1716 : memref<1000x32xi32, #tpu.memory_space<hbm>>) dst(%dma_wait3A_1710 : memref<64x32xi32, #tpu.memory_space<vmem>>)
        %dma_wait3A_1717 = arith.constant 7 : i32
        %dma_wait3A_1718 = arith.constant 448 : i32
        %dma_wait3A_1719 = arith.constant 0 : i32
        %dma_wait3A_1720 = tpu.memref_slice %arg13[%dma_wait3A_1718, %dma_wait3A_1719] : memref<512x32xi32, #tpu.memory_space<vmem>> -> memref<64x32xi32, #tpu.memory_space<vmem>>
        %dma_wait3A_1721 = arith.constant 0 : i32
        %dma_wait3A_1722 = tpu.memref_slice %arg11[%dma_wait3A_1717, %dma_wait3A_1721] : memref<8x64xi32, #tpu.memory_space<vmem>> -> memref<1x64xi32, #tpu.memory_space<vmem>>
        %dma_wait3A_1723 = tpu.memref_squeeze %dma_wait3A_1722 : memref<1x64xi32, #tpu.memory_space<vmem>> -> memref<64xi32, #tpu.memory_space<vmem>>
        %dma_wait3A_1724 = arith.constant 0 : i32
        %dma_wait3A_1725 = arith.constant 0 : i32
        %dma_wait3A_1726 = tpu.memref_slice %arg5[%dma_wait3A_1724, %dma_wait3A_1725] : memref<1000x32xi32, #tpu.memory_space<hbm>> -> memref<1000x32xi32, #tpu.memory_space<hbm>>
        tpu.wait_indirect_dma semaphore(%arg27 : memref<!tpu.dma_semaphore, #tpu.memory_space<semaphore_mem>>) src(%dma_wait3A_1726 : memref<1000x32xi32, #tpu.memory_space<hbm>>) dst(%dma_wait3A_1720 : memref<64x32xi32, #tpu.memory_space<vmem>>)
      } else {
      }
      %jit3A = arith.constant 4 : i32
      %div3A = arith.divsi %scan3A_615, %jit3A : i32
      %sign3A = arith.constant 0 : i32
      %sign3A_654 = arith.cmpi sgt, %scan3A_615, %sign3A : i32
      %sign3A_655 = arith.extui %sign3A_654 : i1 to i32
      %sign3A_656 = arith.constant 0 : i32
      %sign3A_657 = arith.cmpi slt, %scan3A_615, %sign3A_656 : i32
      %sign3A_658 = arith.extui %sign3A_657 : i1 to i32
      %sign3A_659 = arith.subi %sign3A_655, %sign3A_658 : i32
      %sign3A_660 = arith.constant 0 : i32
      %sign3A_661 = arith.cmpi sgt, %jit3A, %sign3A_660 : i32
      %sign3A_662 = arith.extui %sign3A_661 : i1 to i32
      %sign3A_663 = arith.constant 0 : i32
      %sign3A_664 = arith.cmpi slt, %jit3A, %sign3A_663 : i32
      %sign3A_665 = arith.extui %sign3A_664 : i1 to i32
      %sign3A_666 = arith.subi %sign3A_662, %sign3A_665 : i32
      %ne3A = arith.cmpi ne, %sign3A_659, %sign3A_666 : i32
      %rem3A = arith.remsi %scan3A_615, %jit3A : i32
      %ne3A_667 = arith.constant 0 : i32
      %ne3A_668 = arith.cmpi ne, %rem3A, %ne3A_667 : i32
      %and3A = arith.andi %ne3A, %ne3A_668 : i1
      %sub3A = arith.constant 1 : i32
      %sub3A_669 = arith.subi %div3A, %sub3A : i32
      %select_n3A = arith.select %and3A, %sub3A_669, %div3A : i32
      %jit3A_670 = arith.constant 4 : i32
      %eq3A_671 = arith.constant 0 : i32
      %eq3A_672 = arith.cmpi eq, %jit3A_670, %eq3A_671 : i32
      %jit3A_673 = arith.constant 1 : i32
      %select_n3A_674 = arith.select %eq3A_672, %jit3A_673, %jit3A_670 : i32
      %rem3A_675 = arith.remsi %scan3A_615, %select_n3A_674 : i32
      %ne3A_676 = arith.constant 0 : i32
      %ne3A_677 = arith.cmpi ne, %rem3A_675, %ne3A_676 : i32
      %lt3A = arith.constant 0 : i32
      %lt3A_678 = arith.cmpi slt, %rem3A_675, %lt3A : i32
      %lt3A_679 = arith.constant 0 : i32
      %lt3A_680 = arith.cmpi slt, %select_n3A_674, %lt3A_679 : i32
      %ne3A_681 = arith.xori %lt3A_678, %lt3A_680 : i1
      %and3A_682 = arith.andi %ne3A_681, %ne3A_677 : i1
      %add3A_683 = arith.addi %rem3A_675, %select_n3A_674 : i32
      %select_n3A_684 = arith.select %and3A_682, %add3A_683, %rem3A_675 : i32
      %mul3A_685 = arith.constant 16 : i32
      %mul3A_686 = arith.muli %scan3A_615, %mul3A_685 : i32
      %mul3A_687 = arith.constant 16 : i32
      %mul3A_688 = arith.muli %select_n3A_684, %mul3A_687 : i32
      %get3A = arith.index_cast %select_n3A : i32 to index
      %get3A_689 = arith.index_cast %mul3A_688 : i32 to index
      %get3A_690 = tpu.vector_load %arg10[%get3A, %get3A_689] {strides = array<i32>} : memref<8x64xi32, #tpu.memory_space<vmem>>, vector<16xi32>,
      %mul3A_691 = arith.constant 16 : i32
      %mul3A_692 = arith.muli %select_n3A_684, %mul3A_691 : i32
      %get3A_693 = arith.index_cast %select_n3A : i32 to index
      %get3A_694 = arith.index_cast %mul3A_692 : i32 to index
      %get3A_695 = tpu.vector_load %arg11[%get3A_693, %get3A_694] {strides = array<i32>} : memref<8x64xi32, #tpu.memory_space<vmem>>, vector<16xi32>,
      %add3A_696 = arith.constant 0 : i32
      %add3A_697 = arith.addi %mul3A_686, %add3A_696 : i32
      %get3A_698 = arith.index_cast %add3A_697 : i32 to index
      %get3A_699 = arith.constant 0 : index
      %get3A_700 = tpu.vector_load %arg12[%get3A_698, %get3A_699] {strides = array<i32>} : memref<512x32xi32, #tpu.memory_space<vmem>>, vector<16xi32>,
      %bitcast3A = vector.bitcast %get3A_700 : vector<16xi32> to vector<32xbf16>
      %get3A_701 = arith.index_cast %add3A_697 : i32 to index
      %get3A_702 = arith.constant 0 : index
      %get3A_703 = tpu.vector_load %arg13[%get3A_701, %get3A_702] {strides = array<i32>} : memref<512x32xi32, #tpu.memory_space<vmem>>, vector<16xi32>,
      %bitcast3A_704 = vector.bitcast %get3A_703 : vector<16xi32> to vector<32xbf16>
      %unpack3A = tpu.unpack_subelements %bitcast3A, 0 {pack_format = #tpu.pack_format<interleaved>} : vector<32xbf16> -> vector<16xf32>
      %unpack3A_705 = tpu.unpack_subelements %bitcast3A, 1 {pack_format = #tpu.pack_format<interleaved>} : vector<32xbf16> -> vector<16xf32>
      %unpack3A_706 = tpu.unpack_subelements %bitcast3A_704, 0 {pack_format = #tpu.pack_format<interleaved>} : vector<32xbf16> -> vector<16xf32>
      %unpack3A_707 = tpu.unpack_subelements %bitcast3A_704, 1 {pack_format = #tpu.pack_format<interleaved>} : vector<32xbf16> -> vector<16xf32>
      %mul3A_708 = arith.mulf %unpack3A, %unpack3A_706 : vector<16xf32>
      %mul3A_709 = arith.mulf %unpack3A_705, %unpack3A_707 : vector<16xf32>
      %add3A_710 = arith.addf %mul3A_708, %mul3A_709 : vector<16xf32>
      %get3A_711 = arith.index_cast %add3A_697 : i32 to index
      %get3A_712 = arith.constant 16 : index
      %get3A_713 = tpu.vector_load %arg12[%get3A_711, %get3A_712] {strides = array<i32>} : memref<512x32xi32, #tpu.memory_space<vmem>>, vector<16xi32>,
      %bitcast3A_714 = vector.bitcast %get3A_713 : vector<16xi32> to vector<32xbf16>
      %get3A_715 = arith.index_cast %add3A_697 : i32 to index
      %get3A_716 = arith.constant 16 : index
      %get3A_717 = tpu.vector_load %arg13[%get3A_715, %get3A_716] {strides = array<i32>} : memref<512x32xi32, #tpu.memory_space<vmem>>, vector<16xi32>,
      %bitcast3A_718 = vector.bitcast %get3A_717 : vector<16xi32> to vector<32xbf16>
      %unpack3A_719 = tpu.unpack_subelements %bitcast3A_714, 0 {pack_format = #tpu.pack_format<interleaved>} : vector<32xbf16> -> vector<16xf32>
      %unpack3A_720 = tpu.unpack_subelements %bitcast3A_714, 1 {pack_format = #tpu.pack_format<interleaved>} : vector<32xbf16> -> vector<16xf32>
      %unpack3A_721 = tpu.unpack_subelements %bitcast3A_718, 0 {pack_format = #tpu.pack_format<interleaved>} : vector<32xbf16> -> vector<16xf32>
      %unpack3A_722 = tpu.unpack_subelements %bitcast3A_718, 1 {pack_format = #tpu.pack_format<interleaved>} : vector<32xbf16> -> vector<16xf32>
      %mul3A_723 = arith.mulf %unpack3A_719, %unpack3A_721 : vector<16xf32>
      %mul3A_724 = arith.mulf %unpack3A_720, %unpack3A_722 : vector<16xf32>
      %add3A_725 = arith.addf %mul3A_723, %mul3A_724 : vector<16xf32>
      %add3A_726 = arith.addf %add3A_710, %add3A_725 : vector<16xf32>
      %add3A_727 = arith.constant 1 : i32
      %add3A_728 = arith.addi %mul3A_686, %add3A_727 : i32
      %get3A_729 = arith.index_cast %add3A_728 : i32 to index
      %get3A_730 = arith.constant 0 : index
      %get3A_731 = tpu.vector_load %arg12[%get3A_729, %get3A_730] {strides = array<i32>} : memref<512x32xi32, #tpu.memory_space<vmem>>, vector<16xi32>,
      %bitcast3A_732 = vector.bitcast %get3A_731 : vector<16xi32> to vector<32xbf16>
      %get3A_733 = arith.index_cast %add3A_728 : i32 to index
      %get3A_734 = arith.constant 0 : index
      %get3A_735 = tpu.vector_load %arg13[%get3A_733, %get3A_734] {strides = array<i32>} : memref<512x32xi32, #tpu.memory_space<vmem>>, vector<16xi32>,
      %bitcast3A_736 = vector.bitcast %get3A_735 : vector<16xi32> to vector<32xbf16>
      %unpack3A_737 = tpu.unpack_subelements %bitcast3A_732, 0 {pack_format = #tpu.pack_format<interleaved>} : vector<32xbf16> -> vector<16xf32>
      %unpack3A_738 = tpu.unpack_subelements %bitcast3A_732, 1 {pack_format = #tpu.pack_format<interleaved>} : vector<32xbf16> -> vector<16xf32>
      %unpack3A_739 = tpu.unpack_subelements %bitcast3A_736, 0 {pack_format = #tpu.pack_format<interleaved>} : vector<32xbf16> -> vector<16xf32>
      %unpack3A_740 = tpu.unpack_subelements %bitcast3A_736, 1 {pack_format = #tpu.pack_format<interleaved>} : vector<32xbf16> -> vector<16xf32>
      %mul3A_741 = arith.mulf %unpack3A_737, %unpack3A_739 : vector<16xf32>
      %mul3A_742 = arith.mulf %unpack3A_738, %unpack3A_740 : vector<16xf32>
      %add3A_743 = arith.addf %mul3A_741, %mul3A_742 : vector<16xf32>
      %get3A_744 = arith.index_cast %add3A_728 : i32 to index
      %get3A_745 = arith.constant 16 : index
      %get3A_746 = tpu.vector_load %arg12[%get3A_744, %get3A_745] {strides = array<i32>} : memref<512x32xi32, #tpu.memory_space<vmem>>, vector<16xi32>,
      %bitcast3A_747 = vector.bitcast %get3A_746 : vector<16xi32> to vector<32xbf16>
      %get3A_748 = arith.index_cast %add3A_728 : i32 to index
      %get3A_749 = arith.constant 16 : index
      %get3A_750 = tpu.vector_load %arg13[%get3A_748, %get3A_749] {strides = array<i32>} : memref<512x32xi32, #tpu.memory_space<vmem>>, vector<16xi32>,
      %bitcast3A_751 = vector.bitcast %get3A_750 : vector<16xi32> to vector<32xbf16>
      %unpack3A_752 = tpu.unpack_subelements %bitcast3A_747, 0 {pack_format = #tpu.pack_format<interleaved>} : vector<32xbf16> -> vector<16xf32>
      %unpack3A_753 = tpu.unpack_subelements %bitcast3A_747, 1 {pack_format = #tpu.pack_format<interleaved>} : vector<32xbf16> -> vector<16xf32>
      %unpack3A_754 = tpu.unpack_subelements %bitcast3A_751, 0 {pack_format = #tpu.pack_format<interleaved>} : vector<32xbf16> -> vector<16xf32>
      %unpack3A_755 = tpu.unpack_subelements %bitcast3A_751, 1 {pack_format = #tpu.pack_format<interleaved>} : vector<32xbf16> -> vector<16xf32>
      %mul3A_756 = arith.mulf %unpack3A_752, %unpack3A_754 : vector<16xf32>
      %mul3A_757 = arith.mulf %unpack3A_753, %unpack3A_755 : vector<16xf32>
      %add3A_758 = arith.addf %mul3A_756, %mul3A_757 : vector<16xf32>
      %add3A_759 = arith.addf %add3A_743, %add3A_758 : vector<16xf32>
      %add3A_760 = arith.constant 2 : i32
      %add3A_761 = arith.addi %mul3A_686, %add3A_760 : i32
      %get3A_762 = arith.index_cast %add3A_761 : i32 to index
      %get3A_763 = arith.constant 0 : index
      %get3A_764 = tpu.vector_load %arg12[%get3A_762, %get3A_763] {strides = array<i32>} : memref<512x32xi32, #tpu.memory_space<vmem>>, vector<16xi32>,
      %bitcast3A_765 = vector.bitcast %get3A_764 : vector<16xi32> to vector<32xbf16>
      %get3A_766 = arith.index_cast %add3A_761 : i32 to index
      %get3A_767 = arith.constant 0 : index
      %get3A_768 = tpu.vector_load %arg13[%get3A_766, %get3A_767] {strides = array<i32>} : memref<512x32xi32, #tpu.memory_space<vmem>>, vector<16xi32>,
      %bitcast3A_769 = vector.bitcast %get3A_768 : vector<16xi32> to vector<32xbf16>
      %unpack3A_770 = tpu.unpack_subelements %bitcast3A_765, 0 {pack_format = #tpu.pack_format<interleaved>} : vector<32xbf16> -> vector<16xf32>
      %unpack3A_771 = tpu.unpack_subelements %bitcast3A_765, 1 {pack_format = #tpu.pack_format<interleaved>} : vector<32xbf16> -> vector<16xf32>
      %unpack3A_772 = tpu.unpack_subelements %bitcast3A_769, 0 {pack_format = #tpu.pack_format<interleaved>} : vector<32xbf16> -> vector<16xf32>
      %unpack3A_773 = tpu.unpack_subelements %bitcast3A_769, 1 {pack_format = #tpu.pack_format<interleaved>} : vector<32xbf16> -> vector<16xf32>
      %mul3A_774 = arith.mulf %unpack3A_770, %unpack3A_772 : vector<16xf32>
      %mul3A_775 = arith.mulf %unpack3A_771, %unpack3A_773 : vector<16xf32>
      %add3A_776 = arith.addf %mul3A_774, %mul3A_775 : vector<16xf32>
      %get3A_777 = arith.index_cast %add3A_761 : i32 to index
      %get3A_778 = arith.constant 16 : index
      %get3A_779 = tpu.vector_load %arg12[%get3A_777, %get3A_778] {strides = array<i32>} : memref<512x32xi32, #tpu.memory_space<vmem>>, vector<16xi32>,
      %bitcast3A_780 = vector.bitcast %get3A_779 : vector<16xi32> to vector<32xbf16>
      %get3A_781 = arith.index_cast %add3A_761 : i32 to index
      %get3A_782 = arith.constant 16 : index
      %get3A_783 = tpu.vector_load %arg13[%get3A_781, %get3A_782] {strides = array<i32>} : memref<512x32xi32, #tpu.memory_space<vmem>>, vector<16xi32>,
      %bitcast3A_784 = vector.bitcast %get3A_783 : vector<16xi32> to vector<32xbf16>
      %unpack3A_785 = tpu.unpack_subelements %bitcast3A_780, 0 {pack_format = #tpu.pack_format<interleaved>} : vector<32xbf16> -> vector<16xf32>
      %unpack3A_786 = tpu.unpack_subelements %bitcast3A_780, 1 {pack_format = #tpu.pack_format<interleaved>} : vector<32xbf16> -> vector<16xf32>
      %unpack3A_787 = tpu.unpack_subelements %bitcast3A_784, 0 {pack_format = #tpu.pack_format<interleaved>} : vector<32xbf16> -> vector<16xf32>
      %unpack3A_788 = tpu.unpack_subelements %bitcast3A_784, 1 {pack_format = #tpu.pack_format<interleaved>} : vector<32xbf16> -> vector<16xf32>
      %mul3A_789 = arith.mulf %unpack3A_785, %unpack3A_787 : vector<16xf32>
      %mul3A_790 = arith.mulf %unpack3A_786, %unpack3A_788 : vector<16xf32>
      %add3A_791 = arith.addf %mul3A_789, %mul3A_790 : vector<16xf32>
      %add3A_792 = arith.addf %add3A_776, %add3A_791 : vector<16xf32>
      %add3A_793 = arith.constant 3 : i32
      %add3A_794 = arith.addi %mul3A_686, %add3A_793 : i32
      %get3A_795 = arith.index_cast %add3A_794 : i32 to index
      %get3A_796 = arith.constant 0 : index
      %get3A_797 = tpu.vector_load %arg12[%get3A_795, %get3A_796] {strides = array<i32>} : memref<512x32xi32, #tpu.memory_space<vmem>>, vector<16xi32>,
      %bitcast3A_798 = vector.bitcast %get3A_797 : vector<16xi32> to vector<32xbf16>
      %get3A_799 = arith.index_cast %add3A_794 : i32 to index
      %get3A_800 = arith.constant 0 : index
      %get3A_801 = tpu.vector_load %arg13[%get3A_799, %get3A_800] {strides = array<i32>} : memref<512x32xi32, #tpu.memory_space<vmem>>, vector<16xi32>,
      %bitcast3A_802 = vector.bitcast %get3A_801 : vector<16xi32> to vector<32xbf16>
      %unpack3A_803 = tpu.unpack_subelements %bitcast3A_798, 0 {pack_format = #tpu.pack_format<interleaved>} : vector<32xbf16> -> vector<16xf32>
      %unpack3A_804 = tpu.unpack_subelements %bitcast3A_798, 1 {pack_format = #tpu.pack_format<interleaved>} : vector<32xbf16> -> vector<16xf32>
      %unpack3A_805 = tpu.unpack_subelements %bitcast3A_802, 0 {pack_format = #tpu.pack_format<interleaved>} : vector<32xbf16> -> vector<16xf32>
      %unpack3A_806 = tpu.unpack_subelements %bitcast3A_802, 1 {pack_format = #tpu.pack_format<interleaved>} : vector<32xbf16> -> vector<16xf32>
      %mul3A_807 = arith.mulf %unpack3A_803, %unpack3A_805 : vector<16xf32>
      %mul3A_808 = arith.mulf %unpack3A_804, %unpack3A_806 : vector<16xf32>
      %add3A_809 = arith.addf %mul3A_807, %mul3A_808 : vector<16xf32>
      %get3A_810 = arith.index_cast %add3A_794 : i32 to index
      %get3A_811 = arith.constant 16 : index
      %get3A_812 = tpu.vector_load %arg12[%get3A_810, %get3A_811] {strides = array<i32>} : memref<512x32xi32, #tpu.memory_space<vmem>>, vector<16xi32>,
      %bitcast3A_813 = vector.bitcast %get3A_812 : vector<16xi32> to vector<32xbf16>
      %get3A_814 = arith.index_cast %add3A_794 : i32 to index
      %get3A_815 = arith.constant 16 : index
      %get3A_816 = tpu.vector_load %arg13[%get3A_814, %get3A_815] {strides = array<i32>} : memref<512x32xi32, #tpu.memory_space<vmem>>, vector<16xi32>,
      %bitcast3A_817 = vector.bitcast %get3A_816 : vector<16xi32> to vector<32xbf16>
      %unpack3A_818 = tpu.unpack_subelements %bitcast3A_813, 0 {pack_format = #tpu.pack_format<interleaved>} : vector<32xbf16> -> vector<16xf32>
      %unpack3A_819 = tpu.unpack_subelements %bitcast3A_813, 1 {pack_format = #tpu.pack_format<interleaved>} : vector<32xbf16> -> vector<16xf32>
      %unpack3A_820 = tpu.unpack_subelements %bitcast3A_817, 0 {pack_format = #tpu.pack_format<interleaved>} : vector<32xbf16> -> vector<16xf32>
      %unpack3A_821 = tpu.unpack_subelements %bitcast3A_817, 1 {pack_format = #tpu.pack_format<interleaved>} : vector<32xbf16> -> vector<16xf32>
      %mul3A_822 = arith.mulf %unpack3A_818, %unpack3A_820 : vector<16xf32>
      %mul3A_823 = arith.mulf %unpack3A_819, %unpack3A_821 : vector<16xf32>
      %add3A_824 = arith.addf %mul3A_822, %mul3A_823 : vector<16xf32>
      %add3A_825 = arith.addf %add3A_809, %add3A_824 : vector<16xf32>
      %add3A_826 = arith.constant 4 : i32
      %add3A_827 = arith.addi %mul3A_686, %add3A_826 : i32
      %get3A_828 = arith.index_cast %add3A_827 : i32 to index
      %get3A_829 = arith.constant 0 : index
      %get3A_830 = tpu.vector_load %arg12[%get3A_828, %get3A_829] {strides = array<i32>} : memref<512x32xi32, #tpu.memory_space<vmem>>, vector<16xi32>,
      %bitcast3A_831 = vector.bitcast %get3A_830 : vector<16xi32> to vector<32xbf16>
      %get3A_832 = arith.index_cast %add3A_827 : i32 to index
      %get3A_833 = arith.constant 0 : index
      %get3A_834 = tpu.vector_load %arg13[%get3A_832, %get3A_833] {strides = array<i32>} : memref<512x32xi32, #tpu.memory_space<vmem>>, vector<16xi32>,
      %bitcast3A_835 = vector.bitcast %get3A_834 : vector<16xi32> to vector<32xbf16>
      %unpack3A_836 = tpu.unpack_subelements %bitcast3A_831, 0 {pack_format = #tpu.pack_format<interleaved>} : vector<32xbf16> -> vector<16xf32>
      %unpack3A_837 = tpu.unpack_subelements %bitcast3A_831, 1 {pack_format = #tpu.pack_format<interleaved>} : vector<32xbf16> -> vector<16xf32>
      %unpack3A_838 = tpu.unpack_subelements %bitcast3A_835, 0 {pack_format = #tpu.pack_format<interleaved>} : vector<32xbf16> -> vector<16xf32>
      %unpack3A_839 = tpu.unpack_subelements %bitcast3A_835, 1 {pack_format = #tpu.pack_format<interleaved>} : vector<32xbf16> -> vector<16xf32>
      %mul3A_840 = arith.mulf %unpack3A_836, %unpack3A_838 : vector<16xf32>
      %mul3A_841 = arith.mulf %unpack3A_837, %unpack3A_839 : vector<16xf32>
      %add3A_842 = arith.addf %mul3A_840, %mul3A_841 : vector<16xf32>
      %get3A_843 = arith.index_cast %add3A_827 : i32 to index
      %get3A_844 = arith.constant 16 : index
      %get3A_845 = tpu.vector_load %arg12[%get3A_843, %get3A_844] {strides = array<i32>} : memref<512x32xi32, #tpu.memory_space<vmem>>, vector<16xi32>,
      %bitcast3A_846 = vector.bitcast %get3A_845 : vector<16xi32> to vector<32xbf16>
      %get3A_847 = arith.index_cast %add3A_827 : i32 to index
      %get3A_848 = arith.constant 16 : index
      %get3A_849 = tpu.vector_load %arg13[%get3A_847, %get3A_848] {strides = array<i32>} : memref<512x32xi32, #tpu.memory_space<vmem>>, vector<16xi32>,
      %bitcast3A_850 = vector.bitcast %get3A_849 : vector<16xi32> to vector<32xbf16>
      %unpack3A_851 = tpu.unpack_subelements %bitcast3A_846, 0 {pack_format = #tpu.pack_format<interleaved>} : vector<32xbf16> -> vector<16xf32>
      %unpack3A_852 = tpu.unpack_subelements %bitcast3A_846, 1 {pack_format = #tpu.pack_format<interleaved>} : vector<32xbf16> -> vector<16xf32>
      %unpack3A_853 = tpu.unpack_subelements %bitcast3A_850, 0 {pack_format = #tpu.pack_format<interleaved>} : vector<32xbf16> -> vector<16xf32>
      %unpack3A_854 = tpu.unpack_subelements %bitcast3A_850, 1 {pack_format = #tpu.pack_format<interleaved>} : vector<32xbf16> -> vector<16xf32>
      %mul3A_855 = arith.mulf %unpack3A_851, %unpack3A_853 : vector<16xf32>
      %mul3A_856 = arith.mulf %unpack3A_852, %unpack3A_854 : vector<16xf32>
      %add3A_857 = arith.addf %mul3A_855, %mul3A_856 : vector<16xf32>
      %add3A_858 = arith.addf %add3A_842, %add3A_857 : vector<16xf32>
      %add3A_859 = arith.constant 5 : i32
      %add3A_860 = arith.addi %mul3A_686, %add3A_859 : i32
      %get3A_861 = arith.index_cast %add3A_860 : i32 to index
      %get3A_862 = arith.constant 0 : index
      %get3A_863 = tpu.vector_load %arg12[%get3A_861, %get3A_862] {strides = array<i32>} : memref<512x32xi32, #tpu.memory_space<vmem>>, vector<16xi32>,
      %bitcast3A_864 = vector.bitcast %get3A_863 : vector<16xi32> to vector<32xbf16>
      %get3A_865 = arith.index_cast %add3A_860 : i32 to index
      %get3A_866 = arith.constant 0 : index
      %get3A_867 = tpu.vector_load %arg13[%get3A_865, %get3A_866] {strides = array<i32>} : memref<512x32xi32, #tpu.memory_space<vmem>>, vector<16xi32>,
      %bitcast3A_868 = vector.bitcast %get3A_867 : vector<16xi32> to vector<32xbf16>
      %unpack3A_869 = tpu.unpack_subelements %bitcast3A_864, 0 {pack_format = #tpu.pack_format<interleaved>} : vector<32xbf16> -> vector<16xf32>
      %unpack3A_870 = tpu.unpack_subelements %bitcast3A_864, 1 {pack_format = #tpu.pack_format<interleaved>} : vector<32xbf16> -> vector<16xf32>
      %unpack3A_871 = tpu.unpack_subelements %bitcast3A_868, 0 {pack_format = #tpu.pack_format<interleaved>} : vector<32xbf16> -> vector<16xf32>
      %unpack3A_872 = tpu.unpack_subelements %bitcast3A_868, 1 {pack_format = #tpu.pack_format<interleaved>} : vector<32xbf16> -> vector<16xf32>
      %mul3A_873 = arith.mulf %unpack3A_869, %unpack3A_871 : vector<16xf32>
      %mul3A_874 = arith.mulf %unpack3A_870, %unpack3A_872 : vector<16xf32>
      %add3A_875 = arith.addf %mul3A_873, %mul3A_874 : vector<16xf32>
      %get3A_876 = arith.index_cast %add3A_860 : i32 to index
      %get3A_877 = arith.constant 16 : index
      %get3A_878 = tpu.vector_load %arg12[%get3A_876, %get3A_877] {strides = array<i32>} : memref<512x32xi32, #tpu.memory_space<vmem>>, vector<16xi32>,
      %bitcast3A_879 = vector.bitcast %get3A_878 : vector<16xi32> to vector<32xbf16>
      %get3A_880 = arith.index_cast %add3A_860 : i32 to index
      %get3A_881 = arith.constant 16 : index
      %get3A_882 = tpu.vector_load %arg13[%get3A_880, %get3A_881] {strides = array<i32>} : memref<512x32xi32, #tpu.memory_space<vmem>>, vector<16xi32>,
      %bitcast3A_883 = vector.bitcast %get3A_882 : vector<16xi32> to vector<32xbf16>
      %unpack3A_884 = tpu.unpack_subelements %bitcast3A_879, 0 {pack_format = #tpu.pack_format<interleaved>} : vector<32xbf16> -> vector<16xf32>
      %unpack3A_885 = tpu.unpack_subelements %bitcast3A_879, 1 {pack_format = #tpu.pack_format<interleaved>} : vector<32xbf16> -> vector<16xf32>
      %unpack3A_886 = tpu.unpack_subelements %bitcast3A_883, 0 {pack_format = #tpu.pack_format<interleaved>} : vector<32xbf16> -> vector<16xf32>
      %unpack3A_887 = tpu.unpack_subelements %bitcast3A_883, 1 {pack_format = #tpu.pack_format<interleaved>} : vector<32xbf16> -> vector<16xf32>
      %mul3A_888 = arith.mulf %unpack3A_884, %unpack3A_886 : vector<16xf32>
      %mul3A_889 = arith.mulf %unpack3A_885, %unpack3A_887 : vector<16xf32>
      %add3A_890 = arith.addf %mul3A_888, %mul3A_889 : vector<16xf32>
      %add3A_891 = arith.addf %add3A_875, %add3A_890 : vector<16xf32>
      %add3A_892 = arith.constant 6 : i32
      %add3A_893 = arith.addi %mul3A_686, %add3A_892 : i32
      %get3A_894 = arith.index_cast %add3A_893 : i32 to index
      %get3A_895 = arith.constant 0 : index
      %get3A_896 = tpu.vector_load %arg12[%get3A_894, %get3A_895] {strides = array<i32>} : memref<512x32xi32, #tpu.memory_space<vmem>>, vector<16xi32>,
      %bitcast3A_897 = vector.bitcast %get3A_896 : vector<16xi32> to vector<32xbf16>
      %get3A_898 = arith.index_cast %add3A_893 : i32 to index
      %get3A_899 = arith.constant 0 : index
      %get3A_900 = tpu.vector_load %arg13[%get3A_898, %get3A_899] {strides = array<i32>} : memref<512x32xi32, #tpu.memory_space<vmem>>, vector<16xi32>,
      %bitcast3A_901 = vector.bitcast %get3A_900 : vector<16xi32> to vector<32xbf16>
      %unpack3A_902 = tpu.unpack_subelements %bitcast3A_897, 0 {pack_format = #tpu.pack_format<interleaved>} : vector<32xbf16> -> vector<16xf32>
      %unpack3A_903 = tpu.unpack_subelements %bitcast3A_897, 1 {pack_format = #tpu.pack_format<interleaved>} : vector<32xbf16> -> vector<16xf32>
      %unpack3A_904 = tpu.unpack_subelements %bitcast3A_901, 0 {pack_format = #tpu.pack_format<interleaved>} : vector<32xbf16> -> vector<16xf32>
      %unpack3A_905 = tpu.unpack_subelements %bitcast3A_901, 1 {pack_format = #tpu.pack_format<interleaved>} : vector<32xbf16> -> vector<16xf32>
      %mul3A_906 = arith.mulf %unpack3A_902, %unpack3A_904 : vector<16xf32>
      %mul3A_907 = arith.mulf %unpack3A_903, %unpack3A_905 : vector<16xf32>
      %add3A_908 = arith.addf %mul3A_906, %mul3A_907 : vector<16xf32>
      %get3A_909 = arith.index_cast %add3A_893 : i32 to index
      %get3A_910 = arith.constant 16 : index
      %get3A_911 = tpu.vector_load %arg12[%get3A_909, %get3A_910] {strides = array<i32>} : memref<512x32xi32, #tpu.memory_space<vmem>>, vector<16xi32>,
      %bitcast3A_912 = vector.bitcast %get3A_911 : vector<16xi32> to vector<32xbf16>
      %get3A_913 = arith.index_cast %add3A_893 : i32 to index
      %get3A_914 = arith.constant 16 : index
      %get3A_915 = tpu.vector_load %arg13[%get3A_913, %get3A_914] {strides = array<i32>} : memref<512x32xi32, #tpu.memory_space<vmem>>, vector<16xi32>,
      %bitcast3A_916 = vector.bitcast %get3A_915 : vector<16xi32> to vector<32xbf16>
      %unpack3A_917 = tpu.unpack_subelements %bitcast3A_912, 0 {pack_format = #tpu.pack_format<interleaved>} : vector<32xbf16> -> vector<16xf32>
      %unpack3A_918 = tpu.unpack_subelements %bitcast3A_912, 1 {pack_format = #tpu.pack_format<interleaved>} : vector<32xbf16> -> vector<16xf32>
      %unpack3A_919 = tpu.unpack_subelements %bitcast3A_916, 0 {pack_format = #tpu.pack_format<interleaved>} : vector<32xbf16> -> vector<16xf32>
      %unpack3A_920 = tpu.unpack_subelements %bitcast3A_916, 1 {pack_format = #tpu.pack_format<interleaved>} : vector<32xbf16> -> vector<16xf32>
      %mul3A_921 = arith.mulf %unpack3A_917, %unpack3A_919 : vector<16xf32>
      %mul3A_922 = arith.mulf %unpack3A_918, %unpack3A_920 : vector<16xf32>
      %add3A_923 = arith.addf %mul3A_921, %mul3A_922 : vector<16xf32>
      %add3A_924 = arith.addf %add3A_908, %add3A_923 : vector<16xf32>
      %add3A_925 = arith.constant 7 : i32
      %add3A_926 = arith.addi %mul3A_686, %add3A_925 : i32
      %get3A_927 = arith.index_cast %add3A_926 : i32 to index
      %get3A_928 = arith.constant 0 : index
      %get3A_929 = tpu.vector_load %arg12[%get3A_927, %get3A_928] {strides = array<i32>} : memref<512x32xi32, #tpu.memory_space<vmem>>, vector<16xi32>,
      %bitcast3A_930 = vector.bitcast %get3A_929 : vector<16xi32> to vector<32xbf16>
      %get3A_931 = arith.index_cast %add3A_926 : i32 to index
      %get3A_932 = arith.constant 0 : index
      %get3A_933 = tpu.vector_load %arg13[%get3A_931, %get3A_932] {strides = array<i32>} : memref<512x32xi32, #tpu.memory_space<vmem>>, vector<16xi32>,
      %bitcast3A_934 = vector.bitcast %get3A_933 : vector<16xi32> to vector<32xbf16>
      %unpack3A_935 = tpu.unpack_subelements %bitcast3A_930, 0 {pack_format = #tpu.pack_format<interleaved>} : vector<32xbf16> -> vector<16xf32>
      %unpack3A_936 = tpu.unpack_subelements %bitcast3A_930, 1 {pack_format = #tpu.pack_format<interleaved>} : vector<32xbf16> -> vector<16xf32>
      %unpack3A_937 = tpu.unpack_subelements %bitcast3A_934, 0 {pack_format = #tpu.pack_format<interleaved>} : vector<32xbf16> -> vector<16xf32>
      %unpack3A_938 = tpu.unpack_subelements %bitcast3A_934, 1 {pack_format = #tpu.pack_format<interleaved>} : vector<32xbf16> -> vector<16xf32>
      %mul3A_939 = arith.mulf %unpack3A_935, %unpack3A_937 : vector<16xf32>
      %mul3A_940 = arith.mulf %unpack3A_936, %unpack3A_938 : vector<16xf32>
      %add3A_941 = arith.addf %mul3A_939, %mul3A_940 : vector<16xf32>
      %get3A_942 = arith.index_cast %add3A_926 : i32 to index
      %get3A_943 = arith.constant 16 : index
      %get3A_944 = tpu.vector_load %arg12[%get3A_942, %get3A_943] {strides = array<i32>} : memref<512x32xi32, #tpu.memory_space<vmem>>, vector<16xi32>,
      %bitcast3A_945 = vector.bitcast %get3A_944 : vector<16xi32> to vector<32xbf16>
      %get3A_946 = arith.index_cast %add3A_926 : i32 to index
      %get3A_947 = arith.constant 16 : index
      %get3A_948 = tpu.vector_load %arg13[%get3A_946, %get3A_947] {strides = array<i32>} : memref<512x32xi32, #tpu.memory_space<vmem>>, vector<16xi32>,
      %bitcast3A_949 = vector.bitcast %get3A_948 : vector<16xi32> to vector<32xbf16>
      %unpack3A_950 = tpu.unpack_subelements %bitcast3A_945, 0 {pack_format = #tpu.pack_format<interleaved>} : vector<32xbf16> -> vector<16xf32>
      %unpack3A_951 = tpu.unpack_subelements %bitcast3A_945, 1 {pack_format = #tpu.pack_format<interleaved>} : vector<32xbf16> -> vector<16xf32>
      %unpack3A_952 = tpu.unpack_subelements %bitcast3A_949, 0 {pack_format = #tpu.pack_format<interleaved>} : vector<32xbf16> -> vector<16xf32>
      %unpack3A_953 = tpu.unpack_subelements %bitcast3A_949, 1 {pack_format = #tpu.pack_format<interleaved>} : vector<32xbf16> -> vector<16xf32>
      %mul3A_954 = arith.mulf %unpack3A_950, %unpack3A_952 : vector<16xf32>
      %mul3A_955 = arith.mulf %unpack3A_951, %unpack3A_953 : vector<16xf32>
      %add3A_956 = arith.addf %mul3A_954, %mul3A_955 : vector<16xf32>
      %add3A_957 = arith.addf %add3A_941, %add3A_956 : vector<16xf32>
      %add3A_958 = arith.constant 8 : i32
      %add3A_959 = arith.addi %mul3A_686, %add3A_958 : i32
      %get3A_960 = arith.index_cast %add3A_959 : i32 to index
      %get3A_961 = arith.constant 0 : index
      %get3A_962 = tpu.vector_load %arg12[%get3A_960, %get3A_961] {strides = array<i32>} : memref<512x32xi32, #tpu.memory_space<vmem>>, vector<16xi32>,
      %bitcast3A_963 = vector.bitcast %get3A_962 : vector<16xi32> to vector<32xbf16>
      %get3A_964 = arith.index_cast %add3A_959 : i32 to index
      %get3A_965 = arith.constant 0 : index
      %get3A_966 = tpu.vector_load %arg13[%get3A_964, %get3A_965] {strides = array<i32>} : memref<512x32xi32, #tpu.memory_space<vmem>>, vector<16xi32>,
      %bitcast3A_967 = vector.bitcast %get3A_966 : vector<16xi32> to vector<32xbf16>
      %unpack3A_968 = tpu.unpack_subelements %bitcast3A_963, 0 {pack_format = #tpu.pack_format<interleaved>} : vector<32xbf16> -> vector<16xf32>
      %unpack3A_969 = tpu.unpack_subelements %bitcast3A_963, 1 {pack_format = #tpu.pack_format<interleaved>} : vector<32xbf16> -> vector<16xf32>
      %unpack3A_970 = tpu.unpack_subelements %bitcast3A_967, 0 {pack_format = #tpu.pack_format<interleaved>} : vector<32xbf16> -> vector<16xf32>
      %unpack3A_971 = tpu.unpack_subelements %bitcast3A_967, 1 {pack_format = #tpu.pack_format<interleaved>} : vector<32xbf16> -> vector<16xf32>
      %mul3A_972 = arith.mulf %unpack3A_968, %unpack3A_970 : vector<16xf32>
      %mul3A_973 = arith.mulf %unpack3A_969, %unpack3A_971 : vector<16xf32>
      %add3A_974 = arith.addf %mul3A_972, %mul3A_973 : vector<16xf32>
      %get3A_975 = arith.index_cast %add3A_959 : i32 to index
      %get3A_976 = arith.constant 16 : index
      %get3A_977 = tpu.vector_load %arg12[%get3A_975, %get3A_976] {strides = array<i32>} : memref<512x32xi32, #tpu.memory_space<vmem>>, vector<16xi32>,
      %bitcast3A_978 = vector.bitcast %get3A_977 : vector<16xi32> to vector<32xbf16>
      %get3A_979 = arith.index_cast %add3A_959 : i32 to index
      %get3A_980 = arith.constant 16 : index
      %get3A_981 = tpu.vector_load %arg13[%get3A_979, %get3A_980] {strides = array<i32>} : memref<512x32xi32, #tpu.memory_space<vmem>>, vector<16xi32>,
      %bitcast3A_982 = vector.bitcast %get3A_981 : vector<16xi32> to vector<32xbf16>
      %unpack3A_983 = tpu.unpack_subelements %bitcast3A_978, 0 {pack_format = #tpu.pack_format<interleaved>} : vector<32xbf16> -> vector<16xf32>
      %unpack3A_984 = tpu.unpack_subelements %bitcast3A_978, 1 {pack_format = #tpu.pack_format<interleaved>} : vector<32xbf16> -> vector<16xf32>
      %unpack3A_985 = tpu.unpack_subelements %bitcast3A_982, 0 {pack_format = #tpu.pack_format<interleaved>} : vector<32xbf16> -> vector<16xf32>
      %unpack3A_986 = tpu.unpack_subelements %bitcast3A_982, 1 {pack_format = #tpu.pack_format<interleaved>} : vector<32xbf16> -> vector<16xf32>
      %mul3A_987 = arith.mulf %unpack3A_983, %unpack3A_985 : vector<16xf32>
      %mul3A_988 = arith.mulf %unpack3A_984, %unpack3A_986 : vector<16xf32>
      %add3A_989 = arith.addf %mul3A_987, %mul3A_988 : vector<16xf32>
      %add3A_990 = arith.addf %add3A_974, %add3A_989 : vector<16xf32>
      %add3A_991 = arith.constant 9 : i32
      %add3A_992 = arith.addi %mul3A_686, %add3A_991 : i32
      %get3A_993 = arith.index_cast %add3A_992 : i32 to index
      %get3A_994 = arith.constant 0 : index
      %get3A_995 = tpu.vector_load %arg12[%get3A_993, %get3A_994] {strides = array<i32>} : memref<512x32xi32, #tpu.memory_space<vmem>>, vector<16xi32>,
      %bitcast3A_996 = vector.bitcast %get3A_995 : vector<16xi32> to vector<32xbf16>
      %get3A_997 = arith.index_cast %add3A_992 : i32 to index
      %get3A_998 = arith.constant 0 : index
      %get3A_999 = tpu.vector_load %arg13[%get3A_997, %get3A_998] {strides = array<i32>} : memref<512x32xi32, #tpu.memory_space<vmem>>, vector<16xi32>,
      %bitcast3A_1000 = vector.bitcast %get3A_999 : vector<16xi32> to vector<32xbf16>
      %unpack3A_1001 = tpu.unpack_subelements %bitcast3A_996, 0 {pack_format = #tpu.pack_format<interleaved>} : vector<32xbf16> -> vector<16xf32>
      %unpack3A_1002 = tpu.unpack_subelements %bitcast3A_996, 1 {pack_format = #tpu.pack_format<interleaved>} : vector<32xbf16> -> vector<16xf32>
      %unpack3A_1003 = tpu.unpack_subelements %bitcast3A_1000, 0 {pack_format = #tpu.pack_format<interleaved>} : vector<32xbf16> -> vector<16xf32>
      %unpack3A_1004 = tpu.unpack_subelements %bitcast3A_1000, 1 {pack_format = #tpu.pack_format<interleaved>} : vector<32xbf16> -> vector<16xf32>
      %mul3A_1005 = arith.mulf %unpack3A_1001, %unpack3A_1003 : vector<16xf32>
      %mul3A_1006 = arith.mulf %unpack3A_1002, %unpack3A_1004 : vector<16xf32>
      %add3A_1007 = arith.addf %mul3A_1005, %mul3A_1006 : vector<16xf32>
      %get3A_1008 = arith.index_cast %add3A_992 : i32 to index
      %get3A_1009 = arith.constant 16 : index
      %get3A_1010 = tpu.vector_load %arg12[%get3A_1008, %get3A_1009] {strides = array<i32>} : memref<512x32xi32, #tpu.memory_space<vmem>>, vector<16xi32>,
      %bitcast3A_1011 = vector.bitcast %get3A_1010 : vector<16xi32> to vector<32xbf16>
      %get3A_1012 = arith.index_cast %add3A_992 : i32 to index
      %get3A_1013 = arith.constant 16 : index
      %get3A_1014 = tpu.vector_load %arg13[%get3A_1012, %get3A_1013] {strides = array<i32>} : memref<512x32xi32, #tpu.memory_space<vmem>>, vector<16xi32>,
      %bitcast3A_1015 = vector.bitcast %get3A_1014 : vector<16xi32> to vector<32xbf16>
      %unpack3A_1016 = tpu.unpack_subelements %bitcast3A_1011, 0 {pack_format = #tpu.pack_format<interleaved>} : vector<32xbf16> -> vector<16xf32>
      %unpack3A_1017 = tpu.unpack_subelements %bitcast3A_1011, 1 {pack_format = #tpu.pack_format<interleaved>} : vector<32xbf16> -> vector<16xf32>
      %unpack3A_1018 = tpu.unpack_subelements %bitcast3A_1015, 0 {pack_format = #tpu.pack_format<interleaved>} : vector<32xbf16> -> vector<16xf32>
      %unpack3A_1019 = tpu.unpack_subelements %bitcast3A_1015, 1 {pack_format = #tpu.pack_format<interleaved>} : vector<32xbf16> -> vector<16xf32>
      %mul3A_1020 = arith.mulf %unpack3A_1016, %unpack3A_1018 : vector<16xf32>
      %mul3A_1021 = arith.mulf %unpack3A_1017, %unpack3A_1019 : vector<16xf32>
      %add3A_1022 = arith.addf %mul3A_1020, %mul3A_1021 : vector<16xf32>
      %add3A_1023 = arith.addf %add3A_1007, %add3A_1022 : vector<16xf32>
      %add3A_1024 = arith.constant 10 : i32
      %add3A_1025 = arith.addi %mul3A_686, %add3A_1024 : i32
      %get3A_1026 = arith.index_cast %add3A_1025 : i32 to index
      %get3A_1027 = arith.constant 0 : index
      %get3A_1028 = tpu.vector_load %arg12[%get3A_1026, %get3A_1027] {strides = array<i32>} : memref<512x32xi32, #tpu.memory_space<vmem>>, vector<16xi32>,
      %bitcast3A_1029 = vector.bitcast %get3A_1028 : vector<16xi32> to vector<32xbf16>
      %get3A_1030 = arith.index_cast %add3A_1025 : i32 to index
      %get3A_1031 = arith.constant 0 : index
      %get3A_1032 = tpu.vector_load %arg13[%get3A_1030, %get3A_1031] {strides = array<i32>} : memref<512x32xi32, #tpu.memory_space<vmem>>, vector<16xi32>,
      %bitcast3A_1033 = vector.bitcast %get3A_1032 : vector<16xi32> to vector<32xbf16>
      %unpack3A_1034 = tpu.unpack_subelements %bitcast3A_1029, 0 {pack_format = #tpu.pack_format<interleaved>} : vector<32xbf16> -> vector<16xf32>
      %unpack3A_1035 = tpu.unpack_subelements %bitcast3A_1029, 1 {pack_format = #tpu.pack_format<interleaved>} : vector<32xbf16> -> vector<16xf32>
      %unpack3A_1036 = tpu.unpack_subelements %bitcast3A_1033, 0 {pack_format = #tpu.pack_format<interleaved>} : vector<32xbf16> -> vector<16xf32>
      %unpack3A_1037 = tpu.unpack_subelements %bitcast3A_1033, 1 {pack_format = #tpu.pack_format<interleaved>} : vector<32xbf16> -> vector<16xf32>
      %mul3A_1038 = arith.mulf %unpack3A_1034, %unpack3A_1036 : vector<16xf32>
      %mul3A_1039 = arith.mulf %unpack3A_1035, %unpack3A_1037 : vector<16xf32>
      %add3A_1040 = arith.addf %mul3A_1038, %mul3A_1039 : vector<16xf32>
      %get3A_1041 = arith.index_cast %add3A_1025 : i32 to index
      %get3A_1042 = arith.constant 16 : index
      %get3A_1043 = tpu.vector_load %arg12[%get3A_1041, %get3A_1042] {strides = array<i32>} : memref<512x32xi32, #tpu.memory_space<vmem>>, vector<16xi32>,
      %bitcast3A_1044 = vector.bitcast %get3A_1043 : vector<16xi32> to vector<32xbf16>
      %get3A_1045 = arith.index_cast %add3A_1025 : i32 to index
      %get3A_1046 = arith.constant 16 : index
      %get3A_1047 = tpu.vector_load %arg13[%get3A_1045, %get3A_1046] {strides = array<i32>} : memref<512x32xi32, #tpu.memory_space<vmem>>, vector<16xi32>,
      %bitcast3A_1048 = vector.bitcast %get3A_1047 : vector<16xi32> to vector<32xbf16>
      %unpack3A_1049 = tpu.unpack_subelements %bitcast3A_1044, 0 {pack_format = #tpu.pack_format<interleaved>} : vector<32xbf16> -> vector<16xf32>
      %unpack3A_1050 = tpu.unpack_subelements %bitcast3A_1044, 1 {pack_format = #tpu.pack_format<interleaved>} : vector<32xbf16> -> vector<16xf32>
      %unpack3A_1051 = tpu.unpack_subelements %bitcast3A_1048, 0 {pack_format = #tpu.pack_format<interleaved>} : vector<32xbf16> -> vector<16xf32>
      %unpack3A_1052 = tpu.unpack_subelements %bitcast3A_1048, 1 {pack_format = #tpu.pack_format<interleaved>} : vector<32xbf16> -> vector<16xf32>
      %mul3A_1053 = arith.mulf %unpack3A_1049, %unpack3A_1051 : vector<16xf32>
      %mul3A_1054 = arith.mulf %unpack3A_1050, %unpack3A_1052 : vector<16xf32>
      %add3A_1055 = arith.addf %mul3A_1053, %mul3A_1054 : vector<16xf32>
      %add3A_1056 = arith.addf %add3A_1040, %add3A_1055 : vector<16xf32>
      %add3A_1057 = arith.constant 11 : i32
      %add3A_1058 = arith.addi %mul3A_686, %add3A_1057 : i32
      %get3A_1059 = arith.index_cast %add3A_1058 : i32 to index
      %get3A_1060 = arith.constant 0 : index
      %get3A_1061 = tpu.vector_load %arg12[%get3A_1059, %get3A_1060] {strides = array<i32>} : memref<512x32xi32, #tpu.memory_space<vmem>>, vector<16xi32>,
      %bitcast3A_1062 = vector.bitcast %get3A_1061 : vector<16xi32> to vector<32xbf16>
      %get3A_1063 = arith.index_cast %add3A_1058 : i32 to index
      %get3A_1064 = arith.constant 0 : index
      %get3A_1065 = tpu.vector_load %arg13[%get3A_1063, %get3A_1064] {strides = array<i32>} : memref<512x32xi32, #tpu.memory_space<vmem>>, vector<16xi32>,
      %bitcast3A_1066 = vector.bitcast %get3A_1065 : vector<16xi32> to vector<32xbf16>
      %unpack3A_1067 = tpu.unpack_subelements %bitcast3A_1062, 0 {pack_format = #tpu.pack_format<interleaved>} : vector<32xbf16> -> vector<16xf32>
      %unpack3A_1068 = tpu.unpack_subelements %bitcast3A_1062, 1 {pack_format = #tpu.pack_format<interleaved>} : vector<32xbf16> -> vector<16xf32>
      %unpack3A_1069 = tpu.unpack_subelements %bitcast3A_1066, 0 {pack_format = #tpu.pack_format<interleaved>} : vector<32xbf16> -> vector<16xf32>
      %unpack3A_1070 = tpu.unpack_subelements %bitcast3A_1066, 1 {pack_format = #tpu.pack_format<interleaved>} : vector<32xbf16> -> vector<16xf32>
      %mul3A_1071 = arith.mulf %unpack3A_1067, %unpack3A_1069 : vector<16xf32>
      %mul3A_1072 = arith.mulf %unpack3A_1068, %unpack3A_1070 : vector<16xf32>
      %add3A_1073 = arith.addf %mul3A_1071, %mul3A_1072 : vector<16xf32>
      %get3A_1074 = arith.index_cast %add3A_1058 : i32 to index
      %get3A_1075 = arith.constant 16 : index
      %get3A_1076 = tpu.vector_load %arg12[%get3A_1074, %get3A_1075] {strides = array<i32>} : memref<512x32xi32, #tpu.memory_space<vmem>>, vector<16xi32>,
      %bitcast3A_1077 = vector.bitcast %get3A_1076 : vector<16xi32> to vector<32xbf16>
      %get3A_1078 = arith.index_cast %add3A_1058 : i32 to index
      %get3A_1079 = arith.constant 16 : index
      %get3A_1080 = tpu.vector_load %arg13[%get3A_1078, %get3A_1079] {strides = array<i32>} : memref<512x32xi32, #tpu.memory_space<vmem>>, vector<16xi32>,
      %bitcast3A_1081 = vector.bitcast %get3A_1080 : vector<16xi32> to vector<32xbf16>
      %unpack3A_1082 = tpu.unpack_subelements %bitcast3A_1077, 0 {pack_format = #tpu.pack_format<interleaved>} : vector<32xbf16> -> vector<16xf32>
      %unpack3A_1083 = tpu.unpack_subelements %bitcast3A_1077, 1 {pack_format = #tpu.pack_format<interleaved>} : vector<32xbf16> -> vector<16xf32>
      %unpack3A_1084 = tpu.unpack_subelements %bitcast3A_1081, 0 {pack_format = #tpu.pack_format<interleaved>} : vector<32xbf16> -> vector<16xf32>
      %unpack3A_1085 = tpu.unpack_subelements %bitcast3A_1081, 1 {pack_format = #tpu.pack_format<interleaved>} : vector<32xbf16> -> vector<16xf32>
      %mul3A_1086 = arith.mulf %unpack3A_1082, %unpack3A_1084 : vector<16xf32>
      %mul3A_1087 = arith.mulf %unpack3A_1083, %unpack3A_1085 : vector<16xf32>
      %add3A_1088 = arith.addf %mul3A_1086, %mul3A_1087 : vector<16xf32>
      %add3A_1089 = arith.addf %add3A_1073, %add3A_1088 : vector<16xf32>
      %add3A_1090 = arith.constant 12 : i32
      %add3A_1091 = arith.addi %mul3A_686, %add3A_1090 : i32
      %get3A_1092 = arith.index_cast %add3A_1091 : i32 to index
      %get3A_1093 = arith.constant 0 : index
      %get3A_1094 = tpu.vector_load %arg12[%get3A_1092, %get3A_1093] {strides = array<i32>} : memref<512x32xi32, #tpu.memory_space<vmem>>, vector<16xi32>,
      %bitcast3A_1095 = vector.bitcast %get3A_1094 : vector<16xi32> to vector<32xbf16>
      %get3A_1096 = arith.index_cast %add3A_1091 : i32 to index
      %get3A_1097 = arith.constant 0 : index
      %get3A_1098 = tpu.vector_load %arg13[%get3A_1096, %get3A_1097] {strides = array<i32>} : memref<512x32xi32, #tpu.memory_space<vmem>>, vector<16xi32>,
      %bitcast3A_1099 = vector.bitcast %get3A_1098 : vector<16xi32> to vector<32xbf16>
      %unpack3A_1100 = tpu.unpack_subelements %bitcast3A_1095, 0 {pack_format = #tpu.pack_format<interleaved>} : vector<32xbf16> -> vector<16xf32>
      %unpack3A_1101 = tpu.unpack_subelements %bitcast3A_1095, 1 {pack_format = #tpu.pack_format<interleaved>} : vector<32xbf16> -> vector<16xf32>
      %unpack3A_1102 = tpu.unpack_subelements %bitcast3A_1099, 0 {pack_format = #tpu.pack_format<interleaved>} : vector<32xbf16> -> vector<16xf32>
      %unpack3A_1103 = tpu.unpack_subelements %bitcast3A_1099, 1 {pack_format = #tpu.pack_format<interleaved>} : vector<32xbf16> -> vector<16xf32>
      %mul3A_1104 = arith.mulf %unpack3A_1100, %unpack3A_1102 : vector<16xf32>
      %mul3A_1105 = arith.mulf %unpack3A_1101, %unpack3A_1103 : vector<16xf32>
      %add3A_1106 = arith.addf %mul3A_1104, %mul3A_1105 : vector<16xf32>
      %get3A_1107 = arith.index_cast %add3A_1091 : i32 to index
      %get3A_1108 = arith.constant 16 : index
      %get3A_1109 = tpu.vector_load %arg12[%get3A_1107, %get3A_1108] {strides = array<i32>} : memref<512x32xi32, #tpu.memory_space<vmem>>, vector<16xi32>,
      %bitcast3A_1110 = vector.bitcast %get3A_1109 : vector<16xi32> to vector<32xbf16>
      %get3A_1111 = arith.index_cast %add3A_1091 : i32 to index
      %get3A_1112 = arith.constant 16 : index
      %get3A_1113 = tpu.vector_load %arg13[%get3A_1111, %get3A_1112] {strides = array<i32>} : memref<512x32xi32, #tpu.memory_space<vmem>>, vector<16xi32>,
      %bitcast3A_1114 = vector.bitcast %get3A_1113 : vector<16xi32> to vector<32xbf16>
      %unpack3A_1115 = tpu.unpack_subelements %bitcast3A_1110, 0 {pack_format = #tpu.pack_format<interleaved>} : vector<32xbf16> -> vector<16xf32>
      %unpack3A_1116 = tpu.unpack_subelements %bitcast3A_1110, 1 {pack_format = #tpu.pack_format<interleaved>} : vector<32xbf16> -> vector<16xf32>
      %unpack3A_1117 = tpu.unpack_subelements %bitcast3A_1114, 0 {pack_format = #tpu.pack_format<interleaved>} : vector<32xbf16> -> vector<16xf32>
      %unpack3A_1118 = tpu.unpack_subelements %bitcast3A_1114, 1 {pack_format = #tpu.pack_format<interleaved>} : vector<32xbf16> -> vector<16xf32>
      %mul3A_1119 = arith.mulf %unpack3A_1115, %unpack3A_1117 : vector<16xf32>
      %mul3A_1120 = arith.mulf %unpack3A_1116, %unpack3A_1118 : vector<16xf32>
      %add3A_1121 = arith.addf %mul3A_1119, %mul3A_1120 : vector<16xf32>
      %add3A_1122 = arith.addf %add3A_1106, %add3A_1121 : vector<16xf32>
      %add3A_1123 = arith.constant 13 : i32
      %add3A_1124 = arith.addi %mul3A_686, %add3A_1123 : i32
      %get3A_1125 = arith.index_cast %add3A_1124 : i32 to index
      %get3A_1126 = arith.constant 0 : index
      %get3A_1127 = tpu.vector_load %arg12[%get3A_1125, %get3A_1126] {strides = array<i32>} : memref<512x32xi32, #tpu.memory_space<vmem>>, vector<16xi32>,
      %bitcast3A_1128 = vector.bitcast %get3A_1127 : vector<16xi32> to vector<32xbf16>
      %get3A_1129 = arith.index_cast %add3A_1124 : i32 to index
      %get3A_1130 = arith.constant 0 : index
      %get3A_1131 = tpu.vector_load %arg13[%get3A_1129, %get3A_1130] {strides = array<i32>} : memref<512x32xi32, #tpu.memory_space<vmem>>, vector<16xi32>,
      %bitcast3A_1132 = vector.bitcast %get3A_1131 : vector<16xi32> to vector<32xbf16>
      %unpack3A_1133 = tpu.unpack_subelements %bitcast3A_1128, 0 {pack_format = #tpu.pack_format<interleaved>} : vector<32xbf16> -> vector<16xf32>
      %unpack3A_1134 = tpu.unpack_subelements %bitcast3A_1128, 1 {pack_format = #tpu.pack_format<interleaved>} : vector<32xbf16> -> vector<16xf32>
      %unpack3A_1135 = tpu.unpack_subelements %bitcast3A_1132, 0 {pack_format = #tpu.pack_format<interleaved>} : vector<32xbf16> -> vector<16xf32>
      %unpack3A_1136 = tpu.unpack_subelements %bitcast3A_1132, 1 {pack_format = #tpu.pack_format<interleaved>} : vector<32xbf16> -> vector<16xf32>
      %mul3A_1137 = arith.mulf %unpack3A_1133, %unpack3A_1135 : vector<16xf32>
      %mul3A_1138 = arith.mulf %unpack3A_1134, %unpack3A_1136 : vector<16xf32>
      %add3A_1139 = arith.addf %mul3A_1137, %mul3A_1138 : vector<16xf32>
      %get3A_1140 = arith.index_cast %add3A_1124 : i32 to index
      %get3A_1141 = arith.constant 16 : index
      %get3A_1142 = tpu.vector_load %arg12[%get3A_1140, %get3A_1141] {strides = array<i32>} : memref<512x32xi32, #tpu.memory_space<vmem>>, vector<16xi32>,
      %bitcast3A_1143 = vector.bitcast %get3A_1142 : vector<16xi32> to vector<32xbf16>
      %get3A_1144 = arith.index_cast %add3A_1124 : i32 to index
      %get3A_1145 = arith.constant 16 : index
      %get3A_1146 = tpu.vector_load %arg13[%get3A_1144, %get3A_1145] {strides = array<i32>} : memref<512x32xi32, #tpu.memory_space<vmem>>, vector<16xi32>,
      %bitcast3A_1147 = vector.bitcast %get3A_1146 : vector<16xi32> to vector<32xbf16>
      %unpack3A_1148 = tpu.unpack_subelements %bitcast3A_1143, 0 {pack_format = #tpu.pack_format<interleaved>} : vector<32xbf16> -> vector<16xf32>
      %unpack3A_1149 = tpu.unpack_subelements %bitcast3A_1143, 1 {pack_format = #tpu.pack_format<interleaved>} : vector<32xbf16> -> vector<16xf32>
      %unpack3A_1150 = tpu.unpack_subelements %bitcast3A_1147, 0 {pack_format = #tpu.pack_format<interleaved>} : vector<32xbf16> -> vector<16xf32>
      %unpack3A_1151 = tpu.unpack_subelements %bitcast3A_1147, 1 {pack_format = #tpu.pack_format<interleaved>} : vector<32xbf16> -> vector<16xf32>
      %mul3A_1152 = arith.mulf %unpack3A_1148, %unpack3A_1150 : vector<16xf32>
      %mul3A_1153 = arith.mulf %unpack3A_1149, %unpack3A_1151 : vector<16xf32>
      %add3A_1154 = arith.addf %mul3A_1152, %mul3A_1153 : vector<16xf32>
      %add3A_1155 = arith.addf %add3A_1139, %add3A_1154 : vector<16xf32>
      %add3A_1156 = arith.constant 14 : i32
      %add3A_1157 = arith.addi %mul3A_686, %add3A_1156 : i32
      %get3A_1158 = arith.index_cast %add3A_1157 : i32 to index
      %get3A_1159 = arith.constant 0 : index
      %get3A_1160 = tpu.vector_load %arg12[%get3A_1158, %get3A_1159] {strides = array<i32>} : memref<512x32xi32, #tpu.memory_space<vmem>>, vector<16xi32>,
      %bitcast3A_1161 = vector.bitcast %get3A_1160 : vector<16xi32> to vector<32xbf16>
      %get3A_1162 = arith.index_cast %add3A_1157 : i32 to index
      %get3A_1163 = arith.constant 0 : index
      %get3A_1164 = tpu.vector_load %arg13[%get3A_1162, %get3A_1163] {strides = array<i32>} : memref<512x32xi32, #tpu.memory_space<vmem>>, vector<16xi32>,
      %bitcast3A_1165 = vector.bitcast %get3A_1164 : vector<16xi32> to vector<32xbf16>
      %unpack3A_1166 = tpu.unpack_subelements %bitcast3A_1161, 0 {pack_format = #tpu.pack_format<interleaved>} : vector<32xbf16> -> vector<16xf32>
      %unpack3A_1167 = tpu.unpack_subelements %bitcast3A_1161, 1 {pack_format = #tpu.pack_format<interleaved>} : vector<32xbf16> -> vector<16xf32>
      %unpack3A_1168 = tpu.unpack_subelements %bitcast3A_1165, 0 {pack_format = #tpu.pack_format<interleaved>} : vector<32xbf16> -> vector<16xf32>
      %unpack3A_1169 = tpu.unpack_subelements %bitcast3A_1165, 1 {pack_format = #tpu.pack_format<interleaved>} : vector<32xbf16> -> vector<16xf32>
      %mul3A_1170 = arith.mulf %unpack3A_1166, %unpack3A_1168 : vector<16xf32>
      %mul3A_1171 = arith.mulf %unpack3A_1167, %unpack3A_1169 : vector<16xf32>
      %add3A_1172 = arith.addf %mul3A_1170, %mul3A_1171 : vector<16xf32>
      %get3A_1173 = arith.index_cast %add3A_1157 : i32 to index
      %get3A_1174 = arith.constant 16 : index
      %get3A_1175 = tpu.vector_load %arg12[%get3A_1173, %get3A_1174] {strides = array<i32>} : memref<512x32xi32, #tpu.memory_space<vmem>>, vector<16xi32>,
      %bitcast3A_1176 = vector.bitcast %get3A_1175 : vector<16xi32> to vector<32xbf16>
      %get3A_1177 = arith.index_cast %add3A_1157 : i32 to index
      %get3A_1178 = arith.constant 16 : index
      %get3A_1179 = tpu.vector_load %arg13[%get3A_1177, %get3A_1178] {strides = array<i32>} : memref<512x32xi32, #tpu.memory_space<vmem>>, vector<16xi32>,
      %bitcast3A_1180 = vector.bitcast %get3A_1179 : vector<16xi32> to vector<32xbf16>
      %unpack3A_1181 = tpu.unpack_subelements %bitcast3A_1176, 0 {pack_format = #tpu.pack_format<interleaved>} : vector<32xbf16> -> vector<16xf32>
      %unpack3A_1182 = tpu.unpack_subelements %bitcast3A_1176, 1 {pack_format = #tpu.pack_format<interleaved>} : vector<32xbf16> -> vector<16xf32>
      %unpack3A_1183 = tpu.unpack_subelements %bitcast3A_1180, 0 {pack_format = #tpu.pack_format<interleaved>} : vector<32xbf16> -> vector<16xf32>
      %unpack3A_1184 = tpu.unpack_subelements %bitcast3A_1180, 1 {pack_format = #tpu.pack_format<interleaved>} : vector<32xbf16> -> vector<16xf32>
      %mul3A_1185 = arith.mulf %unpack3A_1181, %unpack3A_1183 : vector<16xf32>
      %mul3A_1186 = arith.mulf %unpack3A_1182, %unpack3A_1184 : vector<16xf32>
      %add3A_1187 = arith.addf %mul3A_1185, %mul3A_1186 : vector<16xf32>
      %add3A_1188 = arith.addf %add3A_1172, %add3A_1187 : vector<16xf32>
      %add3A_1189 = arith.constant 15 : i32
      %add3A_1190 = arith.addi %mul3A_686, %add3A_1189 : i32
      %get3A_1191 = arith.index_cast %add3A_1190 : i32 to index
      %get3A_1192 = arith.constant 0 : index
      %get3A_1193 = tpu.vector_load %arg12[%get3A_1191, %get3A_1192] {strides = array<i32>} : memref<512x32xi32, #tpu.memory_space<vmem>>, vector<16xi32>,
      %bitcast3A_1194 = vector.bitcast %get3A_1193 : vector<16xi32> to vector<32xbf16>
      %get3A_1195 = arith.index_cast %add3A_1190 : i32 to index
      %get3A_1196 = arith.constant 0 : index
      %get3A_1197 = tpu.vector_load %arg13[%get3A_1195, %get3A_1196] {strides = array<i32>} : memref<512x32xi32, #tpu.memory_space<vmem>>, vector<16xi32>,
      %bitcast3A_1198 = vector.bitcast %get3A_1197 : vector<16xi32> to vector<32xbf16>
      %unpack3A_1199 = tpu.unpack_subelements %bitcast3A_1194, 0 {pack_format = #tpu.pack_format<interleaved>} : vector<32xbf16> -> vector<16xf32>
      %unpack3A_1200 = tpu.unpack_subelements %bitcast3A_1194, 1 {pack_format = #tpu.pack_format<interleaved>} : vector<32xbf16> -> vector<16xf32>
      %unpack3A_1201 = tpu.unpack_subelements %bitcast3A_1198, 0 {pack_format = #tpu.pack_format<interleaved>} : vector<32xbf16> -> vector<16xf32>
      %unpack3A_1202 = tpu.unpack_subelements %bitcast3A_1198, 1 {pack_format = #tpu.pack_format<interleaved>} : vector<32xbf16> -> vector<16xf32>
      %mul3A_1203 = arith.mulf %unpack3A_1199, %unpack3A_1201 : vector<16xf32>
      %mul3A_1204 = arith.mulf %unpack3A_1200, %unpack3A_1202 : vector<16xf32>
      %add3A_1205 = arith.addf %mul3A_1203, %mul3A_1204 : vector<16xf32>
      %get3A_1206 = arith.index_cast %add3A_1190 : i32 to index
      %get3A_1207 = arith.constant 16 : index
      %get3A_1208 = tpu.vector_load %arg12[%get3A_1206, %get3A_1207] {strides = array<i32>} : memref<512x32xi32, #tpu.memory_space<vmem>>, vector<16xi32>,
      %bitcast3A_1209 = vector.bitcast %get3A_1208 : vector<16xi32> to vector<32xbf16>
      %get3A_1210 = arith.index_cast %add3A_1190 : i32 to index
      %get3A_1211 = arith.constant 16 : index
      %get3A_1212 = tpu.vector_load %arg13[%get3A_1210, %get3A_1211] {strides = array<i32>} : memref<512x32xi32, #tpu.memory_space<vmem>>, vector<16xi32>,
      %bitcast3A_1213 = vector.bitcast %get3A_1212 : vector<16xi32> to vector<32xbf16>
      %unpack3A_1214 = tpu.unpack_subelements %bitcast3A_1209, 0 {pack_format = #tpu.pack_format<interleaved>} : vector<32xbf16> -> vector<16xf32>
      %unpack3A_1215 = tpu.unpack_subelements %bitcast3A_1209, 1 {pack_format = #tpu.pack_format<interleaved>} : vector<32xbf16> -> vector<16xf32>
      %unpack3A_1216 = tpu.unpack_subelements %bitcast3A_1213, 0 {pack_format = #tpu.pack_format<interleaved>} : vector<32xbf16> -> vector<16xf32>
      %unpack3A_1217 = tpu.unpack_subelements %bitcast3A_1213, 1 {pack_format = #tpu.pack_format<interleaved>} : vector<32xbf16> -> vector<16xf32>
      %mul3A_1218 = arith.mulf %unpack3A_1214, %unpack3A_1216 : vector<16xf32>
      %mul3A_1219 = arith.mulf %unpack3A_1215, %unpack3A_1217 : vector<16xf32>
      %add3A_1220 = arith.addf %mul3A_1218, %mul3A_1219 : vector<16xf32>
      %add3A_1221 = arith.addf %add3A_1205, %add3A_1220 : vector<16xf32>
      %xor3A = arith.constant 1 : i32
      %xor3A_1222 = vector.broadcast %xor3A : i32 to vector<16xi32>
      %xor3A_1223 = arith.xori %iota3A, %xor3A_1222 : vector<16xi32>
      %and3A_1224 = arith.constant 1 : i32
      %and3A_1225 = vector.broadcast %and3A_1224 : i32 to vector<16xi32>
      %and3A_1226 = arith.andi %iota3A, %and3A_1225 : vector<16xi32>
      %eq3A_1227 = arith.constant 0 : i32
      %eq3A_1228 = vector.broadcast %eq3A_1227 : i32 to vector<16xi32>
      %eq3A_1229 = arith.cmpi eq, %and3A_1226, %eq3A_1228 : vector<16xi32>
      %lt3A_1230 = arith.constant 0 : i32
      %lt3A_1231 = vector.broadcast %lt3A_1230 : i32 to vector<16xi32>
      %lt3A_1232 = arith.cmpi slt, %xor3A_1223, %lt3A_1231 : vector<16xi32>
      %add3A_1233 = arith.constant 16 : i32
      %add3A_1234 = vector.broadcast %add3A_1233 : i32 to vector<16xi32>
      %add3A_1235 = arith.addi %xor3A_1223, %add3A_1234 : vector<16xi32>
      %select_n3A_1236 = arith.select %lt3A_1232, %add3A_1235, %xor3A_1223 : vector<16xi1>, vector<16xi32>
      %broadcast_in_dim3A = vector.shape_cast %select_n3A_1236 : vector<16xi32> to vector<16x1xi32>
      %gather3A = vector.shape_cast %broadcast_in_dim3A : vector<16x1xi32> to vector<16xi32>
      %gather3A_1237 = tpu.dynamic_gather %add3A_726[%gather3A] in [0] : vector<16xf32>, vector<16xi32> -> vector<16xf32>
      %add3A_1238 = arith.addf %add3A_726, %gather3A_1237 : vector<16xf32>
      %lt3A_1239 = arith.constant 0 : i32
      %lt3A_1240 = vector.broadcast %lt3A_1239 : i32 to vector<16xi32>
      %lt3A_1241 = arith.cmpi slt, %xor3A_1223, %lt3A_1240 : vector<16xi32>
      %add3A_1242 = arith.constant 16 : i32
      %add3A_1243 = vector.broadcast %add3A_1242 : i32 to vector<16xi32>
      %add3A_1244 = arith.addi %xor3A_1223, %add3A_1243 : vector<16xi32>
      %select_n3A_1245 = arith.select %lt3A_1241, %add3A_1244, %xor3A_1223 : vector<16xi1>, vector<16xi32>
      %broadcast_in_dim3A_1246 = vector.shape_cast %select_n3A_1245 : vector<16xi32> to vector<16x1xi32>
      %gather3A_1247 = vector.shape_cast %broadcast_in_dim3A_1246 : vector<16x1xi32> to vector<16xi32>
      %gather3A_1248 = tpu.dynamic_gather %add3A_759[%gather3A_1247] in [0] : vector<16xf32>, vector<16xi32> -> vector<16xf32>
      %add3A_1249 = arith.addf %add3A_759, %gather3A_1248 : vector<16xf32>
      %select_n3A_1250 = arith.select %eq3A_1229, %add3A_1238, %add3A_1249 : vector<16xi1>, vector<16xf32>
      %xor3A_1251 = arith.constant 1 : i32
      %xor3A_1252 = vector.broadcast %xor3A_1251 : i32 to vector<16xi32>
      %xor3A_1253 = arith.xori %iota3A, %xor3A_1252 : vector<16xi32>
      %and3A_1254 = arith.constant 1 : i32
      %and3A_1255 = vector.broadcast %and3A_1254 : i32 to vector<16xi32>
      %and3A_1256 = arith.andi %iota3A, %and3A_1255 : vector<16xi32>
      %eq3A_1257 = arith.constant 0 : i32
      %eq3A_1258 = vector.broadcast %eq3A_1257 : i32 to vector<16xi32>
      %eq3A_1259 = arith.cmpi eq, %and3A_1256, %eq3A_1258 : vector<16xi32>
      %lt3A_1260 = arith.constant 0 : i32
      %lt3A_1261 = vector.broadcast %lt3A_1260 : i32 to vector<16xi32>
      %lt3A_1262 = arith.cmpi slt, %xor3A_1253, %lt3A_1261 : vector<16xi32>
      %add3A_1263 = arith.constant 16 : i32
      %add3A_1264 = vector.broadcast %add3A_1263 : i32 to vector<16xi32>
      %add3A_1265 = arith.addi %xor3A_1253, %add3A_1264 : vector<16xi32>
      %select_n3A_1266 = arith.select %lt3A_1262, %add3A_1265, %xor3A_1253 : vector<16xi1>, vector<16xi32>
      %broadcast_in_dim3A_1267 = vector.shape_cast %select_n3A_1266 : vector<16xi32> to vector<16x1xi32>
      %gather3A_1268 = vector.shape_cast %broadcast_in_dim3A_1267 : vector<16x1xi32> to vector<16xi32>
      %gather3A_1269 = tpu.dynamic_gather %add3A_792[%gather3A_1268] in [0] : vector<16xf32>, vector<16xi32> -> vector<16xf32>
      %add3A_1270 = arith.addf %add3A_792, %gather3A_1269 : vector<16xf32>
      %lt3A_1271 = arith.constant 0 : i32
      %lt3A_1272 = vector.broadcast %lt3A_1271 : i32 to vector<16xi32>
      %lt3A_1273 = arith.cmpi slt, %xor3A_1253, %lt3A_1272 : vector<16xi32>
      %add3A_1274 = arith.constant 16 : i32
      %add3A_1275 = vector.broadcast %add3A_1274 : i32 to vector<16xi32>
      %add3A_1276 = arith.addi %xor3A_1253, %add3A_1275 : vector<16xi32>
      %select_n3A_1277 = arith.select %lt3A_1273, %add3A_1276, %xor3A_1253 : vector<16xi1>, vector<16xi32>
      %broadcast_in_dim3A_1278 = vector.shape_cast %select_n3A_1277 : vector<16xi32> to vector<16x1xi32>
      %gather3A_1279 = vector.shape_cast %broadcast_in_dim3A_1278 : vector<16x1xi32> to vector<16xi32>
      %gather3A_1280 = tpu.dynamic_gather %add3A_825[%gather3A_1279] in [0] : vector<16xf32>, vector<16xi32> -> vector<16xf32>
      %add3A_1281 = arith.addf %add3A_825, %gather3A_1280 : vector<16xf32>
      %select_n3A_1282 = arith.select %eq3A_1259, %add3A_1270, %add3A_1281 : vector<16xi1>, vector<16xf32>
      %xor3A_1283 = arith.constant 1 : i32
      %xor3A_1284 = vector.broadcast %xor3A_1283 : i32 to vector<16xi32>
      %xor3A_1285 = arith.xori %iota3A, %xor3A_1284 : vector<16xi32>
      %and3A_1286 = arith.constant 1 : i32
      %and3A_1287 = vector.broadcast %and3A_1286 : i32 to vector<16xi32>
      %and3A_1288 = arith.andi %iota3A, %and3A_1287 : vector<16xi32>
      %eq3A_1289 = arith.constant 0 : i32
      %eq3A_1290 = vector.broadcast %eq3A_1289 : i32 to vector<16xi32>
      %eq3A_1291 = arith.cmpi eq, %and3A_1288, %eq3A_1290 : vector<16xi32>
      %lt3A_1292 = arith.constant 0 : i32
      %lt3A_1293 = vector.broadcast %lt3A_1292 : i32 to vector<16xi32>
      %lt3A_1294 = arith.cmpi slt, %xor3A_1285, %lt3A_1293 : vector<16xi32>
      %add3A_1295 = arith.constant 16 : i32
      %add3A_1296 = vector.broadcast %add3A_1295 : i32 to vector<16xi32>
      %add3A_1297 = arith.addi %xor3A_1285, %add3A_1296 : vector<16xi32>
      %select_n3A_1298 = arith.select %lt3A_1294, %add3A_1297, %xor3A_1285 : vector<16xi1>, vector<16xi32>
      %broadcast_in_dim3A_1299 = vector.shape_cast %select_n3A_1298 : vector<16xi32> to vector<16x1xi32>
      %gather3A_1300 = vector.shape_cast %broadcast_in_dim3A_1299 : vector<16x1xi32> to vector<16xi32>
      %gather3A_1301 = tpu.dynamic_gather %add3A_858[%gather3A_1300] in [0] : vector<16xf32>, vector<16xi32> -> vector<16xf32>
      %add3A_1302 = arith.addf %add3A_858, %gather3A_1301 : vector<16xf32>
      %lt3A_1303 = arith.constant 0 : i32
      %lt3A_1304 = vector.broadcast %lt3A_1303 : i32 to vector<16xi32>
      %lt3A_1305 = arith.cmpi slt, %xor3A_1285, %lt3A_1304 : vector<16xi32>
      %add3A_1306 = arith.constant 16 : i32
      %add3A_1307 = vector.broadcast %add3A_1306 : i32 to vector<16xi32>
      %add3A_1308 = arith.addi %xor3A_1285, %add3A_1307 : vector<16xi32>
      %select_n3A_1309 = arith.select %lt3A_1305, %add3A_1308, %xor3A_1285 : vector<16xi1>, vector<16xi32>
      %broadcast_in_dim3A_1310 = vector.shape_cast %select_n3A_1309 : vector<16xi32> to vector<16x1xi32>
      %gather3A_1311 = vector.shape_cast %broadcast_in_dim3A_1310 : vector<16x1xi32> to vector<16xi32>
      %gather3A_1312 = tpu.dynamic_gather %add3A_891[%gather3A_1311] in [0] : vector<16xf32>, vector<16xi32> -> vector<16xf32>
      %add3A_1313 = arith.addf %add3A_891, %gather3A_1312 : vector<16xf32>
      %select_n3A_1314 = arith.select %eq3A_1291, %add3A_1302, %add3A_1313 : vector<16xi1>, vector<16xf32>
      %xor3A_1315 = arith.constant 1 : i32
      %xor3A_1316 = vector.broadcast %xor3A_1315 : i32 to vector<16xi32>
      %xor3A_1317 = arith.xori %iota3A, %xor3A_1316 : vector<16xi32>
      %and3A_1318 = arith.constant 1 : i32
      %and3A_1319 = vector.broadcast %and3A_1318 : i32 to vector<16xi32>
      %and3A_1320 = arith.andi %iota3A, %and3A_1319 : vector<16xi32>
      %eq3A_1321 = arith.constant 0 : i32
      %eq3A_1322 = vector.broadcast %eq3A_1321 : i32 to vector<16xi32>
      %eq3A_1323 = arith.cmpi eq, %and3A_1320, %eq3A_1322 : vector<16xi32>
      %lt3A_1324 = arith.constant 0 : i32
      %lt3A_1325 = vector.broadcast %lt3A_1324 : i32 to vector<16xi32>
      %lt3A_1326 = arith.cmpi slt, %xor3A_1317, %lt3A_1325 : vector<16xi32>
      %add3A_1327 = arith.constant 16 : i32
      %add3A_1328 = vector.broadcast %add3A_1327 : i32 to vector<16xi32>
      %add3A_1329 = arith.addi %xor3A_1317, %add3A_1328 : vector<16xi32>
      %select_n3A_1330 = arith.select %lt3A_1326, %add3A_1329, %xor3A_1317 : vector<16xi1>, vector<16xi32>
      %broadcast_in_dim3A_1331 = vector.shape_cast %select_n3A_1330 : vector<16xi32> to vector<16x1xi32>
      %gather3A_1332 = vector.shape_cast %broadcast_in_dim3A_1331 : vector<16x1xi32> to vector<16xi32>
      %gather3A_1333 = tpu.dynamic_gather %add3A_924[%gather3A_1332] in [0] : vector<16xf32>, vector<16xi32> -> vector<16xf32>
      %add3A_1334 = arith.addf %add3A_924, %gather3A_1333 : vector<16xf32>
      %lt3A_1335 = arith.constant 0 : i32
      %lt3A_1336 = vector.broadcast %lt3A_1335 : i32 to vector<16xi32>
      %lt3A_1337 = arith.cmpi slt, %xor3A_1317, %lt3A_1336 : vector<16xi32>
      %add3A_1338 = arith.constant 16 : i32
      %add3A_1339 = vector.broadcast %add3A_1338 : i32 to vector<16xi32>
      %add3A_1340 = arith.addi %xor3A_1317, %add3A_1339 : vector<16xi32>
      %select_n3A_1341 = arith.select %lt3A_1337, %add3A_1340, %xor3A_1317 : vector<16xi1>, vector<16xi32>
      %broadcast_in_dim3A_1342 = vector.shape_cast %select_n3A_1341 : vector<16xi32> to vector<16x1xi32>
      %gather3A_1343 = vector.shape_cast %broadcast_in_dim3A_1342 : vector<16x1xi32> to vector<16xi32>
      %gather3A_1344 = tpu.dynamic_gather %add3A_957[%gather3A_1343] in [0] : vector<16xf32>, vector<16xi32> -> vector<16xf32>
      %add3A_1345 = arith.addf %add3A_957, %gather3A_1344 : vector<16xf32>
      %select_n3A_1346 = arith.select %eq3A_1323, %add3A_1334, %add3A_1345 : vector<16xi1>, vector<16xf32>
      %xor3A_1347 = arith.constant 1 : i32
      %xor3A_1348 = vector.broadcast %xor3A_1347 : i32 to vector<16xi32>
      %xor3A_1349 = arith.xori %iota3A, %xor3A_1348 : vector<16xi32>
      %and3A_1350 = arith.constant 1 : i32
      %and3A_1351 = vector.broadcast %and3A_1350 : i32 to vector<16xi32>
      %and3A_1352 = arith.andi %iota3A, %and3A_1351 : vector<16xi32>
      %eq3A_1353 = arith.constant 0 : i32
      %eq3A_1354 = vector.broadcast %eq3A_1353 : i32 to vector<16xi32>
      %eq3A_1355 = arith.cmpi eq, %and3A_1352, %eq3A_1354 : vector<16xi32>
      %lt3A_1356 = arith.constant 0 : i32
      %lt3A_1357 = vector.broadcast %lt3A_1356 : i32 to vector<16xi32>
      %lt3A_1358 = arith.cmpi slt, %xor3A_1349, %lt3A_1357 : vector<16xi32>
      %add3A_1359 = arith.constant 16 : i32
      %add3A_1360 = vector.broadcast %add3A_1359 : i32 to vector<16xi32>
      %add3A_1361 = arith.addi %xor3A_1349, %add3A_1360 : vector<16xi32>
      %select_n3A_1362 = arith.select %lt3A_1358, %add3A_1361, %xor3A_1349 : vector<16xi1>, vector<16xi32>
      %broadcast_in_dim3A_1363 = vector.shape_cast %select_n3A_1362 : vector<16xi32> to vector<16x1xi32>
      %gather3A_1364 = vector.shape_cast %broadcast_in_dim3A_1363 : vector<16x1xi32> to vector<16xi32>
      %gather3A_1365 = tpu.dynamic_gather %add3A_990[%gather3A_1364] in [0] : vector<16xf32>, vector<16xi32> -> vector<16xf32>
      %add3A_1366 = arith.addf %add3A_990, %gather3A_1365 : vector<16xf32>
      %lt3A_1367 = arith.constant 0 : i32
      %lt3A_1368 = vector.broadcast %lt3A_1367 : i32 to vector<16xi32>
      %lt3A_1369 = arith.cmpi slt, %xor3A_1349, %lt3A_1368 : vector<16xi32>
      %add3A_1370 = arith.constant 16 : i32
      %add3A_1371 = vector.broadcast %add3A_1370 : i32 to vector<16xi32>
      %add3A_1372 = arith.addi %xor3A_1349, %add3A_1371 : vector<16xi32>
      %select_n3A_1373 = arith.select %lt3A_1369, %add3A_1372, %xor3A_1349 : vector<16xi1>, vector<16xi32>
      %broadcast_in_dim3A_1374 = vector.shape_cast %select_n3A_1373 : vector<16xi32> to vector<16x1xi32>
      %gather3A_1375 = vector.shape_cast %broadcast_in_dim3A_1374 : vector<16x1xi32> to vector<16xi32>
      %gather3A_1376 = tpu.dynamic_gather %add3A_1023[%gather3A_1375] in [0] : vector<16xf32>, vector<16xi32> -> vector<16xf32>
      %add3A_1377 = arith.addf %add3A_1023, %gather3A_1376 : vector<16xf32>
      %select_n3A_1378 = arith.select %eq3A_1355, %add3A_1366, %add3A_1377 : vector<16xi1>, vector<16xf32>
      %xor3A_1379 = arith.constant 1 : i32
      %xor3A_1380 = vector.broadcast %xor3A_1379 : i32 to vector<16xi32>
      %xor3A_1381 = arith.xori %iota3A, %xor3A_1380 : vector<16xi32>
      %and3A_1382 = arith.constant 1 : i32
      %and3A_1383 = vector.broadcast %and3A_1382 : i32 to vector<16xi32>
      %and3A_1384 = arith.andi %iota3A, %and3A_1383 : vector<16xi32>
      %eq3A_1385 = arith.constant 0 : i32
      %eq3A_1386 = vector.broadcast %eq3A_1385 : i32 to vector<16xi32>
      %eq3A_1387 = arith.cmpi eq, %and3A_1384, %eq3A_1386 : vector<16xi32>
      %lt3A_1388 = arith.constant 0 : i32
      %lt3A_1389 = vector.broadcast %lt3A_1388 : i32 to vector<16xi32>
      %lt3A_1390 = arith.cmpi slt, %xor3A_1381, %lt3A_1389 : vector<16xi32>
      %add3A_1391 = arith.constant 16 : i32
      %add3A_1392 = vector.broadcast %add3A_1391 : i32 to vector<16xi32>
      %add3A_1393 = arith.addi %xor3A_1381, %add3A_1392 : vector<16xi32>
      %select_n3A_1394 = arith.select %lt3A_1390, %add3A_1393, %xor3A_1381 : vector<16xi1>, vector<16xi32>
      %broadcast_in_dim3A_1395 = vector.shape_cast %select_n3A_1394 : vector<16xi32> to vector<16x1xi32>
      %gather3A_1396 = vector.shape_cast %broadcast_in_dim3A_1395 : vector<16x1xi32> to vector<16xi32>
      %gather3A_1397 = tpu.dynamic_gather %add3A_1056[%gather3A_1396] in [0] : vector<16xf32>, vector<16xi32> -> vector<16xf32>
      %add3A_1398 = arith.addf %add3A_1056, %gather3A_1397 : vector<16xf32>
      %lt3A_1399 = arith.constant 0 : i32
      %lt3A_1400 = vector.broadcast %lt3A_1399 : i32 to vector<16xi32>
      %lt3A_1401 = arith.cmpi slt, %xor3A_1381, %lt3A_1400 : vector<16xi32>
      %add3A_1402 = arith.constant 16 : i32
      %add3A_1403 = vector.broadcast %add3A_1402 : i32 to vector<16xi32>
      %add3A_1404 = arith.addi %xor3A_1381, %add3A_1403 : vector<16xi32>
      %select_n3A_1405 = arith.select %lt3A_1401, %add3A_1404, %xor3A_1381 : vector<16xi1>, vector<16xi32>
      %broadcast_in_dim3A_1406 = vector.shape_cast %select_n3A_1405 : vector<16xi32> to vector<16x1xi32>
      %gather3A_1407 = vector.shape_cast %broadcast_in_dim3A_1406 : vector<16x1xi32> to vector<16xi32>
      %gather3A_1408 = tpu.dynamic_gather %add3A_1089[%gather3A_1407] in [0] : vector<16xf32>, vector<16xi32> -> vector<16xf32>
      %add3A_1409 = arith.addf %add3A_1089, %gather3A_1408 : vector<16xf32>
      %select_n3A_1410 = arith.select %eq3A_1387, %add3A_1398, %add3A_1409 : vector<16xi1>, vector<16xf32>
      %xor3A_1411 = arith.constant 1 : i32
      %xor3A_1412 = vector.broadcast %xor3A_1411 : i32 to vector<16xi32>
      %xor3A_1413 = arith.xori %iota3A, %xor3A_1412 : vector<16xi32>
      %and3A_1414 = arith.constant 1 : i32
      %and3A_1415 = vector.broadcast %and3A_1414 : i32 to vector<16xi32>
      %and3A_1416 = arith.andi %iota3A, %and3A_1415 : vector<16xi32>
      %eq3A_1417 = arith.constant 0 : i32
      %eq3A_1418 = vector.broadcast %eq3A_1417 : i32 to vector<16xi32>
      %eq3A_1419 = arith.cmpi eq, %and3A_1416, %eq3A_1418 : vector<16xi32>
      %lt3A_1420 = arith.constant 0 : i32
      %lt3A_1421 = vector.broadcast %lt3A_1420 : i32 to vector<16xi32>
      %lt3A_1422 = arith.cmpi slt, %xor3A_1413, %lt3A_1421 : vector<16xi32>
      %add3A_1423 = arith.constant 16 : i32
      %add3A_1424 = vector.broadcast %add3A_1423 : i32 to vector<16xi32>
      %add3A_1425 = arith.addi %xor3A_1413, %add3A_1424 : vector<16xi32>
      %select_n3A_1426 = arith.select %lt3A_1422, %add3A_1425, %xor3A_1413 : vector<16xi1>, vector<16xi32>
      %broadcast_in_dim3A_1427 = vector.shape_cast %select_n3A_1426 : vector<16xi32> to vector<16x1xi32>
      %gather3A_1428 = vector.shape_cast %broadcast_in_dim3A_1427 : vector<16x1xi32> to vector<16xi32>
      %gather3A_1429 = tpu.dynamic_gather %add3A_1122[%gather3A_1428] in [0] : vector<16xf32>, vector<16xi32> -> vector<16xf32>
      %add3A_1430 = arith.addf %add3A_1122, %gather3A_1429 : vector<16xf32>
      %lt3A_1431 = arith.constant 0 : i32
      %lt3A_1432 = vector.broadcast %lt3A_1431 : i32 to vector<16xi32>
      %lt3A_1433 = arith.cmpi slt, %xor3A_1413, %lt3A_1432 : vector<16xi32>
      %add3A_1434 = arith.constant 16 : i32
      %add3A_1435 = vector.broadcast %add3A_1434 : i32 to vector<16xi32>
      %add3A_1436 = arith.addi %xor3A_1413, %add3A_1435 : vector<16xi32>
      %select_n3A_1437 = arith.select %lt3A_1433, %add3A_1436, %xor3A_1413 : vector<16xi1>, vector<16xi32>
      %broadcast_in_dim3A_1438 = vector.shape_cast %select_n3A_1437 : vector<16xi32> to vector<16x1xi32>
      %gather3A_1439 = vector.shape_cast %broadcast_in_dim3A_1438 : vector<16x1xi32> to vector<16xi32>
      %gather3A_1440 = tpu.dynamic_gather %add3A_1155[%gather3A_1439] in [0] : vector<16xf32>, vector<16xi32> -> vector<16xf32>
      %add3A_1441 = arith.addf %add3A_1155, %gather3A_1440 : vector<16xf32>
      %select_n3A_1442 = arith.select %eq3A_1419, %add3A_1430, %add3A_1441 : vector<16xi1>, vector<16xf32>
      %xor3A_1443 = arith.constant 1 : i32
      %xor3A_1444 = vector.broadcast %xor3A_1443 : i32 to vector<16xi32>
      %xor3A_1445 = arith.xori %iota3A, %xor3A_1444 : vector<16xi32>
      %and3A_1446 = arith.constant 1 : i32
      %and3A_1447 = vector.broadcast %and3A_1446 : i32 to vector<16xi32>
      %and3A_1448 = arith.andi %iota3A, %and3A_1447 : vector<16xi32>
      %eq3A_1449 = arith.constant 0 : i32
      %eq3A_1450 = vector.broadcast %eq3A_1449 : i32 to vector<16xi32>
      %eq3A_1451 = arith.cmpi eq, %and3A_1448, %eq3A_1450 : vector<16xi32>
      %lt3A_1452 = arith.constant 0 : i32
      %lt3A_1453 = vector.broadcast %lt3A_1452 : i32 to vector<16xi32>
      %lt3A_1454 = arith.cmpi slt, %xor3A_1445, %lt3A_1453 : vector<16xi32>
      %add3A_1455 = arith.constant 16 : i32
      %add3A_1456 = vector.broadcast %add3A_1455 : i32 to vector<16xi32>
      %add3A_1457 = arith.addi %xor3A_1445, %add3A_1456 : vector<16xi32>
      %select_n3A_1458 = arith.select %lt3A_1454, %add3A_1457, %xor3A_1445 : vector<16xi1>, vector<16xi32>
      %broadcast_in_dim3A_1459 = vector.shape_cast %select_n3A_1458 : vector<16xi32> to vector<16x1xi32>
      %gather3A_1460 = vector.shape_cast %broadcast_in_dim3A_1459 : vector<16x1xi32> to vector<16xi32>
      %gather3A_1461 = tpu.dynamic_gather %add3A_1188[%gather3A_1460] in [0] : vector<16xf32>, vector<16xi32> -> vector<16xf32>
      %add3A_1462 = arith.addf %add3A_1188, %gather3A_1461 : vector<16xf32>
      %lt3A_1463 = arith.constant 0 : i32
      %lt3A_1464 = vector.broadcast %lt3A_1463 : i32 to vector<16xi32>
      %lt3A_1465 = arith.cmpi slt, %xor3A_1445, %lt3A_1464 : vector<16xi32>
      %add3A_1466 = arith.constant 16 : i32
      %add3A_1467 = vector.broadcast %add3A_1466 : i32 to vector<16xi32>
      %add3A_1468 = arith.addi %xor3A_1445, %add3A_1467 : vector<16xi32>
      %select_n3A_1469 = arith.select %lt3A_1465, %add3A_1468, %xor3A_1445 : vector<16xi1>, vector<16xi32>
      %broadcast_in_dim3A_1470 = vector.shape_cast %select_n3A_1469 : vector<16xi32> to vector<16x1xi32>
      %gather3A_1471 = vector.shape_cast %broadcast_in_dim3A_1470 : vector<16x1xi32> to vector<16xi32>
      %gather3A_1472 = tpu.dynamic_gather %add3A_1221[%gather3A_1471] in [0] : vector<16xf32>, vector<16xi32> -> vector<16xf32>
      %add3A_1473 = arith.addf %add3A_1221, %gather3A_1472 : vector<16xf32>
      %select_n3A_1474 = arith.select %eq3A_1451, %add3A_1462, %add3A_1473 : vector<16xi1>, vector<16xf32>
      %xor3A_1475 = arith.constant 2 : i32
      %xor3A_1476 = vector.broadcast %xor3A_1475 : i32 to vector<16xi32>
      %xor3A_1477 = arith.xori %iota3A, %xor3A_1476 : vector<16xi32>
      %and3A_1478 = arith.constant 2 : i32
      %and3A_1479 = vector.broadcast %and3A_1478 : i32 to vector<16xi32>
      %and3A_1480 = arith.andi %iota3A, %and3A_1479 : vector<16xi32>
      %eq3A_1481 = arith.constant 0 : i32
      %eq3A_1482 = vector.broadcast %eq3A_1481 : i32 to vector<16xi32>
      %eq3A_1483 = arith.cmpi eq, %and3A_1480, %eq3A_1482 : vector<16xi32>
      %lt3A_1484 = arith.constant 0 : i32
      %lt3A_1485 = vector.broadcast %lt3A_1484 : i32 to vector<16xi32>
      %lt3A_1486 = arith.cmpi slt, %xor3A_1477, %lt3A_1485 : vector<16xi32>
      %add3A_1487 = arith.constant 16 : i32
      %add3A_1488 = vector.broadcast %add3A_1487 : i32 to vector<16xi32>
      %add3A_1489 = arith.addi %xor3A_1477, %add3A_1488 : vector<16xi32>
      %select_n3A_1490 = arith.select %lt3A_1486, %add3A_1489, %xor3A_1477 : vector<16xi1>, vector<16xi32>
      %broadcast_in_dim3A_1491 = vector.shape_cast %select_n3A_1490 : vector<16xi32> to vector<16x1xi32>
      %gather3A_1492 = vector.shape_cast %broadcast_in_dim3A_1491 : vector<16x1xi32> to vector<16xi32>
      %gather3A_1493 = tpu.dynamic_gather %select_n3A_1250[%gather3A_1492] in [0] : vector<16xf32>, vector<16xi32> -> vector<16xf32>
      %add3A_1494 = arith.addf %select_n3A_1250, %gather3A_1493 : vector<16xf32>
      %lt3A_1495 = arith.constant 0 : i32
      %lt3A_1496 = vector.broadcast %lt3A_1495 : i32 to vector<16xi32>
      %lt3A_1497 = arith.cmpi slt, %xor3A_1477, %lt3A_1496 : vector<16xi32>
      %add3A_1498 = arith.constant 16 : i32
      %add3A_1499 = vector.broadcast %add3A_1498 : i32 to vector<16xi32>
      %add3A_1500 = arith.addi %xor3A_1477, %add3A_1499 : vector<16xi32>
      %select_n3A_1501 = arith.select %lt3A_1497, %add3A_1500, %xor3A_1477 : vector<16xi1>, vector<16xi32>
      %broadcast_in_dim3A_1502 = vector.shape_cast %select_n3A_1501 : vector<16xi32> to vector<16x1xi32>
      %gather3A_1503 = vector.shape_cast %broadcast_in_dim3A_1502 : vector<16x1xi32> to vector<16xi32>
      %gather3A_1504 = tpu.dynamic_gather %select_n3A_1282[%gather3A_1503] in [0] : vector<16xf32>, vector<16xi32> -> vector<16xf32>
      %add3A_1505 = arith.addf %select_n3A_1282, %gather3A_1504 : vector<16xf32>
      %select_n3A_1506 = arith.select %eq3A_1483, %add3A_1494, %add3A_1505 : vector<16xi1>, vector<16xf32>
      %xor3A_1507 = arith.constant 2 : i32
      %xor3A_1508 = vector.broadcast %xor3A_1507 : i32 to vector<16xi32>
      %xor3A_1509 = arith.xori %iota3A, %xor3A_1508 : vector<16xi32>
      %and3A_1510 = arith.constant 2 : i32
      %and3A_1511 = vector.broadcast %and3A_1510 : i32 to vector<16xi32>
      %and3A_1512 = arith.andi %iota3A, %and3A_1511 : vector<16xi32>
      %eq3A_1513 = arith.constant 0 : i32
      %eq3A_1514 = vector.broadcast %eq3A_1513 : i32 to vector<16xi32>
      %eq3A_1515 = arith.cmpi eq, %and3A_1512, %eq3A_1514 : vector<16xi32>
      %lt3A_1516 = arith.constant 0 : i32
      %lt3A_1517 = vector.broadcast %lt3A_1516 : i32 to vector<16xi32>
      %lt3A_1518 = arith.cmpi slt, %xor3A_1509, %lt3A_1517 : vector<16xi32>
      %add3A_1519 = arith.constant 16 : i32
      %add3A_1520 = vector.broadcast %add3A_1519 : i32 to vector<16xi32>
      %add3A_1521 = arith.addi %xor3A_1509, %add3A_1520 : vector<16xi32>
      %select_n3A_1522 = arith.select %lt3A_1518, %add3A_1521, %xor3A_1509 : vector<16xi1>, vector<16xi32>
      %broadcast_in_dim3A_1523 = vector.shape_cast %select_n3A_1522 : vector<16xi32> to vector<16x1xi32>
      %gather3A_1524 = vector.shape_cast %broadcast_in_dim3A_1523 : vector<16x1xi32> to vector<16xi32>
      %gather3A_1525 = tpu.dynamic_gather %select_n3A_1314[%gather3A_1524] in [0] : vector<16xf32>, vector<16xi32> -> vector<16xf32>
      %add3A_1526 = arith.addf %select_n3A_1314, %gather3A_1525 : vector<16xf32>
      %lt3A_1527 = arith.constant 0 : i32
      %lt3A_1528 = vector.broadcast %lt3A_1527 : i32 to vector<16xi32>
      %lt3A_1529 = arith.cmpi slt, %xor3A_1509, %lt3A_1528 : vector<16xi32>
      %add3A_1530 = arith.constant 16 : i32
      %add3A_1531 = vector.broadcast %add3A_1530 : i32 to vector<16xi32>
      %add3A_1532 = arith.addi %xor3A_1509, %add3A_1531 : vector<16xi32>
      %select_n3A_1533 = arith.select %lt3A_1529, %add3A_1532, %xor3A_1509 : vector<16xi1>, vector<16xi32>
      %broadcast_in_dim3A_1534 = vector.shape_cast %select_n3A_1533 : vector<16xi32> to vector<16x1xi32>
      %gather3A_1535 = vector.shape_cast %broadcast_in_dim3A_1534 : vector<16x1xi32> to vector<16xi32>
      %gather3A_1536 = tpu.dynamic_gather %select_n3A_1346[%gather3A_1535] in [0] : vector<16xf32>, vector<16xi32> -> vector<16xf32>
      %add3A_1537 = arith.addf %select_n3A_1346, %gather3A_1536 : vector<16xf32>
      %select_n3A_1538 = arith.select %eq3A_1515, %add3A_1526, %add3A_1537 : vector<16xi1>, vector<16xf32>
      %xor3A_1539 = arith.constant 2 : i32
      %xor3A_1540 = vector.broadcast %xor3A_1539 : i32 to vector<16xi32>
      %xor3A_1541 = arith.xori %iota3A, %xor3A_1540 : vector<16xi32>
      %and3A_1542 = arith.constant 2 : i32
      %and3A_1543 = vector.broadcast %and3A_1542 : i32 to vector<16xi32>
      %and3A_1544 = arith.andi %iota3A, %and3A_1543 : vector<16xi32>
      %eq3A_1545 = arith.constant 0 : i32
      %eq3A_1546 = vector.broadcast %eq3A_1545 : i32 to vector<16xi32>
      %eq3A_1547 = arith.cmpi eq, %and3A_1544, %eq3A_1546 : vector<16xi32>
      %lt3A_1548 = arith.constant 0 : i32
      %lt3A_1549 = vector.broadcast %lt3A_1548 : i32 to vector<16xi32>
      %lt3A_1550 = arith.cmpi slt, %xor3A_1541, %lt3A_1549 : vector<16xi32>
      %add3A_1551 = arith.constant 16 : i32
      %add3A_1552 = vector.broadcast %add3A_1551 : i32 to vector<16xi32>
      %add3A_1553 = arith.addi %xor3A_1541, %add3A_1552 : vector<16xi32>
      %select_n3A_1554 = arith.select %lt3A_1550, %add3A_1553, %xor3A_1541 : vector<16xi1>, vector<16xi32>
      %broadcast_in_dim3A_1555 = vector.shape_cast %select_n3A_1554 : vector<16xi32> to vector<16x1xi32>
      %gather3A_1556 = vector.shape_cast %broadcast_in_dim3A_1555 : vector<16x1xi32> to vector<16xi32>
      %gather3A_1557 = tpu.dynamic_gather %select_n3A_1378[%gather3A_1556] in [0] : vector<16xf32>, vector<16xi32> -> vector<16xf32>
      %add3A_1558 = arith.addf %select_n3A_1378, %gather3A_1557 : vector<16xf32>
      %lt3A_1559 = arith.constant 0 : i32
      %lt3A_1560 = vector.broadcast %lt3A_1559 : i32 to vector<16xi32>
      %lt3A_1561 = arith.cmpi slt, %xor3A_1541, %lt3A_1560 : vector<16xi32>
      %add3A_1562 = arith.constant 16 : i32
      %add3A_1563 = vector.broadcast %add3A_1562 : i32 to vector<16xi32>
      %add3A_1564 = arith.addi %xor3A_1541, %add3A_1563 : vector<16xi32>
      %select_n3A_1565 = arith.select %lt3A_1561, %add3A_1564, %xor3A_1541 : vector<16xi1>, vector<16xi32>
      %broadcast_in_dim3A_1566 = vector.shape_cast %select_n3A_1565 : vector<16xi32> to vector<16x1xi32>
      %gather3A_1567 = vector.shape_cast %broadcast_in_dim3A_1566 : vector<16x1xi32> to vector<16xi32>
      %gather3A_1568 = tpu.dynamic_gather %select_n3A_1410[%gather3A_1567] in [0] : vector<16xf32>, vector<16xi32> -> vector<16xf32>
      %add3A_1569 = arith.addf %select_n3A_1410, %gather3A_1568 : vector<16xf32>
      %select_n3A_1570 = arith.select %eq3A_1547, %add3A_1558, %add3A_1569 : vector<16xi1>, vector<16xf32>
      %xor3A_1571 = arith.constant 2 : i32
      %xor3A_1572 = vector.broadcast %xor3A_1571 : i32 to vector<16xi32>
      %xor3A_1573 = arith.xori %iota3A, %xor3A_1572 : vector<16xi32>
      %and3A_1574 = arith.constant 2 : i32
      %and3A_1575 = vector.broadcast %and3A_1574 : i32 to vector<16xi32>
      %and3A_1576 = arith.andi %iota3A, %and3A_1575 : vector<16xi32>
      %eq3A_1577 = arith.constant 0 : i32
      %eq3A_1578 = vector.broadcast %eq3A_1577 : i32 to vector<16xi32>
      %eq3A_1579 = arith.cmpi eq, %and3A_1576, %eq3A_1578 : vector<16xi32>
      %lt3A_1580 = arith.constant 0 : i32
      %lt3A_1581 = vector.broadcast %lt3A_1580 : i32 to vector<16xi32>
      %lt3A_1582 = arith.cmpi slt, %xor3A_1573, %lt3A_1581 : vector<16xi32>
      %add3A_1583 = arith.constant 16 : i32
      %add3A_1584 = vector.broadcast %add3A_1583 : i32 to vector<16xi32>
      %add3A_1585 = arith.addi %xor3A_1573, %add3A_1584 : vector<16xi32>
      %select_n3A_1586 = arith.select %lt3A_1582, %add3A_1585, %xor3A_1573 : vector<16xi1>, vector<16xi32>
      %broadcast_in_dim3A_1587 = vector.shape_cast %select_n3A_1586 : vector<16xi32> to vector<16x1xi32>
      %gather3A_1588 = vector.shape_cast %broadcast_in_dim3A_1587 : vector<16x1xi32> to vector<16xi32>
      %gather3A_1589 = tpu.dynamic_gather %select_n3A_1442[%gather3A_1588] in [0] : vector<16xf32>, vector<16xi32> -> vector<16xf32>
      %add3A_1590 = arith.addf %select_n3A_1442, %gather3A_1589 : vector<16xf32>
      %lt3A_1591 = arith.constant 0 : i32
      %lt3A_1592 = vector.broadcast %lt3A_1591 : i32 to vector<16xi32>
      %lt3A_1593 = arith.cmpi slt, %xor3A_1573, %lt3A_1592 : vector<16xi32>
      %add3A_1594 = arith.constant 16 : i32
      %add3A_1595 = vector.broadcast %add3A_1594 : i32 to vector<16xi32>
      %add3A_1596 = arith.addi %xor3A_1573, %add3A_1595 : vector<16xi32>
      %select_n3A_1597 = arith.select %lt3A_1593, %add3A_1596, %xor3A_1573 : vector<16xi1>, vector<16xi32>
      %broadcast_in_dim3A_1598 = vector.shape_cast %select_n3A_1597 : vector<16xi32> to vector<16x1xi32>
      %gather3A_1599 = vector.shape_cast %broadcast_in_dim3A_1598 : vector<16x1xi32> to vector<16xi32>
      %gather3A_1600 = tpu.dynamic_gather %select_n3A_1474[%gather3A_1599] in [0] : vector<16xf32>, vector<16xi32> -> vector<16xf32>
      %add3A_1601 = arith.addf %select_n3A_1474, %gather3A_1600 : vector<16xf32>
      %select_n3A_1602 = arith.select %eq3A_1579, %add3A_1590, %add3A_1601 : vector<16xi1>, vector<16xf32>
      %xor3A_1603 = arith.constant 4 : i32
      %xor3A_1604 = vector.broadcast %xor3A_1603 : i32 to vector<16xi32>
      %xor3A_1605 = arith.xori %iota3A, %xor3A_1604 : vector<16xi32>
      %and3A_1606 = arith.constant 4 : i32
      %and3A_1607 = vector.broadcast %and3A_1606 : i32 to vector<16xi32>
      %and3A_1608 = arith.andi %iota3A, %and3A_1607 : vector<16xi32>
      %eq3A_1609 = arith.constant 0 : i32
      %eq3A_1610 = vector.broadcast %eq3A_1609 : i32 to vector<16xi32>
      %eq3A_1611 = arith.cmpi eq, %and3A_1608, %eq3A_1610 : vector<16xi32>
      %lt3A_1612 = arith.constant 0 : i32
      %lt3A_1613 = vector.broadcast %lt3A_1612 : i32 to vector<16xi32>
      %lt3A_1614 = arith.cmpi slt, %xor3A_1605, %lt3A_1613 : vector<16xi32>
      %add3A_1615 = arith.constant 16 : i32
      %add3A_1616 = vector.broadcast %add3A_1615 : i32 to vector<16xi32>
      %add3A_1617 = arith.addi %xor3A_1605, %add3A_1616 : vector<16xi32>
      %select_n3A_1618 = arith.select %lt3A_1614, %add3A_1617, %xor3A_1605 : vector<16xi1>, vector<16xi32>
      %broadcast_in_dim3A_1619 = vector.shape_cast %select_n3A_1618 : vector<16xi32> to vector<16x1xi32>
      %gather3A_1620 = vector.shape_cast %broadcast_in_dim3A_1619 : vector<16x1xi32> to vector<16xi32>
      %gather3A_1621 = tpu.dynamic_gather %select_n3A_1506[%gather3A_1620] in [0] : vector<16xf32>, vector<16xi32> -> vector<16xf32>
      %add3A_1622 = arith.addf %select_n3A_1506, %gather3A_1621 : vector<16xf32>
      %lt3A_1623 = arith.constant 0 : i32
      %lt3A_1624 = vector.broadcast %lt3A_1623 : i32 to vector<16xi32>
      %lt3A_1625 = arith.cmpi slt, %xor3A_1605, %lt3A_1624 : vector<16xi32>
      %add3A_1626 = arith.constant 16 : i32
      %add3A_1627 = vector.broadcast %add3A_1626 : i32 to vector<16xi32>
      %add3A_1628 = arith.addi %xor3A_1605, %add3A_1627 : vector<16xi32>
      %select_n3A_1629 = arith.select %lt3A_1625, %add3A_1628, %xor3A_1605 : vector<16xi1>, vector<16xi32>
      %broadcast_in_dim3A_1630 = vector.shape_cast %select_n3A_1629 : vector<16xi32> to vector<16x1xi32>
      %gather3A_1631 = vector.shape_cast %broadcast_in_dim3A_1630 : vector<16x1xi32> to vector<16xi32>
      %gather3A_1632 = tpu.dynamic_gather %select_n3A_1538[%gather3A_1631] in [0] : vector<16xf32>, vector<16xi32> -> vector<16xf32>
      %add3A_1633 = arith.addf %select_n3A_1538, %gather3A_1632 : vector<16xf32>
      %select_n3A_1634 = arith.select %eq3A_1611, %add3A_1622, %add3A_1633 : vector<16xi1>, vector<16xf32>
      %xor3A_1635 = arith.constant 4 : i32
      %xor3A_1636 = vector.broadcast %xor3A_1635 : i32 to vector<16xi32>
      %xor3A_1637 = arith.xori %iota3A, %xor3A_1636 : vector<16xi32>
      %and3A_1638 = arith.constant 4 : i32
      %and3A_1639 = vector.broadcast %and3A_1638 : i32 to vector<16xi32>
      %and3A_1640 = arith.andi %iota3A, %and3A_1639 : vector<16xi32>
      %eq3A_1641 = arith.constant 0 : i32
      %eq3A_1642 = vector.broadcast %eq3A_1641 : i32 to vector<16xi32>
      %eq3A_1643 = arith.cmpi eq, %and3A_1640, %eq3A_1642 : vector<16xi32>
      %lt3A_1644 = arith.constant 0 : i32
      %lt3A_1645 = vector.broadcast %lt3A_1644 : i32 to vector<16xi32>
      %lt3A_1646 = arith.cmpi slt, %xor3A_1637, %lt3A_1645 : vector<16xi32>
      %add3A_1647 = arith.constant 16 : i32
      %add3A_1648 = vector.broadcast %add3A_1647 : i32 to vector<16xi32>
      %add3A_1649 = arith.addi %xor3A_1637, %add3A_1648 : vector<16xi32>
      %select_n3A_1650 = arith.select %lt3A_1646, %add3A_1649, %xor3A_1637 : vector<16xi1>, vector<16xi32>
      %broadcast_in_dim3A_1651 = vector.shape_cast %select_n3A_1650 : vector<16xi32> to vector<16x1xi32>
      %gather3A_1652 = vector.shape_cast %broadcast_in_dim3A_1651 : vector<16x1xi32> to vector<16xi32>
      %gather3A_1653 = tpu.dynamic_gather %select_n3A_1570[%gather3A_1652] in [0] : vector<16xf32>, vector<16xi32> -> vector<16xf32>
      %add3A_1654 = arith.addf %select_n3A_1570, %gather3A_1653 : vector<16xf32>
      %lt3A_1655 = arith.constant 0 : i32
      %lt3A_1656 = vector.broadcast %lt3A_1655 : i32 to vector<16xi32>
      %lt3A_1657 = arith.cmpi slt, %xor3A_1637, %lt3A_1656 : vector<16xi32>
      %add3A_1658 = arith.constant 16 : i32
      %add3A_1659 = vector.broadcast %add3A_1658 : i32 to vector<16xi32>
      %add3A_1660 = arith.addi %xor3A_1637, %add3A_1659 : vector<16xi32>
      %select_n3A_1661 = arith.select %lt3A_1657, %add3A_1660, %xor3A_1637 : vector<16xi1>, vector<16xi32>
      %broadcast_in_dim3A_1662 = vector.shape_cast %select_n3A_1661 : vector<16xi32> to vector<16x1xi32>
      %gather3A_1663 = vector.shape_cast %broadcast_in_dim3A_1662 : vector<16x1xi32> to vector<16xi32>
      %gather3A_1664 = tpu.dynamic_gather %select_n3A_1602[%gather3A_1663] in [0] : vector<16xf32>, vector<16xi32> -> vector<16xf32>
      %add3A_1665 = arith.addf %select_n3A_1602, %gather3A_1664 : vector<16xf32>
      %select_n3A_1666 = arith.select %eq3A_1643, %add3A_1654, %add3A_1665 : vector<16xi1>, vector<16xf32>
      %xor3A_1667 = arith.constant 8 : i32
      %xor3A_1668 = vector.broadcast %xor3A_1667 : i32 to vector<16xi32>
      %xor3A_1669 = arith.xori %iota3A, %xor3A_1668 : vector<16xi32>
      %and3A_1670 = arith.constant 8 : i32
      %and3A_1671 = vector.broadcast %and3A_1670 : i32 to vector<16xi32>
      %and3A_1672 = arith.andi %iota3A, %and3A_1671 : vector<16xi32>
      %eq3A_1673 = arith.constant 0 : i32
      %eq3A_1674 = vector.broadcast %eq3A_1673 : i32 to vector<16xi32>
      %eq3A_1675 = arith.cmpi eq, %and3A_1672, %eq3A_1674 : vector<16xi32>
      %lt3A_1676 = arith.constant 0 : i32
      %lt3A_1677 = vector.broadcast %lt3A_1676 : i32 to vector<16xi32>
      %lt3A_1678 = arith.cmpi slt, %xor3A_1669, %lt3A_1677 : vector<16xi32>
      %add3A_1679 = arith.constant 16 : i32
      %add3A_1680 = vector.broadcast %add3A_1679 : i32 to vector<16xi32>
      %add3A_1681 = arith.addi %xor3A_1669, %add3A_1680 : vector<16xi32>
      %select_n3A_1682 = arith.select %lt3A_1678, %add3A_1681, %xor3A_1669 : vector<16xi1>, vector<16xi32>
      %broadcast_in_dim3A_1683 = vector.shape_cast %select_n3A_1682 : vector<16xi32> to vector<16x1xi32>
      %gather3A_1684 = vector.shape_cast %broadcast_in_dim3A_1683 : vector<16x1xi32> to vector<16xi32>
      %gather3A_1685 = tpu.dynamic_gather %select_n3A_1634[%gather3A_1684] in [0] : vector<16xf32>, vector<16xi32> -> vector<16xf32>
      %add3A_1686 = arith.addf %select_n3A_1634, %gather3A_1685 : vector<16xf32>
      %lt3A_1687 = arith.constant 0 : i32
      %lt3A_1688 = vector.broadcast %lt3A_1687 : i32 to vector<16xi32>
      %lt3A_1689 = arith.cmpi slt, %xor3A_1669, %lt3A_1688 : vector<16xi32>
      %add3A_1690 = arith.constant 16 : i32
      %add3A_1691 = vector.broadcast %add3A_1690 : i32 to vector<16xi32>
      %add3A_1692 = arith.addi %xor3A_1669, %add3A_1691 : vector<16xi32>
      %select_n3A_1693 = arith.select %lt3A_1689, %add3A_1692, %xor3A_1669 : vector<16xi1>, vector<16xi32>
      %broadcast_in_dim3A_1694 = vector.shape_cast %select_n3A_1693 : vector<16xi32> to vector<16x1xi32>
      %gather3A_1695 = vector.shape_cast %broadcast_in_dim3A_1694 : vector<16x1xi32> to vector<16xi32>
      %gather3A_1696 = tpu.dynamic_gather %select_n3A_1666[%gather3A_1695] in [0] : vector<16xf32>, vector<16xi32> -> vector<16xf32>
      %add3A_1697 = arith.addf %select_n3A_1666, %gather3A_1696 : vector<16xf32>
      %select_n3A_1698 = arith.select %eq3A_1675, %add3A_1686, %add3A_1697 : vector<16xi1>, vector<16xf32>
      %gather3A_1699 = tpu.vector_load_idx %arg14[%get3A_690] : memref<1000xf32, #tpu.memory_space<vmem>>[vector<16xi32>], vector<16xf32>,
      %gather3A_1700 = tpu.vector_load_idx %arg15[%get3A_695] : memref<1000xf32, #tpu.memory_space<vmem>>[vector<16xi32>], vector<16xf32>,
      %gather3A_1701 = tpu.vector_load_idx %arg16[%get3A_695] : memref<1000xf32, #tpu.memory_space<vmem>>[vector<16xi32>], vector<16xf32>,
      %mul3A_1702 = arith.mulf %gather3A_1699, %gather3A_1701 : vector<16xf32>
      %add3A_1703 = arith.addf %select_n3A_1698, %mul3A_1702 : vector<16xf32>
      %add3A_1704 = arith.addf %add3A_1703, %gather3A_1700 : vector<16xf32>
      %swap3A = arith.index_cast %mul3A_686 : i32 to index
      %swap3A_1705 = tpu.vector_load %arg17[%swap3A] {strides = array<i32>} : memref<512xf32, #tpu.memory_space<vmem>>, vector<16xf32>,
      tpu.vector_store %arg17[%swap3A], %add3A_1704 {strides = array<i32>} : memref<512xf32, #tpu.memory_space<vmem>>, vector<16xf32>,
      %scan3A_1706 = arith.constant 0 : i32
      scf.yield %scan3A_1706 : i32
    }
    %scan3A_614 = arith.constant 32 : i32
    "tpu.region"() ({
      %run_scoped3A = tpu.sem_alloc : memref<!tpu.dma_semaphore, #tpu.memory_space<semaphore_mem>>
      %dma_start3A_615 = tpu.memref_slice %arg9[%mul3A_2] : memref<16384xf32, #tpu.memory_space<hbm>> -> memref<512xf32, #tpu.memory_space<hbm>>
      %dma_start3A_616 = tpu.memref_slice %arg9[%mul3A_2] : memref<16384xf32, #tpu.memory_space<hbm>> -> memref<512xf32, #tpu.memory_space<hbm>>
      tpu.enqueue_dma source(%arg17 : memref<512xf32, #tpu.memory_space<vmem>>) target(%dma_start3A_616 : memref<512xf32, #tpu.memory_space<hbm>>) target_semaphore(%run_scoped3A : memref<!tpu.dma_semaphore, #tpu.memory_space<semaphore_mem>>)
      %dma_wait3A_617 = tpu.memref_slice %arg9[%mul3A_2] : memref<16384xf32, #tpu.memory_space<hbm>> -> memref<512xf32, #tpu.memory_space<hbm>>
      %dma_wait3A_618 = tpu.memref_slice %arg9[%mul3A_2] : memref<16384xf32, #tpu.memory_space<hbm>> -> memref<512xf32, #tpu.memory_space<hbm>>
      tpu.wait_dma2 semaphore(%run_scoped3A : memref<!tpu.dma_semaphore, #tpu.memory_space<semaphore_mem>>) src(%arg17 : memref<512xf32, #tpu.memory_space<vmem>>) dst(%dma_wait3A_618 : memref<512xf32, #tpu.memory_space<hbm>>)
      tpu.yield
    }) : () -> ()
    return
  }
}

</mosaic_0001>

<sc_bundles>
// kernel: kernel.3.cloned.1.call-start
scs
__scs_entry_jumppad:
0x0: {  	(pc) =	sbr.rel $0x88, $3  }
0x1: {  	(tag) =	ssettag $0x0;
	lr =	simm.s32 $0x1  }
0x2: {  	[smem:$0x3F99] =	sst lr;
	_ =	strace $0xD0000000  }
0x3: {  	_ = 	snop  }
0x4: {  	_ = 	snop  }
0x5: {  	_ = 	snop  }
0x6: {  	_ = 	snop  }
0x7: {  	_ = 	snop  }
__scs_overlays_trampoline_lowered:
0x8: {  	[smem:$0x3FA8] =	sst s0  }
0x9: {  	[smem:$0x3FA9] =	sst s1  }
0xa: {  	[smem:$0x3FAA] =	sst s2  }
0xb: {  	[smem:$0x3FAB] =	sst s3  }
0xc: {  	[smem:$0x3FAC] =	sst s4  }
0xd: {  	[smem:$0x3FAD] =	sst s5  }
0xe: {  	[smem:$0x3FAE] =	sst s6  }
0xf: {  	[smem:$0x3FAF] =	sst s7  }
0x10: {  	[smem:$0x3FB0] =	sst s8  }
0x11: {  	[smem:$0x3FB1] =	sst s9;
	s0 =	simm.s32 @!p0 $0x0  }
0x12: {  	s1 =	sld [smem:$0x3F97];
	s0 =	simm.s32 @p0 $0x1  }
0x13: {  	[smem:$0x3FB2] =	sst s0;
	s0 =	simm.s32 @!p1 $0x0  }
0x14: {  	s2 =	sld [smem:$0x3F96];
	s0 =	simm.s32 @p1 $0x1  }
0x15: {  	[smem:$0x3FB3] =	sst s0;
	s0 =	simm.s32 @!p2 $0x0  }
0x16: {  	s3 =	sld [smem:$0x3FDB];
	s0 =	simm.s32 @p2 $0x1  }
0x17: {  	s4 =	simm.s32 $0x1BF5;
	[smem:$0x3FB5] =	sst s0  }
0x18: {  	s0 =	sld [smem:$0x3F98];
	_ =	swait.ge [sflag:s4], $0x0  }
0x19: {  	s7 =	sld [smem:$0x3F99]  }
0x1a: {  	s8 =	sadd.s32 $0xFFFFE003, lr  }
0x1b: {  	s9 =	sadd.s32 $0xFFFFFEF7, lr;
	s5 =	simm.s32 $0xFFFFFFFF;
	p2 =	slt.u32 s8, $0xFFFFF086  }
0x1c: {  	p1 =	slt.u32 s9, $0xF7A;
	s5 =	simm.s32 @!p2 $0x0  }
0x1d: {  	s5 =	simm.s32 @p1 $0x1;
	p0 =	seq.s32 s7, s2  }
0x1e: {  	s7 =	smul.u32 @!p0 $0xF7A, s2;
	p2 =	seq.s32 @!p0 s5, $0x0  }
0x1f: {  	s9 =	smul.u32 $0xF7A, s1;
	s8 =	simm.s32 @!p0 $0x1BF5;
	p2 =	por !p2, p0  }
0x20: {  	[sflag:s8] =	ssyncset.s32 @!p0 $0xFFFFF086;
	s6 =	sadd.s32 @!p0 s3, s7;
	s7 =	simm.s32 @!p0 $0x108  }
0x21: {  	s3 =	sadd.s32 s3, s9;
	s6 =	sadd.s32 @!p0 $0x88, s6;
	s7 =	simm.s32 @p2 $0x1082  }
0x22: {  	[simem:s7], [sflag:s8] =	dma.local @!p0 [hbm:s6], $0xF7A  }
0x23: {  	s9 =	sor.u32 $0xD0000000, s2;
	s6 =	simm.s32 $0x108;
	_ =	swait.ge @!p0 [sflag:s8], $0x0  }
0x24: {  	s3 =	sadd.s32 $0x88, s3;
	s6 =	simm.s32 @!p1 $0x1082;
	[sflag:s4] =	ssyncset.s32 $0xFFFFF086  }
0x25: {  	[simem:s6], [sflag:s4] =	dma.local [hbm:s3], $0xF7A  }
0x26: {  	[smem:$0x3F99] =	sst s1;
	(tag) =	ssettag s2;
	_ =	strace s9  }
0x27: {  	s1 =	sld [smem:$0x3FA9]  }
0x28: {  	s2 =	sld [smem:$0x3FAA]  }
0x29: {  	s4 =	sld [smem:$0x3FAC]  }
0x2a: {  	p0 =	seq.s32 s5, $0x0;
	s5 =	sld [smem:$0x3FAD]  }
0x2b: {  	s6 =	sld [smem:$0x3FAE]  }
0x2c: {  	s7 =	sld [smem:$0x3FAF]  }
0x2d: {  	s3 =	simm.s32 $0x108;
	s8 =	sld [smem:$0x3FB0]  }
0x2e: {  	s3 =	simm.s32 @!p0 $0x1082;
	s9 =	sld [smem:$0x3FB1]  }
0x2f: {  	lr =	sadd.s32 s0, s3;
	s0 =	sld [smem:$0x3FA8]  }
0x30: {  	s3 =	sld [smem:$0x3FAB]  }
0x31: {  	[smem:$0x3FB4] =	sst s10  }
0x32: {  	s10 =	sld [smem:$0x3FB2];
	_ =	sdelay $0x3  }
0x33: {  	p0 =	seq.s32 s10, $0x1;
	s10 =	sld [smem:$0x3FB4];
	_ =	sdelay $0x3  }
0x34: {  	[smem:$0x3FB4] =	sst s10  }
0x35: {  	s10 =	sld [smem:$0x3FB3];
	_ =	sdelay $0x3  }
0x36: {  	p1 =	seq.s32 s10, $0x1;
	s10 =	sld [smem:$0x3FB4];
	_ =	sdelay $0x3  }
0x37: {  	[smem:$0x3FB4] =	sst s10  }
0x38: {  	s10 =	sld [smem:$0x3FB5]  }
0x39: {  	_ = 	snop;
	(pc) =	sbr.ind lr, $3  }
0x3a: {  	_ = 	snop  }
0x3b: {  	_ = 	snop  }
0x3c: {  	p2 =	seq.s32 s10, $0x1;
	s10 =	sld [smem:$0x3FB4]  }
0x3d: {  	_ =	shalt  }
0x3e: {  	_ =	shalt  }
0x3f: {  	_ =	shalt  }
0x40: {  	_ =	shalt  }
0x41: {  	_ =	shalt  }
0x42: {  	_ =	shalt  }
0x43: {  	_ =	shalt  }
0x44: {  	_ =	shalt  }
0x45: {  	_ =	shalt  }
0x46: {  	_ =	shalt  }
0x47: {  	_ =	shalt  }
0x48: {  	_ =	shalt  }
0x49: {  	_ =	shalt  }
0x4a: {  	_ =	shalt  }
0x4b: {  	_ =	shalt  }
0x4c: {  	_ =	shalt  }
0x4d: {  	_ =	shalt  }
0x4e: {  	_ =	shalt  }
0x4f: {  	_ =	shalt  }
0x50: {  	_ =	shalt  }
0x51: {  	_ =	shalt  }
0x52: {  	_ =	shalt  }
0x53: {  	_ =	shalt  }
0x54: {  	_ =	shalt  }
0x55: {  	_ =	shalt  }
0x56: {  	_ =	shalt  }
0x57: {  	_ =	shalt  }
0x58: {  	_ =	shalt  }
0x59: {  	_ =	shalt  }
0x5a: {  	_ =	shalt  }
0x5b: {  	_ =	shalt  }
0x5c: {  	_ =	shalt  }
0x5d: {  	_ =	shalt  }
0x5e: {  	_ =	shalt  }
0x5f: {  	_ =	shalt  }
0x60: {  	_ =	shalt  }
0x61: {  	_ =	shalt  }
0x62: {  	_ =	shalt  }
0x63: {  	_ =	shalt  }
0x64: {  	_ =	shalt  }
0x65: {  	_ =	shalt  }
0x66: {  	_ =	shalt  }
0x67: {  	_ =	shalt  }
0x68: {  	_ =	shalt  }
0x69: {  	_ =	shalt  }
0x6a: {  	_ =	shalt  }
0x6b: {  	_ =	shalt  }
0x6c: {  	_ =	shalt  }
0x6d: {  	_ =	shalt  }
0x6e: {  	_ =	shalt  }
0x6f: {  	_ =	shalt  }
0x70: {  	_ =	shalt  }
0x71: {  	_ =	shalt  }
0x72: {  	_ =	shalt  }
0x73: {  	_ =	shalt  }
0x74: {  	_ =	shalt  }
0x75: {  	_ =	shalt  }
0x76: {  	_ =	shalt  }
0x77: {  	_ =	shalt  }
0x78: {  	_ =	shalt  }
0x79: {  	_ =	shalt  }
0x7a: {  	_ =	shalt  }
0x7b: {  	_ =	shalt  }
0x7c: {  	_ =	shalt  }
0x7d: {  	_ =	shalt  }
0x7e: {  	_ =	shalt  }
0x7f: {  	_ =	shalt  }
0x80: {  	_ =	shalt  }
0x81: {  	_ =	shalt  }
0x82: {  	_ =	shalt  }
0x83: {  	_ =	shalt  }
0x84: {  	_ =	shalt  }
0x85: {  	_ =	shalt  }
0x86: {  	_ =	shalt  }
0x87: {  	_ =	shalt  }
.Lfunc_end0:
.L_simem_size_0:
called_computation_lowered:
.L_overlay_start_0:
0x88: {  	s2 =	sld [smem:$0x3FD9]  }
0x89: {  	s3 =	sld [smem:$0x3FFE];
	_ =	sdelay $0x1  }
0x8a: {  	s1 =	srdreg.scid  }
0x8b: {  	s0 =	sand.u32 $0x1, s1  }
0x8c: {  	s17 =	sshll.u32 s0, $0xA;
	s2 =	sadd.s32 s3, s2  }
0x8d: {  	s2 =	sadd.s32 s2, s17  }
0x8e: {  	[smem:$0x3FC0] =	sst s2  }
0x8f: {  	_ = 	snop  }
0x90: {  	s2 =	sld [smem:$0x3FC9]  }
0x91: {  	s18 =	sld [smem:$0x3FC8]  }
0x92: {  	s4 =	sld [smem:$0x3FC5]  }
0x93: {  	s5 =	sld [smem:$0x3FC3]  }
0x94: {  	s6 =	sld [smem:$0x3FD0];
	(tm) =	ssettm $0x1  }
0x95: {  	s7 =	sld [smem:$0x3FFB];
	_ =	sdelay $0x3  }
0x96: {  	_ =	strace s7  }
0x97: {  	s7 =	sld [smem:$0x3FFC];
	_ =	sdelay $0x3  }
0x98: {  	_ =	strace s7  }
0x99: {  	s7 =	sld [smem:$0x3FFD];
	_ =	sdelay $0x3  }
0x9a: {  	_ =	strace s7  }
0x9b: {  	_ =	strace $0x8FFFFFFF  }
0x9c: {  	s19 =	sld [smem:$0x3FDB];
	_ =	sdelay $0x1  }
0x9d: {  	s8 =	simm.s32 $_scs_section_size  }
0x9e: {  	s9 =	simm.s32 $_size__tile_overlayer_lowered;
	s10 =	simm.s32 $_tile_overlayer_lowered  }
0x9f: {  	s22 =	simm.s32 $0x1BFF;
	s21 =	sshll.u32 s10, $0x1;
	s7 =	sadd.s32 s8, s19  }
0xa0: {  	s11 =	simm.s32 $0x0;
	s20 =	sshll.u32 s9, $0x1;
	s9 =	sadd.s32 s21, s7  }
0xa1: {  	[timem:s11], [sflag:s22] =	dma.local [hbm:s9], s20  }
0xa2: {  	_ =	swait.ge [sflag:s22], s20  }
0xa3: {  	s8 =	ssub.s32 $0x0, s20;
	[sflag:s22] =	ssyncset.done $0x0  }
0xa4: {  	[sflag:s22] =	ssyncadd.s32 s8;
	_ =	sdelay $0x1  }
0xa5: {  	s23 =	simm.s32 $0x1B8B  }
0xa6: {  	_ =	swait.ge [sflag:s23], $0x1  }
0xa7: {  	[sflag:s23] =	ssyncset.done $0x0  }
0xa8: {  	s25 =	simm.s32 $0x1B8E;
	s24 =	sld [smem:$0x3FFE];
	[sflag:s23] =	ssyncadd.s32 $0xFFFFFFFF  }
0xa9: {  	s26 =	simm.s32 $execute0_lowered;
	[smem:$0x3FD2] =	sst s25  }
0xaa: {  	s9 =	sshll.u32 s26, $0x1;
	_ =	strace $0x80000046;
	[dreg:$0x1] =	wrdreg $0xFFFFFFFF  }
0xab: {  	s28 =	simm.s32 $_size_execute0_lowered;
	s7 =	sadd.s32 s7, s9;
	[dreg:$0x0] =	wrdreg $0x0  }
0xac: {  	s9 =	sshll.u32 s28, $0x1;
	[dreg:$0x2] =	wrdreg s7  }
0xad: {  	[dreg:$0x3] =	wrdreg s9  }
0xae: {  	[dreg:$0x4] =	wrdreg $0xC0  }
0xaf: {  	_ =	task [dreg:s11], $0x5FFFF  }
0xb0: {  	[dreg:$0x1] =	wrdreg $0xFFFFFFFF  }
0xb1: {  	[dreg:$0x0] =	wrdreg $0x60  }
0xb2: {  	[dreg:$0x2] =	wrdreg s2  }
0xb3: {  	[dreg:$0x3] =	wrdreg s18  }
0xb4: {  	[dreg:$0x4] =	wrdreg s24  }
0xb5: {  	[dreg:$0x5] =	wrdreg s4  }
0xb6: {  	[dreg:$0x6] =	wrdreg s5  }
0xb7: {  	[dreg:$0x7] =	wrdreg s6  }
0xb8: {  	[dreg:$0x8] =	wrdreg $0x9  }
0xb9: {  	_ =	task.clear_ibuf [dreg:s11], $0x9FFFF;
	_ =	strace $0x90000046  }
0xba: {  	s29 =	simm.s32 $0x9;
	_ =	strace $0x80000048  }
0xbb: {  	_ =	swait.ge [sflag:s29], $0x1  }
0xbc: {  	[sflag:s29] =	ssyncadd.s32 $0xFFFFFFFF  }
0xbd: {  	_ =	strace $0x90000048  }
0xbe: {  	_ =	sfence  }
0xbf: {  	s30 =	sld [smem:$0x0];
	_ =	sdelay $0x2  }
0xc0: {  	s31 =	sshll.u32 s1, $0xD;
	s1 =	sshrl.u32 s1, $0x2  }
0xc1: {  	s3 =	sand.u32 $0x4000, s31;
	s1 =	sadd.s32 s1, s30  }
0xc2: {  	s0 =	sor.u32 s3, s0;
	s1 =	sshll.u32 s1, $0x11  }
0xc3: {  	s0 =	sor.u32 s1, s0  }
0xc4: {  	s0 =	sadd.s32 $0x8F2B, s0  }
0xc5: {  	[sflag:s0] =	ssyncadd.remote.s32 $0x1  }
0xc6: {  	_ =	sfence.sel $0xFFFF  }
0xc7: {  	[dreg:$0x0] =	wrdreg $0xFFFFFFFF;
	(pc) =	sbr.abs _section_cstart, $3  }
0xc8: {  	[dreg:$0x1] =	wrdreg $0xFFFFFFFF  }
0xc9: {  	_ =	task.clear_ibuf [dreg:s11], $0x2FFFF;
	_ =	strace $0x9FFFFFFF  }
0xca: {  	(tm) =	ssettm $0x7FFFFFFF  }
0xcb: {  	_ =	shalt  }
tec
execute0_lowered:
.L_overlay_start_1:
0x0: {  	(tag) =	ssettag $0x1  }
0x1: {  	s0 =	rddreg [dreg:$0x0]  }
0x2: {  	s2 =	rddreg [dreg:$0x1]  }
0x3: {  	s1 =	rddreg [dreg:$0x2]  }
0x4: {  	s3 =	rddreg [dreg:$0x5]  }
0x5: {  	s5 =	simm.s32 $0x0;
	s4 =	srdreg.scid;
	s6 =	stileid.u32  }
0x6: {  	s29 =	simm.s32 $0x80;
	s30 =	simm.s32 $0x280;
	s31 =	simm.s32 $0xC0  }
0x7: {  	s10 =	simm.s32 $0x1C0;
	[smem:$0x7FF] =	sst s5;
	s4 =	sand.u32 $0x1, s4  }
0x8: {  	s6 =	sshll.u32 s6, $0x7;
	s28 =	sadd.s32 $0x2000, s1;
	s7 =	ssub.s32 $0x2, s4  }
0x9: {  	s4 =	sshll.u32 s4, $0x6;
	_ =	strace $0x80000047;
	[dreg:$0x18] =	wrdreg s28  }
0xa: {  	s8 =	sshrl.u32 s7, $0x1;
	s4 =	sor.u32 s4, s6;
	s6 =	sadd.s32 $0x1000, s1  }
0xb: {  	vm0 =	vcmask $0xB08;
	s7 =	ssub.s32 s7, s8;
	s11 =	sor.u32 $0x8, s4;
	s9 =	sadd.s32 s0, s4  }
0xc: {  	v0 =	vimm.s32 $0xEFCDAB89;
	v1 =	vimm.s32 $0x67452301;
	v2 =	vimm.s32 $0xDCFE98BA;
	s13 =	sor.u32 $0x10, s4;
	s15 =	sor.u32 $0x18, s4;
	s17 =	sor.u32 $0x20, s4  }
0xd: {  	vm1 =	vcmask $0x300;
	v3 =	vimm.s32 $0x54761032;
	vm2 =	vcmask $0x700;
	s19 =	sor.u32 $0x28, s4;
	s25 =	sadd.s32 s2, s4;
	[dreg:$0x7] =	wrdreg s9  }
0xe: {  	v4 =	vimm.s32 $0xFEDCBA98;
	v5 =	vimm.s32 $0x76543210;
	vm0 =	vmor vm1, vm0;
	s21 =	sor.u32 $0x30, s4;
	s26 =	sadd.s32 s3, s4;
	[dreg:$0x16] =	wrdreg s25  }
0xf: {  	vm1 =	vcmask $0x1310;
	v0 =	vunpack.c.l.s4.s8 v0;
	v1 =	vunpack.c.l.s4.s8 v1;
	s23 =	sor.u32 $0x38, s4;
	s12 =	sadd.s32 s0, s11;
	[dreg:$0x17] =	wrdreg s26  }
0x10: {  	v2 =	vunpack.c.l.s4.s8 v2;
	v3 =	vunpack.c.l.s4.s8 v3;
	v4 =	vunpack.c.l.s4.s8 v4;
	s4 =	simm.s32 $0x100;
	s8 =	sadd.s32 s2, s11;
	[dreg:$0x8] =	wrdreg s12  }
0x11: {  	v5 =	vunpack.c.l.s4.s8 v5;
	vm0 =	vmor vm0, vm1;
	vm1 =	vcmask $0x1B18;
	s3 =	simm.s32 $0x140;
	s14 =	sadd.s32 s0, s13;
	[dreg:$0x9] =	wrdreg s8  }
0x12: {  	vm0 =	vmor vm0, vm1;
	vm1 =	vcmask $0x2320;
	v0 =	vunpack.c.0.s8.s32 v0;
	s9 =	sadd.s32 s2, s13;
	s16 =	sadd.s32 s0, s15;
	[dreg:$0xa] =	wrdreg s14  }
0x13: {  	v1 =	vunpack.c.0.s8.s32 v1;
	v2 =	vunpack.c.0.s8.s32 v2;
	v3 =	vunpack.c.0.s8.s32 v3;
	s18 =	sadd.s32 s0, s17;
	s20 =	sadd.s32 s0, s19;
	[dreg:$0xb] =	wrdreg s9  }
0x14: {  	v4 =	vunpack.c.0.s8.s32 v4;
	vm0 =	vmor vm0, vm1;
	vm1 =	vcmask $0x2B28;
	s22 =	sadd.s32 s0, s21;
	s0 =	sadd.s32 s0, s23;
	[dreg:$0xc] =	wrdreg s16  }
0x15: {  	s24 =	sadd.s32 s2, s23;
	vm0 =	vmor vm0, vm1;
	vm1 =	vcmask $0x3330;
	s25 =	smax.u32 s7, $0x1;
	v0 =	vcombine.low v1, v0;
	[dreg:$0xe] =	wrdreg s18  }
0x16: {  	s26 =	simm.s32 $0x40;
	v1 =	vcombine.low v3, v2;
	s7 =	simm.s32 $0x340;
	v2 =	vimm.s32 $0xBA98FEDC;
	v3 =	vimm.s32 $0x32107654;
	[dreg:$0x10] =	wrdreg s20  }
0x17: {  	s11 =	simm.s32 $0x3C0;
	s13 =	simm.s32 $0x87E8;
	[dreg:$0x12] =	wrdreg s22;
	vm0 =	vmor vm0, vm1;
	vm1 =	vcmask $0x3B38;
	v2 =	vunpack.c.l.s4.s8 v2  }
0x18: {  	s8 =	sadd.s32 s2, s15;
	s9 =	sadd.s32 s2, s17;
	[dreg:$0x14] =	wrdreg s0;
	v3 =	vunpack.c.l.s4.s8 v3;
	vm0 =	vmor vm0, vm1;
	vm1 =	vcmask $0x1710  }
0x19: {  	[dreg:$0x15] =	wrdreg s24;
	s0 =	simm.s32 $0x2C0;
	s12 =	simm.s32 $0x8400;
	vm1 =	vmor vm2, vm1;
	vm2 =	vcmask $0x2720;
	v2 =	vunpack.c.0.s8.s32 v2  }
.Ltmp0:
0x1a: {  	s14 =	simm.s32 $0x8BD0;
	s15 =	simm.s32 $0x1;
	v3 =	vunpack.c.0.s8.s32 v3;
	vm1 =	vmor vm1, vm2;
	vm2 =	vcmask $0x3730;
	(pc) =	sbr.rel .LBB2_1-.Ltmp0, $4  }
0x1b: {  	vm3 =	vcmask $0xF00;
	v4 =	vand.u32 $0xF, v4;
	s16 =	simm.s32 $0x2;
	s17 =	simm.s32 $0xB;
	[dreg:$0xd] =	wrdreg s8;
	vm1 =	vmor vm1, vm2  }
0x1c: {  	s18 =	simm.s32 $0x0;
	[dreg:$0xf] =	wrdreg s9;
	s8 =	sadd.s32 s2, s19;
	vm2 =	vcmask $0x2F20;
	v2 =	vcombine.low v3, v2;
	v3 =	vunpack.c.0.s8.s32 v5  }
0x1d: {  	s9 =	sadd.s32 s2, s21;
	s2 =	simm.s32 $0x300;
	v0 =	vand.u32 $0xF, v0;
	v1 =	vand.u32 $0xF, v1;
	[dreg:$0x11] =	wrdreg s8;
	vm2 =	vmor vm3, vm2  }
0x1e: {  	[dreg:$0x13] =	wrdreg s9;
	s8 =	simm.s32 $0x180;
	s9 =	simm.s32 $0x380;
	vm3 =	vmmov $0xff;
	v2 =	vand.u32 $0xF, v2;
	v3 =	vcombine.low v4, v3  }
.LBB2_22:
0x1f: {  	s18 =	sadd.s32 $0x1, s18  }
0x20: {  	p0 =	sne.s32 s18, s25  }
.Ltmp1:
0x21: {  	s19 =	rddreg [dreg:$0x17];
	s20 =	simm.s32 $0x8FB8;
	(pc) =	sbr.rel @!p0 .LBB2_23-.Ltmp1, $4  }
0x22: {  	[hbm4b:s19+s5] =	stream.linear.scatter [tilespmem:s20], [sflag:$0xB], $0x200, $0x38;
	[tilespmem:$0x91B8] =	vst v63  }
0x23: {  	_ =	swait.ge [sflag:s17], $0x200  }
0x24: {  	[sflag:s17] =	ssyncset.done $0x0  }
0x25: {  	[sflag:s17] =	ssyncadd.s32 $0xFFFFFE00  }
.LBB2_1:
0x26: {  	s19 =	rddreg [dreg:$0x7]  }
0x27: {  	[tilespmem:s5], [sflag:$0x1] =	stream.linear.gather [hbm4b:s19+s5], $0x40, $0x38;
	[tilespmem:$0x91B8] =	vst v63  }
0x28: {  	s20 =	rddreg [dreg:$0x16];
	s19 =	simm.s32 $0x200  }
0x29: {  	[tilespmem:s19], [sflag:$0x1] =	stream.linear.gather [hbm4b:s20+s5], $0x40, $0x38;
	[tilespmem:$0x91B8] =	vst v63  }
0x2a: {  	s22 =	rddreg [dreg:$0x8]  }
0x2b: {  	[tilespmem:s26], [sflag:$0x1] =	stream.linear.gather [hbm4b:s22+s5], $0x40, $0x38;
	[tilespmem:$0x91B8] =	vst v63  }
0x2c: {  	s23 =	rddreg [dreg:$0x9];
	s21 =	simm.s32 $0x240  }
0x2d: {  	[tilespmem:s21], [sflag:$0x1] =	stream.linear.gather [hbm4b:s23+s5], $0x40, $0x38;
	[tilespmem:$0x91B8] =	vst v63  }
0x2e: {  	s24 =	rddreg [dreg:$0xa]  }
0x2f: {  	[tilespmem:s29], [sflag:$0x1] =	stream.linear.gather [hbm4b:s24+s5], $0x40, $0x38;
	[tilespmem:$0x91B8] =	vst v63  }
0x30: {  	s22 =	rddreg [dreg:$0xb]  }
0x31: {  	[tilespmem:s30], [sflag:$0x1] =	stream.linear.gather [hbm4b:s22+s5], $0x40, $0x38;
	[tilespmem:$0x91B8] =	vst v63  }
0x32: {  	s23 =	rddreg [dreg:$0xc]  }
0x33: {  	[tilespmem:s31], [sflag:$0x1] =	stream.linear.gather [hbm4b:s23+s5], $0x40, $0x38;
	[tilespmem:$0x91B8] =	vst v63  }
0x34: {  	s24 =	rddreg [dreg:$0xd]  }
0x35: {  	[tilespmem:s0], [sflag:$0x1] =	stream.linear.gather [hbm4b:s24+s5], $0x40, $0x38;
	[tilespmem:$0x91B8] =	vst v63  }
0x36: {  	s22 =	rddreg [dreg:$0xe]  }
0x37: {  	[tilespmem:s4], [sflag:$0x1] =	stream.linear.gather [hbm4b:s22+s5], $0x40, $0x38;
	[tilespmem:$0x91B8] =	vst v63  }
0x38: {  	s23 =	rddreg [dreg:$0xf]  }
0x39: {  	[tilespmem:s2], [sflag:$0x1] =	stream.linear.gather [hbm4b:s23+s5], $0x40, $0x38;
	[tilespmem:$0x91B8] =	vst v63  }
0x3a: {  	s24 =	rddreg [dreg:$0x10]  }
0x3b: {  	[tilespmem:s3], [sflag:$0x1] =	stream.linear.gather [hbm4b:s24+s5], $0x40, $0x38;
	[tilespmem:$0x91B8] =	vst v63  }
0x3c: {  	s22 =	rddreg [dreg:$0x11]  }
0x3d: {  	[tilespmem:s7], [sflag:$0x1] =	stream.linear.gather [hbm4b:s22+s5], $0x40, $0x38;
	[tilespmem:$0x91B8] =	vst v63  }
0x3e: {  	s23 =	rddreg [dreg:$0x12]  }
0x3f: {  	[tilespmem:s8], [sflag:$0x1] =	stream.linear.gather [hbm4b:s23+s5], $0x40, $0x38;
	[tilespmem:$0x91B8] =	vst v63  }
0x40: {  	s24 =	rddreg [dreg:$0x13]  }
0x41: {  	[tilespmem:s9], [sflag:$0x1] =	stream.linear.gather [hbm4b:s24+s5], $0x40, $0x38;
	[tilespmem:$0x91B8] =	vst v63  }
0x42: {  	s22 =	rddreg [dreg:$0x14]  }
0x43: {  	[tilespmem:s10], [sflag:$0x1] =	stream.linear.gather [hbm4b:s22+s5], $0x40, $0x38;
	[tilespmem:$0x91B8] =	vst v63  }
0x44: {  	s23 =	rddreg [dreg:$0x15]  }
0x45: {  	[tilespmem:s11], [sflag:$0x1] =	stream.linear.gather [hbm4b:s23+s5], $0x40, $0x38;
	[tilespmem:$0x91B8] =	vst v63  }
0x46: {  	s24 =	rddreg [dreg:$0x3]  }
0x47: {  	[tilespmem:s12], [sflag:$0x2] =	stream.linear.gather [hbm4b:s24+s5], $0x3E8, $0x38;
	[tilespmem:$0x91B8] =	vst v63  }
0x48: {  	s22 =	rddreg [dreg:$0x18]  }
0x49: {  	[tilespmem:s13], [sflag:$0x2] =	stream.linear.gather [hbm4b:s22+s5], $0x3E8, $0x38;
	[tilespmem:$0x91B8] =	vst v63  }
0x4a: {  	s23 =	rddreg [dreg:$0x4]  }
0x4b: {  	[tilespmem:s14], [sflag:$0x2] =	stream.linear.gather [hbm4b:s23+s5], $0x3E8, $0x38;
	[tilespmem:$0x91B8] =	vst v63  }
0x4c: {  	_ =	swait.ge [sflag:s15], $0x40  }
0x4d: {  	[sflag:s15] =	ssyncset.done $0x0  }
0x4e: {  	[sflag:s15] =	ssyncadd.s32 $0xFFFFFFC0  }
0x4f: {  	_ =	swait.ge [sflag:s15], $0x40  }
0x50: {  	[sflag:s15] =	ssyncset.done $0x0  }
0x51: {  	s24 =	simm.s32 $0x400;
	[sflag:s15] =	ssyncadd.s32 $0xFFFFFFC0  }
0x52: {  	[tilespmem:s24], [sflag:$0x3] =	stream.indirect.gather [hbm4b:s6+s26], $0x20, s5, s26, $0xb8;
	[tilespmem:$0x91B8] =	vst v63  }
0x53: {  	s22 =	simm.s32 $0x4400  }
0x54: {  	[tilespmem:s22], [sflag:$0x3] =	stream.indirect.gather [hbm4b:s1+s26], $0x20, s19, s26, $0xb8;
	[tilespmem:$0x91B8] =	vst v63  }
0x55: {  	_ =	swait.ge [sflag:s15], $0x40  }
0x56: {  	[sflag:s15] =	ssyncset.done $0x0  }
0x57: {  	[sflag:s15] =	ssyncadd.s32 $0xFFFFFFC0  }
0x58: {  	_ =	swait.ge [sflag:s15], $0x40  }
0x59: {  	[sflag:s15] =	ssyncset.done $0x0  }
0x5a: {  	s23 =	simm.s32 $0xC00;
	[sflag:s15] =	ssyncadd.s32 $0xFFFFFFC0  }
0x5b: {  	[tilespmem:s23], [sflag:$0x4] =	stream.indirect.gather [hbm4b:s6+s26], $0x20, s26, s26, $0xb8;
	[tilespmem:$0x91B8] =	vst v63  }
0x5c: {  	s24 =	simm.s32 $0x4C00  }
0x5d: {  	[tilespmem:s24], [sflag:$0x4] =	stream.indirect.gather [hbm4b:s1+s26], $0x20, s21, s26, $0xb8;
	[tilespmem:$0x91B8] =	vst v63  }
0x5e: {  	_ =	swait.ge [sflag:s15], $0x40  }
0x5f: {  	[sflag:s15] =	ssyncset.done $0x0  }
0x60: {  	[sflag:s15] =	ssyncadd.s32 $0xFFFFFFC0  }
0x61: {  	_ =	swait.ge [sflag:s15], $0x40  }
0x62: {  	[sflag:s15] =	ssyncset.done $0x0  }
0x63: {  	s21 =	simm.s32 $0x1400;
	[sflag:s15] =	ssyncadd.s32 $0xFFFFFFC0  }
0x64: {  	[tilespmem:s21], [sflag:$0x5] =	stream.indirect.gather [hbm4b:s6+s26], $0x20, s29, s26, $0xb8;
	[tilespmem:$0x91B8] =	vst v63  }
0x65: {  	s22 =	simm.s32 $0x5400  }
0x66: {  	[tilespmem:s22], [sflag:$0x5] =	stream.indirect.gather [hbm4b:s1+s26], $0x20, s30, s26, $0xb8;
	[tilespmem:$0x91B8] =	vst v63  }
0x67: {  	_ =	swait.ge [sflag:s15], $0x40  }
0x68: {  	[sflag:s15] =	ssyncset.done $0x0  }
0x69: {  	[sflag:s15] =	ssyncadd.s32 $0xFFFFFFC0  }
0x6a: {  	_ =	swait.ge [sflag:s15], $0x40  }
0x6b: {  	[sflag:s15] =	ssyncset.done $0x0  }
0x6c: {  	s23 =	simm.s32 $0x1C00;
	[sflag:s15] =	ssyncadd.s32 $0xFFFFFFC0  }
0x6d: {  	[tilespmem:s23], [sflag:$0x6] =	stream.indirect.gather [hbm4b:s6+s26], $0x20, s31, s26, $0xb8;
	[tilespmem:$0x91B8] =	vst v63  }
0x6e: {  	s24 =	simm.s32 $0x5C00  }
0x6f: {  	[tilespmem:s24], [sflag:$0x6] =	stream.indirect.gather [hbm4b:s1+s26], $0x20, s0, s26, $0xb8;
	[tilespmem:$0x91B8] =	vst v63  }
0x70: {  	_ =	swait.ge [sflag:s15], $0x40  }
0x71: {  	[sflag:s15] =	ssyncset.done $0x0  }
0x72: {  	[sflag:s15] =	ssyncadd.s32 $0xFFFFFFC0  }
0x73: {  	_ =	swait.ge [sflag:s15], $0x40  }
0x74: {  	[sflag:s15] =	ssyncset.done $0x0  }
0x75: {  	s21 =	simm.s32 $0x2400;
	[sflag:s15] =	ssyncadd.s32 $0xFFFFFFC0  }
0x76: {  	[tilespmem:s21], [sflag:$0x7] =	stream.indirect.gather [hbm4b:s6+s26], $0x20, s4, s26, $0xb8;
	[tilespmem:$0x91B8] =	vst v63  }
0x77: {  	s22 =	simm.s32 $0x6400  }
0x78: {  	[tilespmem:s22], [sflag:$0x7] =	stream.indirect.gather [hbm4b:s1+s26], $0x20, s2, s26, $0xb8;
	[tilespmem:$0x91B8] =	vst v63  }
0x79: {  	_ =	swait.ge [sflag:s15], $0x40  }
0x7a: {  	[sflag:s15] =	ssyncset.done $0x0  }
0x7b: {  	[sflag:s15] =	ssyncadd.s32 $0xFFFFFFC0  }
0x7c: {  	_ =	swait.ge [sflag:s15], $0x40  }
0x7d: {  	[sflag:s15] =	ssyncset.done $0x0  }
0x7e: {  	s23 =	simm.s32 $0x2C00;
	[sflag:s15] =	ssyncadd.s32 $0xFFFFFFC0  }
0x7f: {  	[tilespmem:s23], [sflag:$0x8] =	stream.indirect.gather [hbm4b:s6+s26], $0x20, s3, s26, $0xb8;
	[tilespmem:$0x91B8] =	vst v63  }
0x80: {  	s24 =	simm.s32 $0x6C00  }
0x81: {  	[tilespmem:s24], [sflag:$0x8] =	stream.indirect.gather [hbm4b:s1+s26], $0x20, s7, s26, $0xb8;
	[tilespmem:$0x91B8] =	vst v63  }
0x82: {  	_ =	swait.ge [sflag:s15], $0x40  }
0x83: {  	[sflag:s15] =	ssyncset.done $0x0  }
0x84: {  	[sflag:s15] =	ssyncadd.s32 $0xFFFFFFC0  }
0x85: {  	_ =	swait.ge [sflag:s15], $0x40  }
0x86: {  	[sflag:s15] =	ssyncset.done $0x0  }
0x87: {  	s21 =	simm.s32 $0x3400;
	[sflag:s15] =	ssyncadd.s32 $0xFFFFFFC0  }
0x88: {  	[tilespmem:s21], [sflag:$0x9] =	stream.indirect.gather [hbm4b:s6+s26], $0x20, s8, s26, $0xb8;
	[tilespmem:$0x91B8] =	vst v63  }
0x89: {  	s22 =	simm.s32 $0x7400  }
0x8a: {  	[tilespmem:s22], [sflag:$0x9] =	stream.indirect.gather [hbm4b:s1+s26], $0x20, s9, s26, $0xb8;
	[tilespmem:$0x91B8] =	vst v63  }
0x8b: {  	_ =	swait.ge [sflag:s15], $0x40  }
0x8c: {  	[sflag:s15] =	ssyncset.done $0x0  }
0x8d: {  	[sflag:s15] =	ssyncadd.s32 $0xFFFFFFC0  }
0x8e: {  	_ =	swait.ge [sflag:s15], $0x40  }
0x8f: {  	[sflag:s15] =	ssyncset.done $0x0  }
0x90: {  	s23 =	simm.s32 $0x3C00;
	[sflag:s15] =	ssyncadd.s32 $0xFFFFFFC0  }
0x91: {  	[tilespmem:s23], [sflag:$0xA] =	stream.indirect.gather [hbm4b:s6+s26], $0x20, s10, s26, $0xb8;
	[tilespmem:$0x91B8] =	vst v63  }
0x92: {  	s24 =	simm.s32 $0x7C00  }
0x93: {  	[tilespmem:s24], [sflag:$0xA] =	stream.indirect.gather [hbm4b:s1+s26], $0x20, s11, s26, $0xb8;
	[tilespmem:$0x91B8] =	vst v63  }
0x94: {  	_ =	swait.ge [sflag:s16], $0x3E8  }
0x95: {  	[sflag:s16] =	ssyncset.done $0x0  }
0x96: {  	[sflag:s16] =	ssyncadd.s32 $0xFFFFFC18  }
0x97: {  	_ =	swait.ge [sflag:s16], $0x3E8  }
.Ltmp2:
0x98: {  	[sflag:s16] =	ssyncset.done $0x0;
	(pc) =	sbr.rel .LBB2_2-.Ltmp2, $4  }
0x99: {  	[sflag:s16] =	ssyncadd.s32 $0xFFFFFC18  }
0x9a: {  	s28 =	simm.s32 $0x8FB8;
	_ =	swait.ge [sflag:s16], $0x3E8  }
0x9b: {  	s20 =	simm.s32 $0x500;
	s21 =	simm.s32 $0x4500;
	[sflag:s16] =	ssyncset.done $0x0  }
0x9c: {  	s22 =	simm.s32 $0x0;
	s23 =	simm.s32 $0x0;
	[sflag:s16] =	ssyncadd.s32 $0xFFFFFC18  }
.LBB2_19:
0x9d: {  	s24 =	simm.s32 $0x9  }
.LBB2_20:
0x9e: {  	_ =	swait.ge [sflag:s24], $0x800  }
0x9f: {  	[sflag:s24] =	ssyncset.done $0x0  }
0xa0: {  	[sflag:s24] =	ssyncadd.s32 $0xFFFFF800  }
0xa1: {  	_ =	swait.ge [sflag:s24], $0x800  }
0xa2: {  	[sflag:s24] =	ssyncset.done $0x0  }
0xa3: {  	[sflag:s24] =	ssyncadd.s32 $0xFFFFF800  }
.LBB2_21:
0xa4: {  	v4 =	vld [tilespmem:s20+$0xFFFFFF00]  }
0xa5: {  	v5 =	vld [tilespmem:s21+$0xFFFFFF00]  }
0xa6: {  	v8 =	vld [tilespmem:s21+$0xFFFFFF10]  }
0xa7: {  	v10 =	vld [tilespmem:s20+$0xFFFFFF20]  }
0xa8: {  	v35 =	vld [tilespmem:s21+$0xFFFFFF20]  }
0xa9: {  	v36 =	vld [tilespmem:s20+$0xFFFFFF30]  }
0xaa: {  	v11 =	vld [tilespmem:s21+$0xFFFFFF30]  }
0xab: {  	v13 =	vld [tilespmem:s20+$0xFFFFFF40]  }
0xac: {  	v38 =	vld [tilespmem:s21+$0xFFFFFF40]  }
0xad: {  	v15 =	vld [tilespmem:s20+$0xFFFFFF50]  }
0xae: {  	v40 =	vld [tilespmem:s21+$0xFFFFFF50]  }
0xaf: {  	v17 =	vld [tilespmem:s20+$0xFFFFFF60]  }
0xb0: {  	v46 =	vld [tilespmem:s21+$0xFFFFFF60]  }
0xb1: {  	v48 =	vld [tilespmem:s20+$0xFFFFFF70]  }
0xb2: {  	v51 =	vld [tilespmem:s21+$0xFFFFFF70]  }
0xb3: {  	v52 =	vld [tilespmem:s20+$0xFFFFFF80]  }
0xb4: {  	v54 =	vld [tilespmem:s21+$0xFFFFFF80];
	v7 =	vunpack.i.u.bf16.f32 v4  }
0xb5: {  	v57 =	vld [tilespmem:s20+$0xFFFFFF90];
	v4 =	vunpack.i.l.bf16.f32 v4;
	v9 =	vunpack.i.u.bf16.f32 v5;
	v5 =	vunpack.i.l.bf16.f32 v5  }
0xb6: {  	v59 =	vld [tilespmem:s21+$0xFFFFFF90];
	v12 =	vunpack.i.u.bf16.f32 v8;
	v8 =	vunpack.i.l.bf16.f32 v8;
	v37 =	vunpack.i.u.bf16.f32 v10  }
0xb7: {  	v61 =	vld [tilespmem:s20+$0xFFFFFFA0];
	v10 =	vunpack.i.l.bf16.f32 v10;
	v14 =	vunpack.i.u.bf16.f32 v35;
	v39 =	vunpack.i.u.bf16.f32 v36  }
0xb8: {  	v63 =	vld [tilespmem:s21+$0xFFFFFFA0];
	v16 =	vunpack.i.u.bf16.f32 v11;
	v11 =	vunpack.i.l.bf16.f32 v11;
	v41 =	vunpack.i.u.bf16.f32 v13  }
0xb9: {  	v19 =	vld [tilespmem:s20+$0xFFFFFFB0];
	v13 =	vunpack.i.l.bf16.f32 v13;
	v42 =	vunpack.i.u.bf16.f32 v38;
	v43 =	vunpack.i.u.bf16.f32 v15  }
0xba: {  	v25 =	vld [tilespmem:s21+$0xFFFFFFB0];
	v15 =	vunpack.i.l.bf16.f32 v15;
	v44 =	vunpack.i.u.bf16.f32 v40;
	v53 =	vunpack.i.u.bf16.f32 v17  }
0xbb: {  	v55 =	vunpack.i.l.bf16.f32 v17;
	v56 =	vunpack.i.u.bf16.f32 v46;
	v58 =	vunpack.i.u.bf16.f32 v48  }
0xbc: {  	v60 =	vunpack.i.u.bf16.f32 v51;
	v62 =	vunpack.i.u.bf16.f32 v52;
	v18 =	vunpack.i.u.bf16.f32 v54  }
0xbd: {  	v22 =	vunpack.i.u.bf16.f32 v57;
	v23 =	vunpack.i.u.bf16.f32 v59;
	v24 =	vunpack.i.u.bf16.f32 v61  }
0xbe: {  	v6 =	vld [tilespmem:s20+$0xFFFFFF10];
	v17 =	vunpack.i.l.bf16.f32 v61;
	v20 =	vunpack.i.u.bf16.f32 v63;
	v30 =	vunpack.i.u.bf16.f32 v19  }
0xbf: {  	v21 =	vld [tilespmem:s20+$0xFFFFFFC0];
	v31 =	vunpack.i.l.bf16.f32 v19;
	v32 =	vunpack.i.u.bf16.f32 v25;
	v4 =	vmul.f32 v5, v4  }
0xc0: {  	v27 =	vld [tilespmem:s21+$0xFFFFFFC0];
	v5 =	vmul.f32 v9, v7;
	v7 =	vunpack.i.l.bf16.f32 v35;
	v9 =	vunpack.i.l.bf16.f32 v36  }
0xc1: {  	v33 =	vunpack.i.l.bf16.f32 v25;
	v7 =	vmul.f32 v7, v10;
	v9 =	vmul.f32 v11, v9  }
0xc2: {  	v10 =	vmul.f32 v16, v39;
	v11 =	vmul.f32 v42, v41;
	v16 =	vunpack.i.l.bf16.f32 v63  }
0xc3: {  	v4 =	vadd.f32 v4, v5;
	v5 =	vunpack.i.u.bf16.f32 v6;
	v6 =	vunpack.i.l.bf16.f32 v6  }
0xc4: {  	v35 =	vunpack.i.u.bf16.f32 v21;
	v26 =	vmul.f32 v16, v17;
	v6 =	vmul.f32 v8, v6  }
0xc5: {  	v34 =	vld [tilespmem:s20+$0xFFFFFFD0];
	v16 =	vunpack.i.l.bf16.f32 v27;
	v5 =	vmul.f32 v12, v5;
	v8 =	vmul.f32 v14, v37  }
0xc6: {  	v12 =	vunpack.i.l.bf16.f32 v38;
	v14 =	vunpack.i.l.bf16.f32 v40;
	v47 =	vadd.f32 v9, v10  }
0xc7: {  	v36 =	vld [tilespmem:s21+$0xFFFFFFD0];
	v9 =	vunpack.i.l.bf16.f32 v48;
	v37 =	vunpack.i.l.bf16.f32 v21;
	v12 =	vmul.f32 v12, v13  }
0xc8: {  	v38 =	vunpack.i.u.bf16.f32 v27;
	v45 =	vmul.f32 v14, v15;
	v13 =	vmul.f32 v44, v43  }
0xc9: {  	v14 =	vunpack.i.l.bf16.f32 v46;
	v15 =	vunpack.i.l.bf16.f32 v57;
	v16 =	vmul.f32 v16, v37  }
0xca: {  	v43 =	vunpack.i.u.bf16.f32 v34;
	v5 =	vadd.f32 v6, v5;
	v7 =	vadd.f32 v7, v8  }
0xcb: {  	v39 =	vld [tilespmem:s20+$0xFFFFFFE0];
	v10 =	vmul.f32 v14, v55;
	v8 =	vunpack.i.l.bf16.f32 v54;
	v14 =	vunpack.i.l.bf16.f32 v59  }
0xcc: {  	v41 =	vld [tilespmem:s20+$0xFFFFFFF0];
	v46 =	vunpack.i.u.bf16.f32 v36;
	v49 =	vadd.f32 v12, v11;
	v50 =	vadd.f32 v45, v13  }
0xcd: {  	v40 =	vld [tilespmem:s21+$0xFFFFFFE0];
	v12 =	vunpack.i.l.bf16.f32 v51;
	v11 =	vmul.f32 v60, v58;
	v13 =	vunpack.i.l.bf16.f32 v52  }
0xce: {  	v14 =	vmul.f32 v14, v15;
	v15 =	vmul.f32 v20, v24;
	v45 =	vunpack.i.l.bf16.f32 v34  }
0xcf: {  	v6 =	vadd.f32 v5, v4;
	v5 =	vadd.f32 v47, v7;
	v7 =	vmul.f32 v56, v53  }
0xd0: {  	v48 =	vunpack.i.u.bf16.f32 v39;
	v9 =	vmul.f32 v12, v9;
	v8 =	vmul.f32 v8, v13  }
0xd1: {  	v25 =	vld [tilespmem:s20+$0x30];
	v12 =	vmul.f32 v18, v62;
	v13 =	vmul.f32 v23, v22;
	v53 =	vunpack.i.u.bf16.f32 v41  }
0xd2: {  	v44 =	vld [tilespmem:s21+$0xFFFFFFF0];
	v4 =	vadd.f32 v50, v49;
	v50 =	vunpack.i.l.bf16.f32 v39;
	v51 =	vunpack.i.u.bf16.f32 v40  }
0xd3: {  	v54 =	vld [tilespmem:s21+$0x10];
	v18 =	vunpack.i.l.bf16.f32 v40;
	v7 =	vadd.f32 v10, v7;
	v9 =	vadd.f32 v9, v11  }
0xd4: {  	v37 =	vld [tilespmem:s20+$0x50];
	v28 =	vadd.f32 v8, v12;
	v29 =	vadd.f32 v14, v13;
	v13 =	vmul.f32 v33, v31  }
0xd5: {  	v52 =	vld [tilespmem:s20+$0x10];
	v10 =	vadd.f32 v26, v15;
	v8 =	vmul.f32 v32, v30;
	v14 =	vmul.f32 v38, v35  }
0xd6: {  	v60 =	vld [tilespmem:s21+$0x20];
	v15 =	vunpack.i.l.bf16.f32 v36;
	v12 =	vmul.f32 v46, v43;
	v18 =	vmul.f32 v18, v50  }
0xd7: {  	v34 =	vld [tilespmem:s21+$0x40];
	v11 =	vunpack.i.l.bf16.f32 v41;
	v22 =	vunpack.i.u.bf16.f32 v44;
	v33 =	vunpack.i.u.bf16.f32 v25  }
0xd8: {  	v47 =	vld [tilespmem:s20+$0x0];
	v35 =	vunpack.i.l.bf16.f32 v25;
	v55 =	vmul.f32 v22, v53;
	v24 =	vunpack.i.u.bf16.f32 v54  }
0xd9: {  	v23 =	vld [tilespmem:s20+$0x20];
	v20 =	vunpack.i.l.bf16.f32 v54;
	v13 =	vadd.f32 v13, v8;
	v8 =	vadd.f32 v9, v7  }
0xda: {  	v62 =	vld [tilespmem:s21+$0x30];
	v7 =	vadd.f32 v29, v28;
	v42 =	vadd.f32 v16, v14;
	v14 =	vmul.f32 v15, v45  }
0xdb: {  	v49 =	vld [tilespmem:s21+$0x0];
	v15 =	vmul.f32 v51, v48;
	v59 =	vunpack.i.u.bf16.f32 v52;
	v21 =	vunpack.i.l.bf16.f32 v52  }
0xdc: {  	v30 =	vunpack.i.u.bf16.f32 v60;
	v31 =	vunpack.i.l.bf16.f32 v60;
	v45 =	vunpack.i.u.bf16.f32 v34  }
0xdd: {  	v27 =	vld [tilespmem:s20+$0x90];
	v56 =	vunpack.i.u.bf16.f32 v47;
	v17 =	vunpack.i.l.bf16.f32 v47;
	v61 =	vmul.f32 v20, v21  }
0xde: {  	v39 =	vld [tilespmem:s20+$0x60];
	v19 =	vmul.f32 v24, v59;
	v28 =	vunpack.i.u.bf16.f32 v23;
	v29 =	vunpack.i.l.bf16.f32 v23  }
0xdf: {  	v32 =	vld [tilespmem:s20+$0x40];
	v36 =	vunpack.i.u.bf16.f32 v62;
	v20 =	vunpack.i.l.bf16.f32 v62;
	v47 =	vunpack.i.u.bf16.f32 v37  }
0xe0: {  	v38 =	vld [tilespmem:s21+$0x50];
	v9 =	vadd.f32 v13, v10;
	v13 =	vunpack.i.l.bf16.f32 v44;
	v57 =	vunpack.i.u.bf16.f32 v49  }
0xe1: {  	v43 =	vld [tilespmem:s21+$0x60];
	v16 =	vunpack.i.l.bf16.f32 v49;
	v12 =	vadd.f32 v14, v12;
	v15 =	vadd.f32 v18, v15  }
0xe2: {  	v46 =	vld [tilespmem:s20+$0x70];
	v20 =	vmul.f32 v20, v35;
	v18 =	vmul.f32 v36, v33;
	v49 =	vunpack.i.l.bf16.f32 v37  }
0xe3: {  	v51 =	vunpack.i.u.bf16.f32 v39;
	v11 =	vmul.f32 v13, v11;
	v16 =	vmul.f32 v16, v17  }
0xe4: {  	v58 =	vmul.f32 v57, v56;
	v14 =	vadd.f32 v61, v19;
	v17 =	vmul.f32 v31, v29  }
0xe5: {  	v53 =	vld [tilespmem:s20+$0x80];
	v44 =	vunpack.i.l.bf16.f32 v32;
	v19 =	vunpack.i.l.bf16.f32 v34;
	v50 =	vunpack.i.u.bf16.f32 v38  }
0xe6: {  	v48 =	vld [tilespmem:s21+$0x70];
	v22 =	vunpack.i.l.bf16.f32 v38;
	v13 =	vunpack.i.l.bf16.f32 v39;
	v52 =	vunpack.i.u.bf16.f32 v43  }
0xe7: {  	v21 =	vunpack.i.l.bf16.f32 v46;
	v31 =	vunpack.i.l.bf16.f32 v27;
	v10 =	vadd.f32 v12, v42  }
0xe8: {  	v41 =	vadd.f32 v20, v18;
	v18 =	vmul.f32 v19, v44;
	v22 =	vmul.f32 v22, v49  }
0xe9: {  	v59 =	vld [tilespmem:s21+$0x90];
	v42 =	vunpack.i.u.bf16.f32 v32;
	v19 =	vmul.f32 v50, v47;
	v54 =	vmul.f32 v52, v51  }
0xea: {  	v62 =	vunpack.i.u.bf16.f32 v53;
	v11 =	vadd.f32 v11, v55;
	v63 =	vadd.f32 v16, v58  }
0xeb: {  	v33 =	vld [tilespmem:s20+$0xB0];
	v16 =	vmul.f32 v30, v28;
	v55 =	vunpack.i.u.bf16.f32 v46;
	v26 =	vunpack.i.u.bf16.f32 v48  }
0xec: {  	v35 =	vld [tilespmem:s21+$0xB0];
	v20 =	vunpack.i.l.bf16.f32 v48;
	v28 =	vunpack.i.l.bf16.f32 v53;
	v30 =	vunpack.i.u.bf16.f32 v27  }
0xed: {  	v56 =	vld [tilespmem:s21+$0x80];
	v57 =	vmul.f32 v20, v21;
	v58 =	vmul.f32 v26, v55;
	v60 =	vadd.f32 v22, v19  }
0xee: {  	v61 =	vld [tilespmem:s20+$0xA0];
	v32 =	vunpack.i.u.bf16.f32 v59;
	v21 =	vunpack.i.l.bf16.f32 v59;
	v12 =	vadd.f32 v11, v15  }
0xef: {  	v39 =	vld [tilespmem:s21+$0xC0];
	v11 =	vadd.f32 v14, v63;
	v40 =	vadd.f32 v17, v16;
	v16 =	vmul.f32 v45, v42  }
0xf0: {  	v17 =	vunpack.i.l.bf16.f32 v43;
	v21 =	vmul.f32 v21, v31;
	v23 =	vmul.f32 v32, v30  }
0xf1: {  	v42 =	vunpack.i.u.bf16.f32 v33;
	v44 =	vunpack.i.l.bf16.f32 v33;
	v45 =	vunpack.i.u.bf16.f32 v35  }
0xf2: {  	v52 =	vld [tilespmem:s21+$0xF0];
	v25 =	vunpack.i.l.bf16.f32 v35;
	v13 =	vmul.f32 v17, v13;
	v15 =	vadd.f32 v57, v58  }
0xf3: {  	v46 =	vld [tilespmem:s20+$0xE0];
	v29 =	vunpack.i.u.bf16.f32 v56;
	v24 =	vunpack.i.l.bf16.f32 v56;
	v34 =	vunpack.i.u.bf16.f32 v61  }
0xf4: {  	v48 =	vld [tilespmem:s21+$0xE0];
	v19 =	vunpack.i.l.bf16.f32 v61;
	v50 =	vunpack.i.u.bf16.f32 v39;
	v61 =	vperm.xlane v6, v0  }
0xf5: {  	v14 =	vadd.f32 v41, v40;
	v16 =	vadd.f32 v18, v16;
	v22 =	vmul.f32 v24, v28  }
0xf6: {  	v17 =	vmul.f32 v29, v62;
	v21 =	vadd.f32 v21, v23;
	v23 =	vmul.f32 v25, v44  }
0xf7: {  	v63 =	vld [tilespmem:s21+$0xA0];
	v58 =	vunpack.i.u.bf16.f32 v52;
	v31 =	vperm.xlane v12, v0;
	v32 =	vperm.xlane v11, v0  }
0xf8: {  	v43 =	vld [tilespmem:s21+$0xD0];
	v13 =	vadd.f32 v13, v54;
	v54 =	vunpack.i.u.bf16.f32 v46;
	v26 =	vunpack.i.l.bf16.f32 v46  }
0xf9: {  	v55 =	vunpack.i.u.bf16.f32 v48;
	v25 =	vunpack.i.l.bf16.f32 v48;
	v6 =	vadd.f32 v61, v6  }
0xfa: {  	v16 =	vadd.f32 v60, v16;
	v25 =	vmul.f32 v25, v26;
	v56 =	vmul.f32 v55, v54  }
0xfb: {  	v28 =	vld [tilespmem:s20+$0xC0];
	v40 =	vadd.f32 v22, v17;
	v26 =	vperm.xlane v7, v0;
	v33 =	vperm.xlane v14, v0  }
0xfc: {  	v41 =	vld [tilespmem:s20+$0xD0];
	v36 =	vunpack.i.u.bf16.f32 v63;
	v20 =	vunpack.i.l.bf16.f32 v63;
	v13 =	vadd.f32 v15, v13  }
0xfd: {  	v29 =	vld [tilespmem:s20+$0xF0];
	v30 =	vunpack.i.u.bf16.f32 v43;
	v63 =	vperm.xlane v5, v0;
	v37 =	vmul.f32 v20, v19  }
0xfe: {  	v22 =	vunpack.i.l.bf16.f32 v43;
	v38 =	vmul.f32 v36, v34;
	v19 =	vmul.f32 v45, v42  }
0xff: {  	v20 =	vunpack.i.l.bf16.f32 v39;
	v60 =	vadd.f32 v25, v56;
	v15 =	vadd.f32 v21, v40  }
0x100: {  	v25 =	vperm.xlane v8, v0;
	v34 =	vperm.xlane v16, v0;
	v35 =	vadd.f32 v33, v14  }
0x101: {  	v47 =	vunpack.i.u.bf16.f32 v28;
	v49 =	vunpack.i.l.bf16.f32 v28;
	v51 =	vunpack.i.u.bf16.f32 v41  }
0x102: {  	v17 =	vunpack.i.l.bf16.f32 v41;
	v57 =	vunpack.i.u.bf16.f32 v29;
	v29 =	vunpack.i.l.bf16.f32 v29  }
0x103: {  	v28 =	vunpack.i.l.bf16.f32 v52;
	v5 =	vadd.f32 v63, v5;
	v36 =	vperm.xlane v13, v0  }
0x104: {  	v18 =	vadd.f32 v37, v38;
	v20 =	vmul.f32 v20, v49;
	v24 =	vmul.f32 v50, v47  }
0x105: {  	v17 =	vmul.f32 v22, v17;
	v53 =	vmul.f32 v30, v51;
	v19 =	vadd.f32 v23, v19  }
0x106: {  	v59 =	vmul.f32 v28, v29;
	v27 =	vmul.f32 v58, v57;
	v8 =	vadd.f32 v25, v8  }
0x107: {  	v28 =	vadd.f32 v26, v7;
	v7 =	vadd.f32 v32, v11;
	v37 =	vperm.xlane v15, v0  }
0x108: {  	v5 =	vsel vm0, v6, v5;
	v20 =	vadd.f32 v20, v24;
	v17 =	vadd.f32 v17, v53  }
0x109: {  	v23 =	vadd.f32 v59, v27;
	v18 =	vadd.f32 v19, v18;
	v24 =	vperm.xlane v4, v0  }
0x10a: {  	v27 =	vperm.xlane v9, v0;
	v41 =	vadd.f32 v37, v15;
	v7 =	vsel vm0, v7, v35  }
0x10b: {  	v45 =	vperm.xlane v5, v1;
	v17 =	vadd.f32 v17, v20;
	v62 =	vadd.f32 v23, v60  }
0x10c: {  	v50 =	vperm.xlane v7, v1;
	v4 =	vadd.f32 v24, v4;
	v29 =	vadd.f32 v27, v9  }
0x10d: {  	v30 =	vperm.xlane v10, v0;
	v9 =	vadd.f32 v31, v12;
	v12 =	vadd.f32 v36, v13  }
0x10e: {  	v38 =	vperm.xlane v18, v0;
	v5 =	vadd.f32 v45, v5;
	v7 =	vadd.f32 v50, v7  }
0x10f: {  	v4 =	vsel vm0, v4, v8;
	v6 =	vsel vm0, v28, v29;
	v8 =	vadd.f32 v30, v10  }
0x110: {  	v10 =	vadd.f32 v34, v16;
	v39 =	vperm.xlane v17, v0;
	v40 =	vperm.xlane v62, v0  }
0x111: {  	v42 =	vadd.f32 v38, v18;
	v46 =	vperm.xlane v4, v1;
	v47 =	vperm.xlane v6, v1  }
0x112: {  	v8 =	vsel vm0, v8, v9;
	v43 =	vadd.f32 v39, v17;
	v44 =	vadd.f32 v40, v62  }
0x113: {  	v10 =	vsel vm0, v10, v12;
	v9 =	vsel vm0, v41, v42;
	v4 =	vadd.f32 v46, v4  }
0x114: {  	v52 =	vld [tilespmem:s19+$0x0];
	v48 =	vperm.xlane v8, v1;
	v51 =	vperm.xlane v10, v1;
	v11 =	vsel vm0, v43, v44  }
0x115: {  	v49 =	vld [tilespmem:s22+$0x0];
	v6 =	vadd.f32 v47, v6;
	v53 =	vperm.xlane v9, v1;
	v54 =	vperm.xlane v11, v1  }
0x116: {  	v8 =	vadd.f32 v48, v8;
	v10 =	vadd.f32 v51, v10  }
0x117: {  	v9 =	vadd.f32 v53, v9;
	v4 =	vsel vm1, v5, v4;
	v11 =	vadd.f32 v54, v11  }
0x118: {  	v57 =	vperm.xlane v4, v2;
	v5 =	vsel vm1, v6, v8  }
0x119: {  	v55 =	vsel vm1, v7, v10;
	v58 =	vperm.xlane v5, v2;
	v56 =	vsel vm1, v9, v11  }
0x11a: {  	v10 =	vperm.xlane v55, v2;
	v11 =	vperm.xlane v56, v2  }
0x11b: {  	v4 =	vadd.f32 v57, v4;
	v5 =	vadd.f32 v58, v5  }
0x11c: {  	v60 =	vld.idx.msk [tilespmem:v52+s14+$0x0], $0xffff;
	v6 =	vadd.f32 v10, v55;
	v7 =	vadd.f32 v11, v56  }
0x11d: {  	v59 =	vld.idx.msk [tilespmem:v49+s12+$0x0], $0xffff  }
0x11e: {  	v4 =	vsel vm2, v4, v5;
	v5 =	vsel vm2, v6, v7  }
0x11f: {  	v61 =	vperm.xlane v4, v3;
	v7 =	vperm.xlane v5, v3;
	_ =	sdelay $0x1  }
0x120: {  	v62 =	vld.idx.msk [tilespmem:v52+s13+$0x0], $0xffff;
	v4 =	vadd.f32 v61, v4;
	v5 =	vadd.f32 v7, v5  }
0x121: {  	s23 =	sadd.s32 $0x1, s23;
	v63 =	vmul.f32 v60, v59  }
0x122: {  	p0 =	sne.s32 s23, $0x20;
	v4 =	vsel vm3, v4, v5  }
.Ltmp3:
0x123: {  	v4 =	vadd.f32 v63, v4;
	(pc) =	sbr.rel @!p0 .LBB2_22-.Ltmp3, $4  }
0x124: {  	_ = 	snop  }
0x125: {  	v4 =	vadd.f32 v4, v62  }
0x126: {  	s21 =	sadd.s32 $0x200, s21;
	s20 =	sadd.s32 $0x200, s20  }
0x127: {  	s19 =	sadd.s32 $0x10, s19;
	s22 =	sadd.s32 $0x10, s22;
	[tilespmem:s28+$0x0] =	vst v4;
	s28 =	sadd.s32 $0x10, s28  }
.LBB2_2:
0x128: {  	p0 =	sgt.s32 s23, $0xF  }
.Ltmp4:
0x129: {  	_ = 	snop;
	(pc) =	sbr.rel @p0 .LBB2_10-.Ltmp4, $1  }
0x12a: {  	_ =	sdelay $0x3  }
0x12b: {  	p0 =	sgt.s32 s23, $0x7  }
.Ltmp5:
0x12c: {  	_ = 	snop;
	(pc) =	sbr.rel @p0 .LBB2_7-.Ltmp5, $1  }
0x12d: {  	_ =	sdelay $0x3  }
0x12e: {  	p0 =	seq.s32 s23, $0x0  }
.Ltmp6:
0x12f: {  	_ = 	snop;
	(pc) =	sbr.rel @p0 .LBB2_20-.Ltmp6, $2  }
0x130: {  	_ =	sdelay $0x2  }
0x131: {  	s24 =	simm.s32 $0x3  }
0x132: {  	p0 =	seq.s32 s23, $0x4  }
.Ltmp7:
0x133: {  	_ = 	snop;
	(pc) =	sbr.rel @!p0 .LBB2_21-.Ltmp7, $1  }
0x134: {  	_ =	sdelay $0x3  }
.Ltmp8:
0x135: {  	(pc) =	sbr.rel .LBB2_20-.Ltmp8, $2  }
0x136: {  	_ =	sdelay $0x2  }
0x137: {  	s24 =	simm.s32 $0x4  }
.LBB2_10:
0x138: {  	p0 =	sgt.s32 s23, $0x17  }
.Ltmp9:
0x139: {  	_ = 	snop;
	(pc) =	sbr.rel @p0 .LBB2_14-.Ltmp9, $1  }
0x13a: {  	_ =	sdelay $0x3  }
0x13b: {  	p0 =	seq.s32 s23, $0x10  }
.Ltmp10:
0x13c: {  	_ = 	snop;
	(pc) =	sbr.rel @p0 .LBB2_18-.Ltmp10, $1  }
0x13d: {  	_ =	sdelay $0x3  }
0x13e: {  	p0 =	seq.s32 s23, $0x14  }
.Ltmp11:
0x13f: {  	_ = 	snop;
	(pc) =	sbr.rel @!p0 .LBB2_21-.Ltmp11, $1  }
0x140: {  	_ =	sdelay $0x3  }
.Ltmp12:
0x141: {  	(pc) =	sbr.rel .LBB2_20-.Ltmp12, $2  }
0x142: {  	_ =	sdelay $0x2  }
0x143: {  	s24 =	simm.s32 $0x8  }
.LBB2_7:
0x144: {  	p0 =	seq.s32 s23, $0x8  }
.Ltmp13:
0x145: {  	_ = 	snop;
	(pc) =	sbr.rel @p0 .LBB2_17-.Ltmp13, $1  }
0x146: {  	_ =	sdelay $0x3  }
0x147: {  	p0 =	seq.s32 s23, $0xC  }
.Ltmp14:
0x148: {  	_ = 	snop;
	(pc) =	sbr.rel @!p0 .LBB2_21-.Ltmp14, $1  }
0x149: {  	_ =	sdelay $0x3  }
.Ltmp15:
0x14a: {  	(pc) =	sbr.rel .LBB2_20-.Ltmp15, $2  }
0x14b: {  	_ =	sdelay $0x2  }
0x14c: {  	s24 =	simm.s32 $0x6  }
.LBB2_14:
0x14d: {  	p0 =	seq.s32 s23, $0x18  }
.Ltmp16:
0x14e: {  	_ = 	snop;
	(pc) =	sbr.rel @p0 .LBB2_19-.Ltmp16, $1  }
0x14f: {  	_ =	sdelay $0x3  }
0x150: {  	p0 =	seq.s32 s23, $0x1C  }
.Ltmp17:
0x151: {  	_ = 	snop;
	(pc) =	sbr.rel @!p0 .LBB2_21-.Ltmp17, $1  }
0x152: {  	_ =	sdelay $0x3  }
.Ltmp18:
0x153: {  	(pc) =	sbr.rel .LBB2_20-.Ltmp18, $2  }
0x154: {  	_ =	sdelay $0x2  }
0x155: {  	s24 =	simm.s32 $0xA  }
.LBB2_18:
.Ltmp19:
0x156: {  	(pc) =	sbr.rel .LBB2_20-.Ltmp19, $2  }
0x157: {  	_ =	sdelay $0x2  }
0x158: {  	s24 =	simm.s32 $0x7  }
.LBB2_17:
.Ltmp20:
0x159: {  	(pc) =	sbr.rel .LBB2_20-.Ltmp20, $2  }
0x15a: {  	_ =	sdelay $0x2  }
0x15b: {  	s24 =	simm.s32 $0x5  }
.LBB2_23:
0x15c: {  	_ =	sfence.sel $0x180000  }
0x15d: {  	[bflag:$0x0] =	sbarrier.arrive $0xFFFF  }
0x15e: {  	_ =	strace $0x90000047  }
0x15f: {  	s0 =	stileid.u32;
	[bflag:$0x2] =	sbarrier.arrive $0xFFFF  }
0x160: {  	p0 =	sne.s32 s0, $0x0;
	s0 =	rddreg [dreg:$0x6]  }
0x161: {  	s0 =	sadd.s32 @!p0 $0x100000, s0  }
0x162: {  	[sflag:s0] =	ssyncadd.tile.s32 @!p0 $0x1;
	_ =	shalt  }
.Lfunc_end2:
_tile_overlayer_lowered:
.L_overlay_start_2:
0x163: {  	(tag) =	ssettag $0x2  }
0x164: {  	s0 =	rddreg [dreg:$0x0];
	s2 =	stileid.u32  }
0x165: {  	s1 =	rddreg [dreg:$0x1];
	p0 =	sne.s32 s2, $0x0  }
0x166: {  	s3 =	rddreg [dreg:$0x2];
	[bflag:$0x3] =	sbarrier.arrive $0xFFFF;
	s2 =	simm.s32 @!p0 $0x1C0B  }
0x167: {  	[timem:s3], [sflag:s2] =	dma.local @!p0 [hbm:s0], s1  }
0x168: {  	s0 =	simm.s32 @!p0 $0xB  }
0x169: {  	_ =	swait.ge @!p0 [sflag:s0], s1  }
0x16a: {  	s1 =	ssub.s32 @!p0 $0x0, s1;
	[sflag:s0] =	ssyncset.done @!p0 $0x0  }
0x16b: {  	[sflag:s0] =	ssyncadd.s32 @!p0 s1  }
0x16c: {  	[bflag:$0x3] =	sbarrier.arrive $0xFFFF  }
0x16d: {  	_ =	shalt  }

</sc_bundles>
